<compile_context>
chip_gen: v7x
topology: tpu7x:2x2x1
jax: 0.10.2.dev20260603
libtpu: 0.0.44.dev20260713+nightly
codegen_flags: <defaults>
</compile_context>

<pallas_src>
import functools

import jax
import jax.numpy as jnp
from jax import lax
from jax.experimental import pallas as pl
from jax.experimental.pallas import tpu as pltpu
from jax.experimental.pallas import tpu_sc as plsc

T = 16384
S = 16384
WMAX = 16
HID = 150
STOP = 6553
NEG = -1e10



def _attns_body(st, w1, b1, w2, b2, w3, b3, out):
    h = jnp.dot(st[...], w1[...], preferred_element_type=jnp.float32) + b1[...]
    h = jnp.maximum(h, 0.0).astype(jnp.bfloat16)
    h2 = lax.dot_general(h, w2[...], (((1,), (0,)), ((), ())),
                         preferred_element_type=jnp.float32) + b2[...]
    h2 = jnp.maximum(h2, 0.0).astype(jnp.bfloat16)
    out[...] = lax.dot_general(h2, w3[...], (((1,), (0,)), ((), ())),
                               preferred_element_type=jnp.float32) + b3[...]


def _attns_mlp(states, w1, b1, w2, b2, w3, b3):
    MB = 2048
    return pl.pallas_call(
        _attns_body,
        out_shape=jax.ShapeDtypeStruct((T, 1), jnp.float32),
        grid=(T // MB,),
        in_specs=[
            pl.BlockSpec((MB, 256), lambda i: (i, 0)),
            pl.BlockSpec((256, HID), lambda i: (0, 0)),
            pl.BlockSpec((1, HID), lambda i: (0, 0)),
            pl.BlockSpec((HID, HID), lambda i: (0, 0)),
            pl.BlockSpec((1, HID), lambda i: (0, 0)),
            pl.BlockSpec((HID, 1), lambda i: (0, 0)),
            pl.BlockSpec((1, 1), lambda i: (0, 0)),
        ],
        out_specs=pl.BlockSpec((MB, 1), lambda i: (i, 0)),
    )(states, w1, b1.reshape(1, HID), w2, b2.reshape(1, HID),
      w3.astype(jnp.bfloat16), b3.reshape(1, 1))



BS = 512


def _rows(ref, start, n):
    sa = jnp.minimum((start // 8) * 8, T - 32)
    sa = pl.multiple_of(sa, 8)
    off = start - sa
    blk = ref[pl.ds(sa, 32), :]
    blk = pltpu.roll(blk, -off, 0)
    return blk[0:n]


def _span_body(starts_s, widths_s, states, embeds, attns, dist, gout):
    offs = lax.broadcasted_iota(jnp.int32, (WMAX, 1), 0)

    def per_group(i8, carry):
        base = pl.multiple_of(i8 * 8, 8)
        rows = []
        for j in range(8):
            s = starts_s[0, 0, i8 * 8 + j]
            wd = widths_s[0, 0, i8 * 8 + j] + 1
            e = s + wd - 1
            att = _rows(attns, s, WMAX)
            m = offs < wd
            pa = jnp.where(m, att, NEG)
            mx = jnp.max(pa)
            ex = jnp.exp(pa - mx)
            t = ex[0:8] + ex[8:16]
            t = t[0:4] + t[4:8]
            t = t[0:2] + t[2:4]
            tot = t[0:1] + t[1:2]
            wgt = ex / tot[0, 0]
            emb = _rows(embeds, s, WMAX)
            prod = (emb * m.astype(jnp.float32)) * wgt
            p = prod[0:8] + prod[8:16]
            p = p[0:4] + p[4:8]
            p = p[0:2] + p[2:4]
            p = p[0:1] + p[1:2]
            b = ((wd >= 1).astype(jnp.int32) + (wd >= 2).astype(jnp.int32)
                 + (wd >= 3).astype(jnp.int32) + (wd >= 4).astype(jnp.int32)
                 + (wd >= 5).astype(jnp.int32) + (wd >= 8).astype(jnp.int32)
                 + (wd >= 16).astype(jnp.int32) + (wd >= 32).astype(jnp.int32)
                 + (wd >= 64).astype(jnp.int32))
            dr = pltpu.roll(dist[0:8, :], -b, 0)[0:1]
            rows.append(jnp.concatenate(
                [_rows(states, s, 1), _rows(states, e, 1), p, dr], axis=1))
        gout[pl.ds(base, 8), :] = jnp.concatenate(rows, axis=0)
        return carry

    lax.fori_loop(0, BS // 8, per_group, 0)


def _span_kernel(span_starts, span_widths, states, embeds, attns, dist_table):
    NB = S // BS
    starts3 = span_starts.reshape(NB, 1, BS)
    widths3 = span_widths.reshape(NB, 1, BS)
    return pl.pallas_call(
        _span_body,
        out_shape=jax.ShapeDtypeStruct((S, 788), jnp.float32),
        grid=(NB,),
        in_specs=[
            pl.BlockSpec((1, 1, BS), lambda i: (i, 0, 0), memory_space=pltpu.SMEM),
            pl.BlockSpec((1, 1, BS), lambda i: (i, 0, 0), memory_space=pltpu.SMEM),
            pl.BlockSpec((T, 256), lambda i: (0, 0)),
            pl.BlockSpec((T, 256), lambda i: (0, 0)),
            pl.BlockSpec((T, 1), lambda i: (0, 0)),
            pl.BlockSpec((16, 20), lambda i: (0, 0)),
        ],
        out_specs=pl.BlockSpec((BS, 788), lambda i: (i, 0)),
    )(starts3, widths3, states, embeds, attns,
      jnp.pad(dist_table, ((0, 6), (0, 0))))



SC_CH = 128


def _sc_gather(embeds, attn_win, states, pos, se_idx, sa_idx, e_idx):
    NW = 32
    n_rows = S * WMAX // NW
    n_se = 2 * S // NW
    n_sa = S // NW
    mesh = plsc.VectorSubcoreMesh(core_axis_name="c", subcore_axis_name="s")

    @functools.partial(
        pl.kernel, mesh=mesh,
        out_type=[jax.ShapeDtypeStruct((S * WMAX, 256), jnp.float32),
                  jax.ShapeDtypeStruct((S, 128), jnp.float32),
                  jax.ShapeDtypeStruct((S, 256), jnp.float32),
                  jax.ShapeDtypeStruct((S, 256), jnp.float32)],
        scratch_types=[pltpu.VMEM((S * WMAX // 32,), jnp.int32),
                       pltpu.VMEM((S // 32,), jnp.int32),
                       pltpu.VMEM((S // 32,), jnp.int32),
                       pltpu.VMEM((SC_CH, 128), jnp.float32),
                       pltpu.VMEM((SC_CH, 256), jnp.float32),
                       pltpu.VMEM((SC_CH, 256), jnp.float32),
                       pltpu.SemaphoreType.DMA,
                       pltpu.SemaphoreType.DMA],
    )
    def k(emb_hbm, win_hbm, st_hbm, pos_hbm, sa_hbm, e_hbm,
          rows_out, satt_out, sst_out, sen_out,
          pos_v, sa_v, e_v, buf_a, buf, buf2, sem, sem2):
        wid = lax.axis_index("s") * 2 + lax.axis_index("c")
        pltpu.sync_copy(pos_hbm.at[pl.ds(wid * n_rows, n_rows)], pos_v)
        pltpu.sync_copy(sa_hbm.at[pl.ds(wid * n_sa, n_sa)], sa_v)
        pltpu.sync_copy(e_hbm.at[pl.ds(wid * n_sa, n_sa)], e_v)

        def body_a(i, c):
            off = wid * n_sa + i * SC_CH
            pltpu.async_copy(win_hbm.at[sa_v.at[pl.ds(i * SC_CH, SC_CH)]],
                             buf_a, sem).wait()
            pltpu.sync_copy(buf_a, satt_out.at[pl.ds(off, SC_CH)])
            return c

        lax.fori_loop(0, n_sa // SC_CH, body_a, 0)

        def body_r(i, c):
            offa = wid * n_rows + (2 * i) * SC_CH
            offb = wid * n_rows + (2 * i + 1) * SC_CH
            ha = pltpu.async_copy(
                emb_hbm.at[pos_v.at[pl.ds((2 * i) * SC_CH, SC_CH)]], buf, sem)
            hb = pltpu.async_copy(
                emb_hbm.at[pos_v.at[pl.ds((2 * i + 1) * SC_CH, SC_CH)]],
                buf2, sem2)
            ha.wait()
            pltpu.sync_copy(buf, rows_out.at[pl.ds(offa, SC_CH)])
            hb.wait()
            pltpu.sync_copy(buf2, rows_out.at[pl.ds(offb, SC_CH)])
            return c

        lax.fori_loop(0, n_rows // SC_CH // 2, body_r, 0)

        def body_s(i, c):
            off = wid * n_sa + i * SC_CH
            pltpu.async_copy(st_hbm.at[sa_v.at[pl.ds(i * SC_CH, SC_CH)]],
                             buf, sem).wait()
            pltpu.sync_copy(buf, sst_out.at[pl.ds(off, SC_CH)])
            return c

        lax.fori_loop(0, n_sa // SC_CH, body_s, 0)

        def body_e(i, c):
            off = wid * n_sa + i * SC_CH
            pltpu.async_copy(st_hbm.at[e_v.at[pl.ds(i * SC_CH, SC_CH)]],
                             buf, sem).wait()
            pltpu.sync_copy(buf, sen_out.at[pl.ds(off, SC_CH)])
            return c

        lax.fori_loop(0, n_sa // SC_CH, body_e, 0)

    return k(embeds, attn_win, states, pos, sa_idx, e_idx)



PB = 256


def _pool_body(rows, satt, widths, dist, pout, dout):
    w1 = widths[...] + 1
    lane = lax.broadcasted_iota(jnp.int32, (PB, WMAX), 1)
    mask = lane < w1
    at = satt[:, 0:WMAX]
    pa = jnp.where(mask, at, NEG)
    mx = jnp.max(pa, axis=1, keepdims=True)
    ex = jnp.exp(pa - mx)
    t = ex[:, 0:8] + ex[:, 8:16]
    t = t[:, 0:4] + t[:, 4:8]
    t = t[:, 0:2] + t[:, 2:4]
    tot = t[:, 0:1] + t[:, 1:2]
    wgt = ex / tot
    emb = rows[...]
    mw = mask.astype(jnp.float32) * wgt
    prod = emb * mw[:, :, None]
    p = prod[:, 0:8] + prod[:, 8:16]
    p = p[:, 0:4] + p[:, 4:8]
    p = p[:, 0:2] + p[:, 2:4]
    p = (p[:, 0:1] + p[:, 1:2]).reshape(PB, 256)
    b = ((w1 >= 1).astype(jnp.int32) + (w1 >= 2).astype(jnp.int32)
         + (w1 >= 3).astype(jnp.int32) + (w1 >= 4).astype(jnp.int32)
         + (w1 >= 5).astype(jnp.int32) + (w1 >= 8).astype(jnp.int32)
         + (w1 >= 16).astype(jnp.int32) + (w1 >= 32).astype(jnp.int32)
         + (w1 >= 64).astype(jnp.int32))
    dr = jnp.broadcast_to(dist[1:2, :], (PB, 20))
    for bi in range(2, 8):
        dr = jnp.where(b == bi, jnp.broadcast_to(dist[bi:bi + 1, :], (PB, 20)), dr)
    pout[...] = p
    dout[...] = dr


def _pool(rows3, satt2, widths2, dist_pad):
    return pl.pallas_call(
        _pool_body,
        out_shape=[jax.ShapeDtypeStruct((S, 256), jnp.float32),
                   jax.ShapeDtypeStruct((S, 20), jnp.float32)],
        grid=(S // PB,),
        in_specs=[
            pl.BlockSpec((PB, WMAX, 256), lambda i: (i, 0, 0)),
            pl.BlockSpec((PB, 128), lambda i: (i, 0)),
            pl.BlockSpec((PB, 1), lambda i: (i, 0)),
            pl.BlockSpec((16, 20), lambda i: (0, 0)),
        ],
        out_specs=[pl.BlockSpec((PB, 256), lambda i: (i, 0)),
                   pl.BlockSpec((PB, 20), lambda i: (i, 0))],
    )(rows3, satt2, widths2, dist_pad)




def _ment23_body(h1r, w2, b2, w3, b3, out):
    h1 = h1r[...].astype(jnp.bfloat16)
    h2 = lax.dot_general(h1, w2[...], (((1,), (0,)), ((), ())),
                         preferred_element_type=jnp.float32) + b2[...]
    h2 = jnp.maximum(h2, 0.0).astype(jnp.bfloat16)
    out[...] = lax.dot_general(h2, w3[...], (((1,), (0,)), ((), ())),
                               preferred_element_type=jnp.float32) + b3[...]


def _ment23(h1, w2, b2, w3, b3):
    MB = 2048
    return pl.pallas_call(
        _ment23_body,
        out_shape=jax.ShapeDtypeStruct((S, 1), jnp.float32),
        grid=(S // MB,),
        in_specs=[
            pl.BlockSpec((MB, HID), lambda i: (i, 0)),
            pl.BlockSpec((HID, HID), lambda i: (0, 0)),
            pl.BlockSpec((1, HID), lambda i: (0, 0)),
            pl.BlockSpec((HID, 1), lambda i: (0, 0)),
            pl.BlockSpec((1, 1), lambda i: (0, 0)),
        ],
        out_specs=pl.BlockSpec((MB, 1), lambda i: (i, 0)),
    )(h1, w2, b2.reshape(1, HID),
      w3.astype(jnp.bfloat16), b3.reshape(1, 1))



IB = 1024


def _totalorder(x_i32):
    return jnp.where(x_i32 < 0, jnp.int32(0x7FFFFFFF) ^ x_i32, x_i32)


def _rank_body(sc_col, sc_row, ranks):
    ki = _totalorder(lax.bitcast_convert_type(sc_col[...], jnp.int32))
    ib = pl.program_id(0)
    i_idx = lax.broadcasted_iota(jnp.int32, (IB, 1), 0) + ib * IB
    acc = jnp.zeros((IB, 1), jnp.int32)
    for jc in range(S // IB):
        kj = _totalorder(lax.bitcast_convert_type(
            sc_row[:, jc * IB:(jc + 1) * IB], jnp.int32))
        j_idx = lax.broadcasted_iota(jnp.int32, (1, IB), 1) + jc * IB
        gt = (kj > ki).astype(jnp.int32)
        eqb = ((kj == ki) & (j_idx < i_idx)).astype(jnp.int32)
        acc = acc + jnp.sum(gt + eqb, axis=1, keepdims=True)
    ranks[...] = acc


def _ranks(scores):
    sc_row = scores.reshape(1, S)
    return pl.pallas_call(
        _rank_body,
        out_shape=jax.ShapeDtypeStruct((S, 1), jnp.int32),
        grid=(S // IB,),
        in_specs=[
            pl.BlockSpec((IB, 1), lambda i: (i, 0)),
            pl.BlockSpec((1, S), lambda i: (0, 0)),
        ],
        out_specs=pl.BlockSpec((IB, 1), lambda i: (i, 0)),
    )(scores, sc_row)


def _select_body(ranks, out):
    rb = pl.program_id(0)
    r_vec = lax.broadcasted_iota(jnp.int32, (1, IB), 1) + rb * IB
    acc = jnp.zeros((1, IB), jnp.int32)
    for jc in range(S // IB):
        rk = ranks[pl.ds(jc * IB, IB), :]
        i_idx = lax.broadcasted_iota(jnp.int32, (IB, 1), 0) + jc * IB
        acc = acc + jnp.sum(jnp.where(rk == r_vec, i_idx, 0),
                            axis=0, keepdims=True)
    out[...] = acc


def _top_idx(ranks):
    NR = 7
    out = pl.pallas_call(
        _select_body,
        out_shape=jax.ShapeDtypeStruct((1, NR * IB), jnp.int32),
        grid=(NR,),
        in_specs=[pl.BlockSpec((S, 1), lambda i: (0, 0))],
        out_specs=pl.BlockSpec((1, IB), lambda i: (0, i)),
    )(ranks)
    return out.reshape(NR * IB)[:STOP]




def kernel(states, embeds, span_starts, span_widths,
           attn_w1, attn_b1, attn_w2, attn_b2, attn_w3, attn_b3,
           ment_w1, ment_b1, ment_w2, ment_b2, ment_w3, ment_b3,
           dist_table, k):
    attns = _attns_mlp(states, attn_w1, attn_b1, attn_w2, attn_b2,
                       attn_w3, attn_b3)
    offs = jnp.arange(WMAX, dtype=jnp.int32)
    pos = jnp.minimum(span_starts[:, None] + offs[None, :],
                      T - 1).reshape(S * WMAX)
    ends = span_starts + span_widths
    att_flat = jnp.pad(attns.reshape(T), (0, WMAX))
    attn_win = jnp.pad(
        jnp.stack([att_flat[j:T + j] for j in range(WMAX)], axis=1),
        ((0, 0), (0, 128 - WMAX)))
    rows_flat, satt, sst, sen = _sc_gather(embeds, attn_win, states,
                                           pos, None, span_starts, ends)
    pooled, drows = _pool(rows_flat.reshape(S, WMAX, 256), satt,
                          span_widths.reshape(S, 1),
                          jnp.pad(dist_table, ((0, 6), (0, 0))))
    g_i = jnp.concatenate([sst, sen, pooled, drows], axis=1)
    h1 = jax.nn.relu(g_i @ ment_w1 + ment_b1)
    scores = _ment23(h1, ment_w2, ment_b2, ment_w3, ment_b3)
    ranks = _ranks(scores)
    top_idx = _top_idx(ranks)
    return (g_i, scores, top_idx)

# --- scband reference (transcript-rebuilt; emitter-appended) ---
"""Pipeline reference for scband-mention-score-74036646249298 (READ-ONLY COPY).

The authoritative reference and input builder live on the scoring server;
editing this copy changes nothing except your own understanding.
"""

import jax, jax.numpy as jnp
import numpy as np

T = 16384
S = 16384
WMAX = 16
D_STATE = 256
D_EMB = 256
D_DIST = 20
HID = 150
GI = 2 * D_STATE + D_EMB + D_DIST  # 788
BINS = jnp.array([1, 2, 3, 4, 5, 8, 16, 32, 64])


def setup_inputs(seed: int = 0) -> dict:
    key = jax.random.key(seed)
    ks = jax.random.split(key, 20)
    inp = {}
    inp['states'] = jax.random.normal(ks[0], (T, D_STATE), dtype=jnp.float32)
    inp['embeds'] = jax.random.normal(ks[1], (T, D_EMB), dtype=jnp.float32)
    inp['span_starts'] = jnp.sort(jax.random.randint(ks[2], (S,), 0, T - WMAX, dtype=jnp.int32))
    inp['span_widths'] = jax.random.randint(ks[3], (S,), 0, WMAX, dtype=jnp.int32)
    # attention mlp params (lstm_out_dim -> 150 -> 150 -> 1)
    s1 = 1.0 / np.sqrt(D_STATE)
    s2 = 1.0 / np.sqrt(HID)
    inp['attn_w1'] = jax.random.uniform(ks[4], (D_STATE, HID), minval=-s1, maxval=s1, dtype=jnp.float32)
    inp['attn_b1'] = jnp.zeros((HID,), dtype=jnp.float32)
    inp['attn_w2'] = jax.random.uniform(ks[5], (HID, HID), minval=-s2, maxval=s2, dtype=jnp.float32)
    inp['attn_b2'] = jnp.zeros((HID,), dtype=jnp.float32)
    inp['attn_w3'] = jax.random.uniform(ks[6], (HID, 1), minval=-s2, maxval=s2, dtype=jnp.float32)
    inp['attn_b3'] = jnp.zeros((1,), dtype=jnp.float32)
    # mention score mlp params (gi_dim -> 150 -> 150 -> 1)
    s3 = 1.0 / np.sqrt(GI)
    inp['ment_w1'] = jax.random.uniform(ks[7], (GI, HID), minval=-s3, maxval=s3, dtype=jnp.float32)
    inp['ment_b1'] = jnp.zeros((HID,), dtype=jnp.float32)
    inp['ment_w2'] = jax.random.uniform(ks[8], (HID, HID), minval=-s2, maxval=s2, dtype=jnp.float32)
    inp['ment_b2'] = jnp.zeros((HID,), dtype=jnp.float32)
    inp['ment_w3'] = jax.random.uniform(ks[9], (HID, 1), minval=-s2, maxval=s2, dtype=jnp.float32)
    inp['ment_b3'] = jnp.zeros((1,), dtype=jnp.float32)
    # distance (width-bin) embedding table: len(bins)+1 = 10 rows
    inp['dist_table'] = jax.random.normal(ks[10], (10, D_DIST), dtype=jnp.float32)
    inp['k'] = 250
    return inp


def _mlp(x, w1, b1, w2, b2, w3, b3):
    h = jax.nn.relu(x @ w1 + b1)
    h = jax.nn.relu(h @ w2 + b2)
    return h @ w3 + b3


def reference(states, embeds, span_starts, span_widths,
              attn_w1, attn_b1, attn_w2, attn_b2, attn_w3, attn_b3,
              ment_w1, ment_b1, ment_w2, ment_b2, ment_w3, ment_b3,
              dist_table, k=250):
    # attns = self.attention(states)  [T, 1]
    attns = _mlp(states, attn_w1, attn_b1, attn_w2, attn_b2, attn_w3, attn_b3)
    widths = span_widths + 1                 # width in [1, WMAX]
    span_ends = span_starts + widths - 1
    # padded ragged gather of span tokens (pad_sequence analog)
    offs = jnp.arange(WMAX)
    pos = span_starts[:, None] + offs[None, :]          # [S, WMAX]
    mask = offs[None, :] < widths[:, None]              # [S, WMAX]
    pos_c = jnp.minimum(pos, T - 1)
    span_attns = jnp.take(attns, pos_c, axis=0)[..., 0]  # [S, WMAX]
    padded_attns = jnp.where(mask, span_attns, -1e10)
    span_embeds = jnp.take(embeds, pos_c, axis=0) * mask[..., None].astype(embeds.dtype)
    attn_weights = jax.nn.softmax(padded_attns, axis=1)  # [S, WMAX]
    attn_embeds = jnp.sum(span_embeds * attn_weights[..., None], axis=1)  # [S, D_EMB]
    # width bin embedding: bin = sum(width >= b for b in bins)
    bin_idx = jnp.sum(widths[:, None] >= BINS[None, :], axis=1)
    width_emb = jnp.take(dist_table, bin_idx, axis=0)    # [S, D_DIST]
    # start/end state concat
    start_end = jnp.concatenate([jnp.take(states, span_starts, axis=0),
                                 jnp.take(states, span_ends, axis=0)], axis=1)
    g_i = jnp.concatenate([start_end, attn_embeds, width_emb], axis=1)  # [S, GI]
    mention_scores = _mlp(g_i, ment_w1, ment_b1, ment_w2, ment_b2, ment_w3, ment_b3)  # [S, 1]
    # prune: keep top STOP = int(LAMBDA * T) spans by score (overlap removal is
    # Python-object bookkeeping in the original; top-k is the tensor core)
    STOP = int(0.4 * T)
    top_scores, top_idx = jax.lax.top_k(mention_scores[:, 0], STOP)
    return (g_i, mention_scores, top_idx)

if __name__ == "__main__":
    import jax
    _d = setup_inputs()
    print(jax.jit(kernel)(*tuple(_d.values())))

</pallas_src>

<mosaic_0001>
#map = affine_map<(d0, d1) -> (0, 0)>
#map1 = affine_map<(d0, d1) -> (0)>
module attributes {stable_mosaic.version = 14 : i64} {
  func.func @k(%arg0: i32, %arg1: i32, %arg2: memref<16384x256xf32, #tpu.memory_space<hbm>>, %arg3: memref<16384x128xf32, #tpu.memory_space<hbm>>, %arg4: memref<16384x256xf32, #tpu.memory_space<hbm>>, %arg5: memref<262144xi32, #tpu.memory_space<hbm>>, %arg6: memref<16384xi32, #tpu.memory_space<hbm>>, %arg7: memref<16384xi32, #tpu.memory_space<hbm>>, %arg8: memref<262144x256xf32, #tpu.memory_space<hbm>>, %arg9: memref<16384x128xf32, #tpu.memory_space<hbm>>, %arg10: memref<16384x256xf32, #tpu.memory_space<hbm>>, %arg11: memref<16384x256xf32, #tpu.memory_space<hbm>>, %arg12: memref<8192xi32, #tpu.memory_space<vmem>>, %arg13: memref<512xi32, #tpu.memory_space<vmem>>, %arg14: memref<512xi32, #tpu.memory_space<vmem>>, %arg15: memref<128x128xf32, #tpu.memory_space<vmem>>, %arg16: memref<128x256xf32, #tpu.memory_space<vmem>>, %arg17: memref<128x256xf32, #tpu.memory_space<vmem>>, %arg18: memref<!tpu.dma_semaphore, #tpu.memory_space<semaphore_mem>>, %arg19: memref<!tpu.dma_semaphore, #tpu.memory_space<semaphore_mem>>) attributes {dimension_semantics = [#tpu.dimension_semantics<core_parallel>, #tpu.dimension_semantics<subcore_parallel>], iteration_bounds = array<i64: 2, 16>, scalar_prefetch = 0 : i64, scratch_operands = 8 : i64, tpu.core_type = #tpu.core_type<sc_vector_subcore>, window_params = [{transform_indices = #map}, {transform_indices = #map}, {transform_indices = #map}, {transform_indices = #map1}, {transform_indices = #map1}, {transform_indices = #map1}, {transform_indices = #map}, {transform_indices = #map}, {transform_indices = #map}, {transform_indices = #map}]} {
    %mul3A = arith.constant 2 : i32
    %mul3A_0 = arith.muli %arg1, %mul3A : i32
    %add3A = arith.addi %mul3A_0, %arg0 : i32
    %mul3A_1 = arith.constant 8192 : i32
    %mul3A_2 = arith.muli %add3A, %mul3A_1 : i32
    "tpu.region"() ({
      %run_scoped3A = tpu.sem_alloc : memref<!tpu.dma_semaphore, #tpu.memory_space<semaphore_mem>>
      %dma_start3A = tpu.memref_slice %arg5[%mul3A_2] : memref<262144xi32, #tpu.memory_space<hbm>> -> memref<8192xi32, #tpu.memory_space<hbm>>
      %dma_start3A_30 = tpu.memref_slice %arg5[%mul3A_2] : memref<262144xi32, #tpu.memory_space<hbm>> -> memref<8192xi32, #tpu.memory_space<hbm>>
      tpu.enqueue_dma source(%dma_start3A_30 : memref<8192xi32, #tpu.memory_space<hbm>>) target(%arg12 : memref<8192xi32, #tpu.memory_space<vmem>>) target_semaphore(%run_scoped3A : memref<!tpu.dma_semaphore, #tpu.memory_space<semaphore_mem>>)
      %dma_wait3A = tpu.memref_slice %arg5[%mul3A_2] : memref<262144xi32, #tpu.memory_space<hbm>> -> memref<8192xi32, #tpu.memory_space<hbm>>
      %dma_wait3A_31 = tpu.memref_slice %arg5[%mul3A_2] : memref<262144xi32, #tpu.memory_space<hbm>> -> memref<8192xi32, #tpu.memory_space<hbm>>
      tpu.wait_dma2 semaphore(%run_scoped3A : memref<!tpu.dma_semaphore, #tpu.memory_space<semaphore_mem>>) src(%dma_wait3A_31 : memref<8192xi32, #tpu.memory_space<hbm>>) dst(%arg12 : memref<8192xi32, #tpu.memory_space<vmem>>)
      tpu.yield
    }) : () -> ()
    %mul3A_3 = arith.constant 512 : i32
    %mul3A_4 = arith.muli %add3A, %mul3A_3 : i32
    "tpu.region"() ({
      %run_scoped3A = tpu.sem_alloc : memref<!tpu.dma_semaphore, #tpu.memory_space<semaphore_mem>>
      %dma_start3A = tpu.memref_slice %arg6[%mul3A_4] : memref<16384xi32, #tpu.memory_space<hbm>> -> memref<512xi32, #tpu.memory_space<hbm>>
      %dma_start3A_30 = tpu.memref_slice %arg6[%mul3A_4] : memref<16384xi32, #tpu.memory_space<hbm>> -> memref<512xi32, #tpu.memory_space<hbm>>
      tpu.enqueue_dma source(%dma_start3A_30 : memref<512xi32, #tpu.memory_space<hbm>>) target(%arg13 : memref<512xi32, #tpu.memory_space<vmem>>) target_semaphore(%run_scoped3A : memref<!tpu.dma_semaphore, #tpu.memory_space<semaphore_mem>>)
      %dma_wait3A = tpu.memref_slice %arg6[%mul3A_4] : memref<16384xi32, #tpu.memory_space<hbm>> -> memref<512xi32, #tpu.memory_space<hbm>>
      %dma_wait3A_31 = tpu.memref_slice %arg6[%mul3A_4] : memref<16384xi32, #tpu.memory_space<hbm>> -> memref<512xi32, #tpu.memory_space<hbm>>
      tpu.wait_dma2 semaphore(%run_scoped3A : memref<!tpu.dma_semaphore, #tpu.memory_space<semaphore_mem>>) src(%dma_wait3A_31 : memref<512xi32, #tpu.memory_space<hbm>>) dst(%arg13 : memref<512xi32, #tpu.memory_space<vmem>>)
      tpu.yield
    }) : () -> ()
    %mul3A_5 = arith.constant 512 : i32
    %mul3A_6 = arith.muli %add3A, %mul3A_5 : i32
    "tpu.region"() ({
      %run_scoped3A = tpu.sem_alloc : memref<!tpu.dma_semaphore, #tpu.memory_space<semaphore_mem>>
      %dma_start3A = tpu.memref_slice %arg7[%mul3A_6] : memref<16384xi32, #tpu.memory_space<hbm>> -> memref<512xi32, #tpu.memory_space<hbm>>
      %dma_start3A_30 = tpu.memref_slice %arg7[%mul3A_6] : memref<16384xi32, #tpu.memory_space<hbm>> -> memref<512xi32, #tpu.memory_space<hbm>>
      tpu.enqueue_dma source(%dma_start3A_30 : memref<512xi32, #tpu.memory_space<hbm>>) target(%arg14 : memref<512xi32, #tpu.memory_space<vmem>>) target_semaphore(%run_scoped3A : memref<!tpu.dma_semaphore, #tpu.memory_space<semaphore_mem>>)
      %dma_wait3A = tpu.memref_slice %arg7[%mul3A_6] : memref<16384xi32, #tpu.memory_space<hbm>> -> memref<512xi32, #tpu.memory_space<hbm>>
      %dma_wait3A_31 = tpu.memref_slice %arg7[%mul3A_6] : memref<16384xi32, #tpu.memory_space<hbm>> -> memref<512xi32, #tpu.memory_space<hbm>>
      tpu.wait_dma2 semaphore(%run_scoped3A : memref<!tpu.dma_semaphore, #tpu.memory_space<semaphore_mem>>) src(%dma_wait3A_31 : memref<512xi32, #tpu.memory_space<hbm>>) dst(%arg14 : memref<512xi32, #tpu.memory_space<vmem>>)
      tpu.yield
    }) : () -> ()
    %scan3A = arith.constant 0 : i32
    %scan3A_7 = arith.constant 0 : i32
    %scan3A_8 = arith.constant 4 : i32
    %scan3A_9 = arith.addi %scan3A_7, %scan3A_8 : i32
    %scan3A_10 = arith.constant 1 : i32
    scf.for %scan3A_30 = %scan3A_7 to %scan3A_9 step %scan3A_10  : i32 {
      %mul3A_31 = arith.constant 512 : i32
      %mul3A_32 = arith.muli %add3A, %mul3A_31 : i32
      %mul3A_33 = arith.constant 128 : i32
      %mul3A_34 = arith.muli %scan3A_30, %mul3A_33 : i32
      %add3A_35 = arith.addi %mul3A_32, %mul3A_34 : i32
      %mul3A_36 = arith.constant 128 : i32
      %mul3A_37 = arith.muli %scan3A_30, %mul3A_36 : i32
      %dma_start3A = tpu.memref_slice %arg13[%mul3A_37] : memref<512xi32, #tpu.memory_space<vmem>> -> memref<128xi32, #tpu.memory_space<vmem>>
      %dma_start3A_38 = arith.constant 0 : i32
      %dma_start3A_39 = arith.constant 0 : i32
      %dma_start3A_40 = tpu.memref_slice %arg3[%dma_start3A_38, %dma_start3A_39] : memref<16384x128xf32, #tpu.memory_space<hbm>> -> memref<16384x128xf32, #tpu.memory_space<hbm>>
      tpu.enqueue_indirect_dma source(%dma_start3A_40 : memref<16384x128xf32, #tpu.memory_space<hbm>>) target(%arg15 : memref<128x128xf32, #tpu.memory_space<vmem>>) offsets(%dma_start3A : memref<128xi32, #tpu.memory_space<vmem>>) semaphore(%arg18 : memref<!tpu.dma_semaphore, #tpu.memory_space<semaphore_mem>>)
      %dma_wait3A = tpu.memref_slice %arg13[%mul3A_37] : memref<512xi32, #tpu.memory_space<vmem>> -> memref<128xi32, #tpu.memory_space<vmem>>
      %dma_wait3A_41 = arith.constant 0 : i32
      %dma_wait3A_42 = arith.constant 0 : i32
      %dma_wait3A_43 = tpu.memref_slice %arg3[%dma_wait3A_41, %dma_wait3A_42] : memref<16384x128xf32, #tpu.memory_space<hbm>> -> memref<16384x128xf32, #tpu.memory_space<hbm>>
      tpu.wait_indirect_dma semaphore(%arg18 : memref<!tpu.dma_semaphore, #tpu.memory_space<semaphore_mem>>) src(%dma_wait3A_43 : memref<16384x128xf32, #tpu.memory_space<hbm>>) dst(%arg15 : memref<128x128xf32, #tpu.memory_space<vmem>>)
      "tpu.region"() ({
        %run_scoped3A = tpu.sem_alloc : memref<!tpu.dma_semaphore, #tpu.memory_space<semaphore_mem>>
        %dma_start3A_44 = arith.constant 0 : i32
        %dma_start3A_45 = tpu.memref_slice %arg9[%add3A_35, %dma_start3A_44] : memref<16384x128xf32, #tpu.memory_space<hbm>> -> memref<128x128xf32, #tpu.memory_space<hbm>>
        %dma_start3A_46 = arith.constant 0 : i32
        %dma_start3A_47 = tpu.memref_slice %arg9[%add3A_35, %dma_start3A_46] : memref<16384x128xf32, #tpu.memory_space<hbm>> -> memref<128x128xf32, #tpu.memory_space<hbm>>
        tpu.enqueue_dma source(%arg15 : memref<128x128xf32, #tpu.memory_space<vmem>>) target(%dma_start3A_47 : memref<128x128xf32, #tpu.memory_space<hbm>>) target_semaphore(%run_scoped3A : memref<!tpu.dma_semaphore, #tpu.memory_space<semaphore_mem>>)
        %dma_wait3A_48 = arith.constant 0 : i32
        %dma_wait3A_49 = tpu.memref_slice %arg9[%add3A_35, %dma_wait3A_48] : memref<16384x128xf32, #tpu.memory_space<hbm>> -> memref<128x128xf32, #tpu.memory_space<hbm>>
        %dma_wait3A_50 = arith.constant 0 : i32
        %dma_wait3A_51 = tpu.memref_slice %arg9[%add3A_35, %dma_wait3A_50] : memref<16384x128xf32, #tpu.memory_space<hbm>> -> memref<128x128xf32, #tpu.memory_space<hbm>>
        tpu.wait_dma2 semaphore(%run_scoped3A : memref<!tpu.dma_semaphore, #tpu.memory_space<semaphore_mem>>) src(%arg15 : memref<128x128xf32, #tpu.memory_space<vmem>>) dst(%dma_wait3A_51 : memref<128x128xf32, #tpu.memory_space<hbm>>)
        tpu.yield
      }) : () -> ()
    }
    %scan3A_11 = arith.constant 4 : i32
    %scan3A_12 = arith.constant 0 : i32
    %scan3A_13 = arith.constant 0 : i32
    %scan3A_14 = arith.constant 32 : i32
    %scan3A_15 = arith.addi %scan3A_13, %scan3A_14 : i32
    %scan3A_16 = arith.constant 1 : i32
    scf.for %scan3A_30 = %scan3A_13 to %scan3A_15 step %scan3A_16  : i32 {
      %mul3A_31 = arith.constant 8192 : i32
      %mul3A_32 = arith.muli %add3A, %mul3A_31 : i32
      %mul3A_33 = arith.constant 2 : i32
      %mul3A_34 = arith.muli %mul3A_33, %scan3A_30 : i32
      %mul3A_35 = arith.constant 128 : i32
      %mul3A_36 = arith.muli %mul3A_34, %mul3A_35 : i32
      %add3A_37 = arith.addi %mul3A_32, %mul3A_36 : i32
      %mul3A_38 = arith.constant 8192 : i32
      %mul3A_39 = arith.muli %add3A, %mul3A_38 : i32
      %mul3A_40 = arith.constant 2 : i32
      %mul3A_41 = arith.muli %mul3A_40, %scan3A_30 : i32
      %add3A_42 = arith.constant 1 : i32
      %add3A_43 = arith.addi %mul3A_41, %add3A_42 : i32
      %mul3A_44 = arith.constant 128 : i32
      %mul3A_45 = arith.muli %add3A_43, %mul3A_44 : i32
      %add3A_46 = arith.addi %mul3A_39, %mul3A_45 : i32
      %mul3A_47 = arith.constant 2 : i32
      %mul3A_48 = arith.muli %mul3A_47, %scan3A_30 : i32
      %mul3A_49 = arith.constant 128 : i32
      %mul3A_50 = arith.muli %mul3A_48, %mul3A_49 : i32
      %dma_start3A = tpu.memref_slice %arg12[%mul3A_50] : memref<8192xi32, #tpu.memory_space<vmem>> -> memref<128xi32, #tpu.memory_space<vmem>>
      %dma_start3A_51 = arith.constant 0 : i32
      %dma_start3A_52 = arith.constant 0 : i32
      %dma_start3A_53 = tpu.memref_slice %arg2[%dma_start3A_51, %dma_start3A_52] : memref<16384x256xf32, #tpu.memory_space<hbm>> -> memref<16384x256xf32, #tpu.memory_space<hbm>>
      tpu.enqueue_indirect_dma source(%dma_start3A_53 : memref<16384x256xf32, #tpu.memory_space<hbm>>) target(%arg16 : memref<128x256xf32, #tpu.memory_space<vmem>>) offsets(%dma_start3A : memref<128xi32, #tpu.memory_space<vmem>>) semaphore(%arg18 : memref<!tpu.dma_semaphore, #tpu.memory_space<semaphore_mem>>)
      %mul3A_54 = arith.constant 2 : i32
      %mul3A_55 = arith.muli %mul3A_54, %scan3A_30 : i32
      %add3A_56 = arith.constant 1 : i32
      %add3A_57 = arith.addi %mul3A_55, %add3A_56 : i32
      %mul3A_58 = arith.constant 128 : i32
      %mul3A_59 = arith.muli %add3A_57, %mul3A_58 : i32
      %dma_start3A_60 = tpu.memref_slice %arg12[%mul3A_59] : memref<8192xi32, #tpu.memory_space<vmem>> -> memref<128xi32, #tpu.memory_space<vmem>>
      %dma_start3A_61 = arith.constant 0 : i32
      %dma_start3A_62 = arith.constant 0 : i32
      %dma_start3A_63 = tpu.memref_slice %arg2[%dma_start3A_61, %dma_start3A_62] : memref<16384x256xf32, #tpu.memory_space<hbm>> -> memref<16384x256xf32, #tpu.memory_space<hbm>>
      tpu.enqueue_indirect_dma source(%dma_start3A_63 : memref<16384x256xf32, #tpu.memory_space<hbm>>) target(%arg17 : memref<128x256xf32, #tpu.memory_space<vmem>>) offsets(%dma_start3A_60 : memref<128xi32, #tpu.memory_space<vmem>>) semaphore(%arg19 : memref<!tpu.dma_semaphore, #tpu.memory_space<semaphore_mem>>)
      %dma_wait3A = tpu.memref_slice %arg12[%mul3A_50] : memref<8192xi32, #tpu.memory_space<vmem>> -> memref<128xi32, #tpu.memory_space<vmem>>
      %dma_wait3A_64 = arith.constant 0 : i32
      %dma_wait3A_65 = arith.constant 0 : i32
      %dma_wait3A_66 = tpu.memref_slice %arg2[%dma_wait3A_64, %dma_wait3A_65] : memref<16384x256xf32, #tpu.memory_space<hbm>> -> memref<16384x256xf32, #tpu.memory_space<hbm>>
      tpu.wait_indirect_dma semaphore(%arg18 : memref<!tpu.dma_semaphore, #tpu.memory_space<semaphore_mem>>) src(%dma_wait3A_66 : memref<16384x256xf32, #tpu.memory_space<hbm>>) dst(%arg16 : memref<128x256xf32, #tpu.memory_space<vmem>>)
      "tpu.region"() ({
        %run_scoped3A = tpu.sem_alloc : memref<!tpu.dma_semaphore, #tpu.memory_space<semaphore_mem>>
        %dma_start3A_71 = arith.constant 0 : i32
        %dma_start3A_72 = tpu.memref_slice %arg8[%add3A_37, %dma_start3A_71] : memref<262144x256xf32, #tpu.memory_space<hbm>> -> memref<128x256xf32, #tpu.memory_space<hbm>>
        %dma_start3A_73 = arith.constant 0 : i32
        %dma_start3A_74 = tpu.memref_slice %arg8[%add3A_37, %dma_start3A_73] : memref<262144x256xf32, #tpu.memory_space<hbm>> -> memref<128x256xf32, #tpu.memory_space<hbm>>
        tpu.enqueue_dma source(%arg16 : memref<128x256xf32, #tpu.memory_space<vmem>>) target(%dma_start3A_74 : memref<128x256xf32, #tpu.memory_space<hbm>>) target_semaphore(%run_scoped3A : memref<!tpu.dma_semaphore, #tpu.memory_space<semaphore_mem>>)
        %dma_wait3A_75 = arith.constant 0 : i32
        %dma_wait3A_76 = tpu.memref_slice %arg8[%add3A_37, %dma_wait3A_75] : memref<262144x256xf32, #tpu.memory_space<hbm>> -> memref<128x256xf32, #tpu.memory_space<hbm>>
        %dma_wait3A_77 = arith.constant 0 : i32
        %dma_wait3A_78 = tpu.memref_slice %arg8[%add3A_37, %dma_wait3A_77] : memref<262144x256xf32, #tpu.memory_space<hbm>> -> memref<128x256xf32, #tpu.memory_space<hbm>>
        tpu.wait_dma2 semaphore(%run_scoped3A : memref<!tpu.dma_semaphore, #tpu.memory_space<semaphore_mem>>) src(%arg16 : memref<128x256xf32, #tpu.memory_space<vmem>>) dst(%dma_wait3A_78 : memref<128x256xf32, #tpu.memory_space<hbm>>)
        tpu.yield
      }) : () -> ()
      %dma_wait3A_67 = tpu.memref_slice %arg12[%mul3A_59] : memref<8192xi32, #tpu.memory_space<vmem>> -> memref<128xi32, #tpu.memory_space<vmem>>
      %dma_wait3A_68 = arith.constant 0 : i32
      %dma_wait3A_69 = arith.constant 0 : i32
      %dma_wait3A_70 = tpu.memref_slice %arg2[%dma_wait3A_68, %dma_wait3A_69] : memref<16384x256xf32, #tpu.memory_space<hbm>> -> memref<16384x256xf32, #tpu.memory_space<hbm>>
      tpu.wait_indirect_dma semaphore(%arg19 : memref<!tpu.dma_semaphore, #tpu.memory_space<semaphore_mem>>) src(%dma_wait3A_70 : memref<16384x256xf32, #tpu.memory_space<hbm>>) dst(%arg17 : memref<128x256xf32, #tpu.memory_space<vmem>>)
      "tpu.region"() ({
        %run_scoped3A = tpu.sem_alloc : memref<!tpu.dma_semaphore, #tpu.memory_space<semaphore_mem>>
        %dma_start3A_71 = arith.constant 0 : i32
        %dma_start3A_72 = tpu.memref_slice %arg8[%add3A_46, %dma_start3A_71] : memref<262144x256xf32, #tpu.memory_space<hbm>> -> memref<128x256xf32, #tpu.memory_space<hbm>>
        %dma_start3A_73 = arith.constant 0 : i32
        %dma_start3A_74 = tpu.memref_slice %arg8[%add3A_46, %dma_start3A_73] : memref<262144x256xf32, #tpu.memory_space<hbm>> -> memref<128x256xf32, #tpu.memory_space<hbm>>
        tpu.enqueue_dma source(%arg17 : memref<128x256xf32, #tpu.memory_space<vmem>>) target(%dma_start3A_74 : memref<128x256xf32, #tpu.memory_space<hbm>>) target_semaphore(%run_scoped3A : memref<!tpu.dma_semaphore, #tpu.memory_space<semaphore_mem>>)
        %dma_wait3A_75 = arith.constant 0 : i32
        %dma_wait3A_76 = tpu.memref_slice %arg8[%add3A_46, %dma_wait3A_75] : memref<262144x256xf32, #tpu.memory_space<hbm>> -> memref<128x256xf32, #tpu.memory_space<hbm>>
        %dma_wait3A_77 = arith.constant 0 : i32
        %dma_wait3A_78 = tpu.memref_slice %arg8[%add3A_46, %dma_wait3A_77] : memref<262144x256xf32, #tpu.memory_space<hbm>> -> memref<128x256xf32, #tpu.memory_space<hbm>>
        tpu.wait_dma2 semaphore(%run_scoped3A : memref<!tpu.dma_semaphore, #tpu.memory_space<semaphore_mem>>) src(%arg17 : memref<128x256xf32, #tpu.memory_space<vmem>>) dst(%dma_wait3A_78 : memref<128x256xf32, #tpu.memory_space<hbm>>)
        tpu.yield
      }) : () -> ()
    }
    %scan3A_17 = arith.constant 32 : i32
    %scan3A_18 = arith.constant 0 : i32
    %scan3A_19 = arith.constant 0 : i32
    %scan3A_20 = arith.constant 4 : i32
    %scan3A_21 = arith.addi %scan3A_19, %scan3A_20 : i32
    %scan3A_22 = arith.constant 1 : i32
    scf.for %scan3A_30 = %scan3A_19 to %scan3A_21 step %scan3A_22  : i32 {
      %mul3A_31 = arith.constant 512 : i32
      %mul3A_32 = arith.muli %add3A, %mul3A_31 : i32
      %mul3A_33 = arith.constant 128 : i32
      %mul3A_34 = arith.muli %scan3A_30, %mul3A_33 : i32
      %add3A_35 = arith.addi %mul3A_32, %mul3A_34 : i32
      %mul3A_36 = arith.constant 128 : i32
      %mul3A_37 = arith.muli %scan3A_30, %mul3A_36 : i32
      %dma_start3A = tpu.memref_slice %arg13[%mul3A_37] : memref<512xi32, #tpu.memory_space<vmem>> -> memref<128xi32, #tpu.memory_space<vmem>>
      %dma_start3A_38 = arith.constant 0 : i32
      %dma_start3A_39 = arith.constant 0 : i32
      %dma_start3A_40 = tpu.memref_slice %arg4[%dma_start3A_38, %dma_start3A_39] : memref<16384x256xf32, #tpu.memory_space<hbm>> -> memref<16384x256xf32, #tpu.memory_space<hbm>>
      tpu.enqueue_indirect_dma source(%dma_start3A_40 : memref<16384x256xf32, #tpu.memory_space<hbm>>) target(%arg16 : memref<128x256xf32, #tpu.memory_space<vmem>>) offsets(%dma_start3A : memref<128xi32, #tpu.memory_space<vmem>>) semaphore(%arg18 : memref<!tpu.dma_semaphore, #tpu.memory_space<semaphore_mem>>)
      %dma_wait3A = tpu.memref_slice %arg13[%mul3A_37] : memref<512xi32, #tpu.memory_space<vmem>> -> memref<128xi32, #tpu.memory_space<vmem>>
      %dma_wait3A_41 = arith.constant 0 : i32
      %dma_wait3A_42 = arith.constant 0 : i32
      %dma_wait3A_43 = tpu.memref_slice %arg4[%dma_wait3A_41, %dma_wait3A_42] : memref<16384x256xf32, #tpu.memory_space<hbm>> -> memref<16384x256xf32, #tpu.memory_space<hbm>>
      tpu.wait_indirect_dma semaphore(%arg18 : memref<!tpu.dma_semaphore, #tpu.memory_space<semaphore_mem>>) src(%dma_wait3A_43 : memref<16384x256xf32, #tpu.memory_space<hbm>>) dst(%arg16 : memref<128x256xf32, #tpu.memory_space<vmem>>)
      "tpu.region"() ({
        %run_scoped3A = tpu.sem_alloc : memref<!tpu.dma_semaphore, #tpu.memory_space<semaphore_mem>>
        %dma_start3A_44 = arith.constant 0 : i32
        %dma_start3A_45 = tpu.memref_slice %arg10[%add3A_35, %dma_start3A_44] : memref<16384x256xf32, #tpu.memory_space<hbm>> -> memref<128x256xf32, #tpu.memory_space<hbm>>
        %dma_start3A_46 = arith.constant 0 : i32
        %dma_start3A_47 = tpu.memref_slice %arg10[%add3A_35, %dma_start3A_46] : memref<16384x256xf32, #tpu.memory_space<hbm>> -> memref<128x256xf32, #tpu.memory_space<hbm>>
        tpu.enqueue_dma source(%arg16 : memref<128x256xf32, #tpu.memory_space<vmem>>) target(%dma_start3A_47 : memref<128x256xf32, #tpu.memory_space<hbm>>) target_semaphore(%run_scoped3A : memref<!tpu.dma_semaphore, #tpu.memory_space<semaphore_mem>>)
        %dma_wait3A_48 = arith.constant 0 : i32
        %dma_wait3A_49 = tpu.memref_slice %arg10[%add3A_35, %dma_wait3A_48] : memref<16384x256xf32, #tpu.memory_space<hbm>> -> memref<128x256xf32, #tpu.memory_space<hbm>>
        %dma_wait3A_50 = arith.constant 0 : i32
        %dma_wait3A_51 = tpu.memref_slice %arg10[%add3A_35, %dma_wait3A_50] : memref<16384x256xf32, #tpu.memory_space<hbm>> -> memref<128x256xf32, #tpu.memory_space<hbm>>
        tpu.wait_dma2 semaphore(%run_scoped3A : memref<!tpu.dma_semaphore, #tpu.memory_space<semaphore_mem>>) src(%arg16 : memref<128x256xf32, #tpu.memory_space<vmem>>) dst(%dma_wait3A_51 : memref<128x256xf32, #tpu.memory_space<hbm>>)
        tpu.yield
      }) : () -> ()
    }
    %scan3A_23 = arith.constant 4 : i32
    %scan3A_24 = arith.constant 0 : i32
    %scan3A_25 = arith.constant 0 : i32
    %scan3A_26 = arith.constant 4 : i32
    %scan3A_27 = arith.addi %scan3A_25, %scan3A_26 : i32
    %scan3A_28 = arith.constant 1 : i32
    scf.for %scan3A_30 = %scan3A_25 to %scan3A_27 step %scan3A_28  : i32 {
      %mul3A_31 = arith.constant 512 : i32
      %mul3A_32 = arith.muli %add3A, %mul3A_31 : i32
      %mul3A_33 = arith.constant 128 : i32
      %mul3A_34 = arith.muli %scan3A_30, %mul3A_33 : i32
      %add3A_35 = arith.addi %mul3A_32, %mul3A_34 : i32
      %mul3A_36 = arith.constant 128 : i32
      %mul3A_37 = arith.muli %scan3A_30, %mul3A_36 : i32
      %dma_start3A = tpu.memref_slice %arg14[%mul3A_37] : memref<512xi32, #tpu.memory_space<vmem>> -> memref<128xi32, #tpu.memory_space<vmem>>
      %dma_start3A_38 = arith.constant 0 : i32
      %dma_start3A_39 = arith.constant 0 : i32
      %dma_start3A_40 = tpu.memref_slice %arg4[%dma_start3A_38, %dma_start3A_39] : memref<16384x256xf32, #tpu.memory_space<hbm>> -> memref<16384x256xf32, #tpu.memory_space<hbm>>
      tpu.enqueue_indirect_dma source(%dma_start3A_40 : memref<16384x256xf32, #tpu.memory_space<hbm>>) target(%arg16 : memref<128x256xf32, #tpu.memory_space<vmem>>) offsets(%dma_start3A : memref<128xi32, #tpu.memory_space<vmem>>) semaphore(%arg18 : memref<!tpu.dma_semaphore, #tpu.memory_space<semaphore_mem>>)
      %dma_wait3A = tpu.memref_slice %arg14[%mul3A_37] : memref<512xi32, #tpu.memory_space<vmem>> -> memref<128xi32, #tpu.memory_space<vmem>>
      %dma_wait3A_41 = arith.constant 0 : i32
      %dma_wait3A_42 = arith.constant 0 : i32
      %dma_wait3A_43 = tpu.memref_slice %arg4[%dma_wait3A_41, %dma_wait3A_42] : memref<16384x256xf32, #tpu.memory_space<hbm>> -> memref<16384x256xf32, #tpu.memory_space<hbm>>
      tpu.wait_indirect_dma semaphore(%arg18 : memref<!tpu.dma_semaphore, #tpu.memory_space<semaphore_mem>>) src(%dma_wait3A_43 : memref<16384x256xf32, #tpu.memory_space<hbm>>) dst(%arg16 : memref<128x256xf32, #tpu.memory_space<vmem>>)
      "tpu.region"() ({
        %run_scoped3A = tpu.sem_alloc : memref<!tpu.dma_semaphore, #tpu.memory_space<semaphore_mem>>
        %dma_start3A_44 = arith.constant 0 : i32
        %dma_start3A_45 = tpu.memref_slice %arg11[%add3A_35, %dma_start3A_44] : memref<16384x256xf32, #tpu.memory_space<hbm>> -> memref<128x256xf32, #tpu.memory_space<hbm>>
        %dma_start3A_46 = arith.constant 0 : i32
        %dma_start3A_47 = tpu.memref_slice %arg11[%add3A_35, %dma_start3A_46] : memref<16384x256xf32, #tpu.memory_space<hbm>> -> memref<128x256xf32, #tpu.memory_space<hbm>>
        tpu.enqueue_dma source(%arg16 : memref<128x256xf32, #tpu.memory_space<vmem>>) target(%dma_start3A_47 : memref<128x256xf32, #tpu.memory_space<hbm>>) target_semaphore(%run_scoped3A : memref<!tpu.dma_semaphore, #tpu.memory_space<semaphore_mem>>)
        %dma_wait3A_48 = arith.constant 0 : i32
        %dma_wait3A_49 = tpu.memref_slice %arg11[%add3A_35, %dma_wait3A_48] : memref<16384x256xf32, #tpu.memory_space<hbm>> -> memref<128x256xf32, #tpu.memory_space<hbm>>
        %dma_wait3A_50 = arith.constant 0 : i32
        %dma_wait3A_51 = tpu.memref_slice %arg11[%add3A_35, %dma_wait3A_50] : memref<16384x256xf32, #tpu.memory_space<hbm>> -> memref<128x256xf32, #tpu.memory_space<hbm>>
        tpu.wait_dma2 semaphore(%run_scoped3A : memref<!tpu.dma_semaphore, #tpu.memory_space<semaphore_mem>>) src(%arg16 : memref<128x256xf32, #tpu.memory_space<vmem>>) dst(%dma_wait3A_51 : memref<128x256xf32, #tpu.memory_space<hbm>>)
        tpu.yield
      }) : () -> ()
    }
    %scan3A_29 = arith.constant 4 : i32
    return
  }
}

module attributes {stable_mosaic.version = 14 : i64} {
  func.func @_attns_body(%arg0: i32, %arg1: memref<2048x256xf32, #tpu.memory_space<vmem>>, %arg2: memref<256x150xf32, #tpu.memory_space<vmem>>, %arg3: memref<1x150xf32, #tpu.memory_space<vmem>>, %arg4: memref<150x150xf32, #tpu.memory_space<vmem>>, %arg5: memref<1x150xf32, #tpu.memory_space<vmem>>, %arg6: memref<150x1xbf16, #tpu.memory_space<vmem>>, %arg7: memref<1x1xf32, #tpu.memory_space<vmem>>, %arg8: memref<2048x1xf32, #tpu.memory_space<vmem>>) attributes {dimension_semantics = [#tpu.dimension_semantics<arbitrary>], iteration_bounds = array<i64: 8>, scalar_prefetch = 0 : i64, scratch_operands = 0 : i64, tpu.core_type = #tpu.core_type<tc>, window_params = [{transform_indices = @transform_0, window_bounds = array<i64: 2048, 256>}, {pipeline_mode = #tpu.pipeline_mode<synchronous>, transform_indices = @transform_1, window_bounds = array<i64: 256, 150>}, {pipeline_mode = #tpu.pipeline_mode<synchronous>, transform_indices = @transform_2, window_bounds = array<i64: 1, 150>}, {pipeline_mode = #tpu.pipeline_mode<synchronous>, transform_indices = @transform_3, window_bounds = array<i64: 150, 150>}, {pipeline_mode = #tpu.pipeline_mode<synchronous>, transform_indices = @transform_4, window_bounds = array<i64: 1, 150>}, {pipeline_mode = #tpu.pipeline_mode<synchronous>, transform_indices = @transform_5, window_bounds = array<i64: 150, 1>}, {pipeline_mode = #tpu.pipeline_mode<synchronous>, transform_indices = @transform_6, window_bounds = array<i64: 1, 1>}, {transform_indices = @transform_7, window_bounds = array<i64: 2048, 1>}]} {
    %get3A = arith.constant 0 : index
    %get3A_0 = arith.constant 0 : index
    %get3A_1 = vector.load %arg1[%get3A, %get3A_0] : memref<2048x256xf32, #tpu.memory_space<vmem>>, vector<2048x256xf32>
    %get3A_2 = arith.constant 0 : index
    %get3A_3 = arith.constant 0 : index
    %get3A_4 = vector.load %arg2[%get3A_2, %get3A_3] : memref<256x150xf32, #tpu.memory_space<vmem>>, vector<256x150xf32>
    %dot_general3A = arith.constant dense<0.000000e+00> : vector<2048x150xf32>
    %dot_general3A_5 = tpu.matmul %get3A_1, %get3A_4, %dot_general3A {dimension_numbers = #tpu.dot_dimension_numbers<[1], [0], [0], [1], [0, 0, 1, 1], [], []>, transpose_lhs_hint = false} : vector<2048x256xf32>, vector<256x150xf32>, vector<2048x150xf32> -> vector<2048x150xf32>
    %get3A_6 = arith.constant 0 : index
    %get3A_7 = arith.constant 0 : index
    %get3A_8 = vector.load %arg3[%get3A_6, %get3A_7] : memref<1x150xf32, #tpu.memory_space<vmem>>, vector<1x150xf32>
    %add3A = vector.broadcast %get3A_8 : vector<1x150xf32> to vector<2048x150xf32>
    %add3A_9 = arith.addf %dot_general3A_5, %add3A : vector<2048x150xf32>
    %max3A = arith.constant 0.000000e+00 : f32
    %max3A_10 = vector.broadcast %max3A : f32 to vector<2048x150xf32>
    %max3A_11 = arith.maximumf %add3A_9, %max3A_10 : vector<2048x150xf32>
    %convert_element_type3A = arith.truncf %max3A_11 : vector<2048x150xf32> to vector<2048x150xbf16>
    %get3A_12 = arith.constant 0 : index
    %get3A_13 = arith.constant 0 : index
    %get3A_14 = vector.load %arg4[%get3A_12, %get3A_13] : memref<150x150xf32, #tpu.memory_space<vmem>>, vector<150x150xf32>
    %dot_general3A_15 = arith.constant dense<0.000000e+00> : vector<2048x150xf32>
    %dot_general3A_16 = tpu.matmul %convert_element_type3A, %get3A_14, %dot_general3A_15 {dimension_numbers = #tpu.dot_dimension_numbers<[1], [0], [0], [1], [0, 0, 1, 1], [], []>, transpose_lhs_hint = false} : vector<2048x150xbf16>, vector<150x150xf32>, vector<2048x150xf32> -> vector<2048x150xf32>
    %get3A_17 = arith.constant 0 : index
    %get3A_18 = arith.constant 0 : index
    %get3A_19 = vector.load %arg5[%get3A_17, %get3A_18] : memref<1x150xf32, #tpu.memory_space<vmem>>, vector<1x150xf32>
    %add3A_20 = vector.broadcast %get3A_19 : vector<1x150xf32> to vector<2048x150xf32>
    %add3A_21 = arith.addf %dot_general3A_16, %add3A_20 : vector<2048x150xf32>
    %max3A_22 = arith.constant 0.000000e+00 : f32
    %max3A_23 = vector.broadcast %max3A_22 : f32 to vector<2048x150xf32>
    %max3A_24 = arith.maximumf %add3A_21, %max3A_23 : vector<2048x150xf32>
    %convert_element_type3A_25 = arith.truncf %max3A_24 : vector<2048x150xf32> to vector<2048x150xbf16>
    %get3A_26 = arith.constant 0 : index
    %get3A_27 = arith.constant 0 : index
    %get3A_28 = vector.load %arg6[%get3A_26, %get3A_27] : memref<150x1xbf16, #tpu.memory_space<vmem>>, vector<150x1xbf16>
    %dot_general3A_29 = arith.constant dense<0.000000e+00> : vector<2048x1xf32>
    %dot_general3A_30 = tpu.matmul %convert_element_type3A_25, %get3A_28, %dot_general3A_29 {dimension_numbers = #tpu.dot_dimension_numbers<[1], [0], [0], [1], [0, 0, 1, 1], [], []>, transpose_lhs_hint = false} : vector<2048x150xbf16>, vector<150x1xbf16>, vector<2048x1xf32> -> vector<2048x1xf32>
    %get3A_31 = arith.constant 0 : index
    %get3A_32 = arith.constant 0 : index
    %get3A_33 = vector.load %arg7[%get3A_31, %get3A_32] : memref<1x1xf32, #tpu.memory_space<vmem>>, vector<1x1xf32>
    %add3A_34 = vector.broadcast %get3A_33 : vector<1x1xf32> to vector<2048x1xf32>
    %add3A_35 = arith.addf %dot_general3A_30, %add3A_34 : vector<2048x1xf32>
    %swap3A = arith.constant 0 : index
    %swap3A_36 = arith.constant 0 : index
    %swap3A_37 = vector.load %arg8[%swap3A, %swap3A_36] : memref<2048x1xf32, #tpu.memory_space<vmem>>, vector<2048x1xf32>
    tpu.vector_store %arg8[%swap3A, %swap3A_36], %add3A_35 {strides = array<i32>} : memref<2048x1xf32, #tpu.memory_space<vmem>>, vector<2048x1xf32>,
    return
  }
  func.func @transform_0(%arg0: i32) -> (i32, i32) {
    %c0_i32 = arith.constant 0 : i32
    %c0_i32_0 = arith.constant 0 : i32
    return %arg0, %c0_i32 : i32, i32
  }
  func.func @transform_1(%arg0: i32) -> (i32, i32) {
    %c0_i32 = arith.constant 0 : i32
    %c0_i32_0 = arith.constant 0 : i32
    %c0_i32_1 = arith.constant 0 : i32
    return %c0_i32, %c0_i32_0 : i32, i32
  }
  func.func @transform_2(%arg0: i32) -> (i32, i32) {
    %c0_i32 = arith.constant 0 : i32
    %c0_i32_0 = arith.constant 0 : i32
    %c0_i32_1 = arith.constant 0 : i32
    return %c0_i32, %c0_i32_0 : i32, i32
  }
  func.func @transform_3(%arg0: i32) -> (i32, i32) {
    %c0_i32 = arith.constant 0 : i32
    %c0_i32_0 = arith.constant 0 : i32
    %c0_i32_1 = arith.constant 0 : i32
    return %c0_i32, %c0_i32_0 : i32, i32
  }
  func.func @transform_4(%arg0: i32) -> (i32, i32) {
    %c0_i32 = arith.constant 0 : i32
    %c0_i32_0 = arith.constant 0 : i32
    %c0_i32_1 = arith.constant 0 : i32
    return %c0_i32, %c0_i32_0 : i32, i32
  }
  func.func @transform_5(%arg0: i32) -> (i32, i32) {
    %c0_i32 = arith.constant 0 : i32
    %c0_i32_0 = arith.constant 0 : i32
    %c0_i32_1 = arith.constant 0 : i32
    return %c0_i32, %c0_i32_0 : i32, i32
  }
  func.func @transform_6(%arg0: i32) -> (i32, i32) {
    %c0_i32 = arith.constant 0 : i32
    %c0_i32_0 = arith.constant 0 : i32
    %c0_i32_1 = arith.constant 0 : i32
    return %c0_i32, %c0_i32_0 : i32, i32
  }
  func.func @transform_7(%arg0: i32) -> (i32, i32) {
    %c0_i32 = arith.constant 0 : i32
    %c0_i32_0 = arith.constant 0 : i32
    return %arg0, %c0_i32 : i32, i32
  }
}

module attributes {stable_mosaic.version = 14 : i64} {
  func.func @_pool_body(%arg0: i32, %arg1: memref<256x16x256xf32, #tpu.memory_space<vmem>>, %arg2: memref<256x128xf32, #tpu.memory_space<vmem>>, %arg3: memref<256x1xi32, #tpu.memory_space<vmem>>, %arg4: memref<16x20xf32, #tpu.memory_space<vmem>>, %arg5: memref<256x256xf32, #tpu.memory_space<vmem>>, %arg6: memref<256x20xf32, #tpu.memory_space<vmem>>) attributes {dimension_semantics = [#tpu.dimension_semantics<arbitrary>], iteration_bounds = array<i64: 64>, scalar_prefetch = 0 : i64, scratch_operands = 0 : i64, tpu.core_type = #tpu.core_type<tc>, window_params = [{transform_indices = @transform_0, window_bounds = array<i64: 256, 16, 256>}, {transform_indices = @transform_1, window_bounds = array<i64: 256, 128>}, {transform_indices = @transform_2, window_bounds = array<i64: 256, 1>}, {pipeline_mode = #tpu.pipeline_mode<synchronous>, transform_indices = @transform_3, window_bounds = array<i64: 16, 20>}, {transform_indices = @transform_4, window_bounds = array<i64: 256, 256>}, {transform_indices = @transform_5, window_bounds = array<i64: 256, 20>}]} {
    %get3A = arith.constant 0 : index
    %get3A_0 = arith.constant 0 : index
    %get3A_1 = vector.load %arg3[%get3A, %get3A_0] : memref<256x1xi32, #tpu.memory_space<vmem>>, vector<256x1xi32>
    %add3A = arith.constant 1 : i32
    %add3A_2 = vector.broadcast %add3A : i32 to vector<256x1xi32>
    %add3A_3 = arith.addi %get3A_1, %add3A_2 : vector<256x1xi32>
    %iota3A = tpu.iota {dimensions = array<i32: 1>} : vector<256x16xi32>
    %lt3A = vector.broadcast %add3A_3 : vector<256x1xi32> to vector<256x16xi32>
    %lt3A_4 = arith.cmpi slt, %iota3A, %lt3A : vector<256x16xi32>
    %get3A_5 = arith.constant 0 : index
    %get3A_6 = arith.constant 0 : index
    %get3A_7 = vector.load %arg2[%get3A_5, %get3A_6] : memref<256x128xf32, #tpu.memory_space<vmem>>, vector<256x16xf32>
    %jit3A = arith.constant -1.000000e+10 : f32
    %broadcast_in_dim3A = vector.broadcast %jit3A : f32 to vector<256x16xf32>
    %select_n3A = arith.select %lt3A_4, %get3A_7, %broadcast_in_dim3A : vector<256x16xi1>, vector<256x16xf32>
    %reduce_max3A = arith.constant dense<0xFF800000> : vector<256xf32>
    %reduce_max3A_8 = vector.multi_reduction <maximumf>, %select_n3A, %reduce_max3A [1] : vector<256x16xf32> to vector<256xf32>
    %broadcast_in_dim3A_9 = vector.shape_cast %reduce_max3A_8 : vector<256xf32> to vector<256x1xf32>
    %sub3A = vector.broadcast %broadcast_in_dim3A_9 : vector<256x1xf32> to vector<256x16xf32>
    %sub3A_10 = arith.subf %select_n3A, %sub3A : vector<256x16xf32>
    %exp3A = math.exp %sub3A_10 : vector<256x16xf32>
    %slice3A = vector.extract_strided_slice %exp3A {offsets = [0, 0], sizes = [256, 8], strides = [1, 1]} : vector<256x16xf32> to vector<256x8xf32>
    %slice3A_11 = vector.extract_strided_slice %exp3A {offsets = [0, 8], sizes = [256, 8], strides = [1, 1]} : vector<256x16xf32> to vector<256x8xf32>
    %add3A_12 = arith.addf %slice3A, %slice3A_11 : vector<256x8xf32>
    %slice3A_13 = vector.extract_strided_slice %add3A_12 {offsets = [0, 0], sizes = [256, 4], strides = [1, 1]} : vector<256x8xf32> to vector<256x4xf32>
    %slice3A_14 = vector.extract_strided_slice %add3A_12 {offsets = [0, 4], sizes = [256, 4], strides = [1, 1]} : vector<256x8xf32> to vector<256x4xf32>
    %add3A_15 = arith.addf %slice3A_13, %slice3A_14 : vector<256x4xf32>
    %slice3A_16 = vector.extract_strided_slice %add3A_15 {offsets = [0, 0], sizes = [256, 2], strides = [1, 1]} : vector<256x4xf32> to vector<256x2xf32>
    %slice3A_17 = vector.extract_strided_slice %add3A_15 {offsets = [0, 2], sizes = [256, 2], strides = [1, 1]} : vector<256x4xf32> to vector<256x2xf32>
    %add3A_18 = arith.addf %slice3A_16, %slice3A_17 : vector<256x2xf32>
    %slice3A_19 = vector.extract_strided_slice %add3A_18 {offsets = [0, 0], sizes = [256, 1], strides = [1, 1]} : vector<256x2xf32> to vector<256x1xf32>
    %slice3A_20 = vector.extract_strided_slice %add3A_18 {offsets = [0, 1], sizes = [256, 1], strides = [1, 1]} : vector<256x2xf32> to vector<256x1xf32>
    %add3A_21 = arith.addf %slice3A_19, %slice3A_20 : vector<256x1xf32>
    %div3A = vector.broadcast %add3A_21 : vector<256x1xf32> to vector<256x16xf32>
    %div3A_22 = arith.divf %exp3A, %div3A : vector<256x16xf32>
    %get3A_23 = arith.constant 0 : index
    %get3A_24 = arith.constant 0 : index
    %get3A_25 = arith.constant 0 : index
    %get3A_26 = vector.load %arg1[%get3A_23, %get3A_24, %get3A_25] : memref<256x16x256xf32, #tpu.memory_space<vmem>>, vector<256x16x256xf32>
    %convert_element_type3A = arith.extui %lt3A_4 : vector<256x16xi1> to vector<256x16xi32>
    %convert_element_type3A_27 = arith.sitofp %convert_element_type3A : vector<256x16xi32> to vector<256x16xf32>
    %mul3A = arith.mulf %convert_element_type3A_27, %div3A_22 : vector<256x16xf32>
    %broadcast_in_dim3A_28 = vector.shape_cast %mul3A : vector<256x16xf32> to vector<256x16x1xf32>
    %mul3A_29 = vector.broadcast %broadcast_in_dim3A_28 : vector<256x16x1xf32> to vector<256x16x256xf32>
    %mul3A_30 = arith.mulf %get3A_26, %mul3A_29 : vector<256x16x256xf32>
    %slice3A_31 = vector.extract_strided_slice %mul3A_30 {offsets = [0, 0, 0], sizes = [256, 8, 256], strides = [1, 1, 1]} : vector<256x16x256xf32> to vector<256x8x256xf32>
    %slice3A_32 = vector.extract_strided_slice %mul3A_30 {offsets = [0, 8, 0], sizes = [256, 8, 256], strides = [1, 1, 1]} : vector<256x16x256xf32> to vector<256x8x256xf32>
    %add3A_33 = arith.addf %slice3A_31, %slice3A_32 : vector<256x8x256xf32>
    %slice3A_34 = vector.extract_strided_slice %add3A_33 {offsets = [0, 0, 0], sizes = [256, 4, 256], strides = [1, 1, 1]} : vector<256x8x256xf32> to vector<256x4x256xf32>
    %slice3A_35 = vector.extract_strided_slice %add3A_33 {offsets = [0, 4, 0], sizes = [256, 4, 256], strides = [1, 1, 1]} : vector<256x8x256xf32> to vector<256x4x256xf32>
    %add3A_36 = arith.addf %slice3A_34, %slice3A_35 : vector<256x4x256xf32>
    %slice3A_37 = vector.extract_strided_slice %add3A_36 {offsets = [0, 0, 0], sizes = [256, 2, 256], strides = [1, 1, 1]} : vector<256x4x256xf32> to vector<256x2x256xf32>
    %slice3A_38 = vector.extract_strided_slice %add3A_36 {offsets = [0, 2, 0], sizes = [256, 2, 256], strides = [1, 1, 1]} : vector<256x4x256xf32> to vector<256x2x256xf32>
    %add3A_39 = arith.addf %slice3A_37, %slice3A_38 : vector<256x2x256xf32>
    %slice3A_40 = vector.extract_strided_slice %add3A_39 {offsets = [0, 0, 0], sizes = [256, 1, 256], strides = [1, 1, 1]} : vector<256x2x256xf32> to vector<256x1x256xf32>
    %slice3A_41 = vector.extract_strided_slice %add3A_39 {offsets = [0, 1, 0], sizes = [256, 1, 256], strides = [1, 1, 1]} : vector<256x2x256xf32> to vector<256x1x256xf32>
    %add3A_42 = arith.addf %slice3A_40, %slice3A_41 : vector<256x1x256xf32>
    %reshape3A = vector.shape_cast %add3A_42 : vector<256x1x256xf32> to vector<256x256xf32>
    %ge3A = arith.constant 1 : i32
    %ge3A_43 = vector.broadcast %ge3A : i32 to vector<256x1xi32>
    %ge3A_44 = arith.cmpi sge, %add3A_3, %ge3A_43 : vector<256x1xi32>
    %convert_element_type3A_45 = arith.extui %ge3A_44 : vector<256x1xi1> to vector<256x1xi32>
    %ge3A_46 = arith.constant 2 : i32
    %ge3A_47 = vector.broadcast %ge3A_46 : i32 to vector<256x1xi32>
    %ge3A_48 = arith.cmpi sge, %add3A_3, %ge3A_47 : vector<256x1xi32>
    %convert_element_type3A_49 = arith.extui %ge3A_48 : vector<256x1xi1> to vector<256x1xi32>
    %add3A_50 = arith.addi %convert_element_type3A_45, %convert_element_type3A_49 : vector<256x1xi32>
    %ge3A_51 = arith.constant 3 : i32
    %ge3A_52 = vector.broadcast %ge3A_51 : i32 to vector<256x1xi32>
    %ge3A_53 = arith.cmpi sge, %add3A_3, %ge3A_52 : vector<256x1xi32>
    %convert_element_type3A_54 = arith.extui %ge3A_53 : vector<256x1xi1> to vector<256x1xi32>
    %add3A_55 = arith.addi %add3A_50, %convert_element_type3A_54 : vector<256x1xi32>
    %ge3A_56 = arith.constant 4 : i32
    %ge3A_57 = vector.broadcast %ge3A_56 : i32 to vector<256x1xi32>
    %ge3A_58 = arith.cmpi sge, %add3A_3, %ge3A_57 : vector<256x1xi32>
    %convert_element_type3A_59 = arith.extui %ge3A_58 : vector<256x1xi1> to vector<256x1xi32>
    %add3A_60 = arith.addi %add3A_55, %convert_element_type3A_59 : vector<256x1xi32>
    %ge3A_61 = arith.constant 5 : i32
    %ge3A_62 = vector.broadcast %ge3A_61 : i32 to vector<256x1xi32>
    %ge3A_63 = arith.cmpi sge, %add3A_3, %ge3A_62 : vector<256x1xi32>
    %convert_element_type3A_64 = arith.extui %ge3A_63 : vector<256x1xi1> to vector<256x1xi32>
    %add3A_65 = arith.addi %add3A_60, %convert_element_type3A_64 : vector<256x1xi32>
    %ge3A_66 = arith.constant 8 : i32
    %ge3A_67 = vector.broadcast %ge3A_66 : i32 to vector<256x1xi32>
    %ge3A_68 = arith.cmpi sge, %add3A_3, %ge3A_67 : vector<256x1xi32>
    %convert_element_type3A_69 = arith.extui %ge3A_68 : vector<256x1xi1> to vector<256x1xi32>
    %add3A_70 = arith.addi %add3A_65, %convert_element_type3A_69 : vector<256x1xi32>
    %ge3A_71 = arith.constant 16 : i32
    %ge3A_72 = vector.broadcast %ge3A_71 : i32 to vector<256x1xi32>
    %ge3A_73 = arith.cmpi sge, %add3A_3, %ge3A_72 : vector<256x1xi32>
    %convert_element_type3A_74 = arith.extui %ge3A_73 : vector<256x1xi1> to vector<256x1xi32>
    %add3A_75 = arith.addi %add3A_70, %convert_element_type3A_74 : vector<256x1xi32>
    %ge3A_76 = arith.constant 32 : i32
    %ge3A_77 = vector.broadcast %ge3A_76 : i32 to vector<256x1xi32>
    %ge3A_78 = arith.cmpi sge, %add3A_3, %ge3A_77 : vector<256x1xi32>
    %convert_element_type3A_79 = arith.extui %ge3A_78 : vector<256x1xi1> to vector<256x1xi32>
    %add3A_80 = arith.addi %add3A_75, %convert_element_type3A_79 : vector<256x1xi32>
    %ge3A_81 = arith.constant 64 : i32
    %ge3A_82 = vector.broadcast %ge3A_81 : i32 to vector<256x1xi32>
    %ge3A_83 = arith.cmpi sge, %add3A_3, %ge3A_82 : vector<256x1xi32>
    %convert_element_type3A_84 = arith.extui %ge3A_83 : vector<256x1xi1> to vector<256x1xi32>
    %add3A_85 = arith.addi %add3A_80, %convert_element_type3A_84 : vector<256x1xi32>
    %get3A_86 = arith.constant 1 : index
    %get3A_87 = arith.constant 0 : index
    %get3A_88 = vector.load %arg4[%get3A_86, %get3A_87] : memref<16x20xf32, #tpu.memory_space<vmem>>, vector<1x20xf32>
    %broadcast_in_dim3A_89 = vector.shape_cast %get3A_88 : vector<1x20xf32> to vector<1x20xf32>
    %broadcast_in_dim3A_90 = vector.broadcast %broadcast_in_dim3A_89 : vector<1x20xf32> to vector<256x20xf32>
    %eq3A = arith.constant 2 : i32
    %eq3A_91 = vector.broadcast %eq3A : i32 to vector<256x1xi32>
    %eq3A_92 = arith.cmpi eq, %add3A_85, %eq3A_91 : vector<256x1xi32>
    %get3A_93 = arith.constant 2 : index
    %get3A_94 = arith.constant 0 : index
    %get3A_95 = vector.load %arg4[%get3A_93, %get3A_94] : memref<16x20xf32, #tpu.memory_space<vmem>>, vector<1x20xf32>
    %broadcast_in_dim3A_96 = vector.shape_cast %get3A_95 : vector<1x20xf32> to vector<1x20xf32>
    %broadcast_in_dim3A_97 = vector.broadcast %broadcast_in_dim3A_96 : vector<1x20xf32> to vector<256x20xf32>
    %broadcast_in_dim3A_98 = vector.shape_cast %eq3A_92 : vector<256x1xi1> to vector<256x1xi1>
    %broadcast_in_dim3A_99 = vector.broadcast %broadcast_in_dim3A_98 : vector<256x1xi1> to vector<256x20xi1>
    %select_n3A_100 = arith.select %broadcast_in_dim3A_99, %broadcast_in_dim3A_97, %broadcast_in_dim3A_90 : vector<256x20xi1>, vector<256x20xf32>
    %eq3A_101 = arith.constant 3 : i32
    %eq3A_102 = vector.broadcast %eq3A_101 : i32 to vector<256x1xi32>
    %eq3A_103 = arith.cmpi eq, %add3A_85, %eq3A_102 : vector<256x1xi32>
    %get3A_104 = arith.constant 3 : index
    %get3A_105 = arith.constant 0 : index
    %get3A_106 = vector.load %arg4[%get3A_104, %get3A_105] : memref<16x20xf32, #tpu.memory_space<vmem>>, vector<1x20xf32>
    %broadcast_in_dim3A_107 = vector.shape_cast %get3A_106 : vector<1x20xf32> to vector<1x20xf32>
    %broadcast_in_dim3A_108 = vector.broadcast %broadcast_in_dim3A_107 : vector<1x20xf32> to vector<256x20xf32>
    %broadcast_in_dim3A_109 = vector.shape_cast %eq3A_103 : vector<256x1xi1> to vector<256x1xi1>
    %broadcast_in_dim3A_110 = vector.broadcast %broadcast_in_dim3A_109 : vector<256x1xi1> to vector<256x20xi1>
    %select_n3A_111 = arith.select %broadcast_in_dim3A_110, %broadcast_in_dim3A_108, %select_n3A_100 : vector<256x20xi1>, vector<256x20xf32>
    %eq3A_112 = arith.constant 4 : i32
    %eq3A_113 = vector.broadcast %eq3A_112 : i32 to vector<256x1xi32>
    %eq3A_114 = arith.cmpi eq, %add3A_85, %eq3A_113 : vector<256x1xi32>
    %get3A_115 = arith.constant 4 : index
    %get3A_116 = arith.constant 0 : index
    %get3A_117 = vector.load %arg4[%get3A_115, %get3A_116] : memref<16x20xf32, #tpu.memory_space<vmem>>, vector<1x20xf32>
    %broadcast_in_dim3A_118 = vector.shape_cast %get3A_117 : vector<1x20xf32> to vector<1x20xf32>
    %broadcast_in_dim3A_119 = vector.broadcast %broadcast_in_dim3A_118 : vector<1x20xf32> to vector<256x20xf32>
    %broadcast_in_dim3A_120 = vector.shape_cast %eq3A_114 : vector<256x1xi1> to vector<256x1xi1>
    %broadcast_in_dim3A_121 = vector.broadcast %broadcast_in_dim3A_120 : vector<256x1xi1> to vector<256x20xi1>
    %select_n3A_122 = arith.select %broadcast_in_dim3A_121, %broadcast_in_dim3A_119, %select_n3A_111 : vector<256x20xi1>, vector<256x20xf32>
    %eq3A_123 = arith.constant 5 : i32
    %eq3A_124 = vector.broadcast %eq3A_123 : i32 to vector<256x1xi32>
    %eq3A_125 = arith.cmpi eq, %add3A_85, %eq3A_124 : vector<256x1xi32>
    %get3A_126 = arith.constant 5 : index
    %get3A_127 = arith.constant 0 : index
    %get3A_128 = vector.load %arg4[%get3A_126, %get3A_127] : memref<16x20xf32, #tpu.memory_space<vmem>>, vector<1x20xf32>
    %broadcast_in_dim3A_129 = vector.shape_cast %get3A_128 : vector<1x20xf32> to vector<1x20xf32>
    %broadcast_in_dim3A_130 = vector.broadcast %broadcast_in_dim3A_129 : vector<1x20xf32> to vector<256x20xf32>
    %broadcast_in_dim3A_131 = vector.shape_cast %eq3A_125 : vector<256x1xi1> to vector<256x1xi1>
    %broadcast_in_dim3A_132 = vector.broadcast %broadcast_in_dim3A_131 : vector<256x1xi1> to vector<256x20xi1>
    %select_n3A_133 = arith.select %broadcast_in_dim3A_132, %broadcast_in_dim3A_130, %select_n3A_122 : vector<256x20xi1>, vector<256x20xf32>
    %eq3A_134 = arith.constant 6 : i32
    %eq3A_135 = vector.broadcast %eq3A_134 : i32 to vector<256x1xi32>
    %eq3A_136 = arith.cmpi eq, %add3A_85, %eq3A_135 : vector<256x1xi32>
    %get3A_137 = arith.constant 6 : index
    %get3A_138 = arith.constant 0 : index
    %get3A_139 = vector.load %arg4[%get3A_137, %get3A_138] : memref<16x20xf32, #tpu.memory_space<vmem>>, vector<1x20xf32>
    %broadcast_in_dim3A_140 = vector.shape_cast %get3A_139 : vector<1x20xf32> to vector<1x20xf32>
    %broadcast_in_dim3A_141 = vector.broadcast %broadcast_in_dim3A_140 : vector<1x20xf32> to vector<256x20xf32>
    %broadcast_in_dim3A_142 = vector.shape_cast %eq3A_136 : vector<256x1xi1> to vector<256x1xi1>
    %broadcast_in_dim3A_143 = vector.broadcast %broadcast_in_dim3A_142 : vector<256x1xi1> to vector<256x20xi1>
    %select_n3A_144 = arith.select %broadcast_in_dim3A_143, %broadcast_in_dim3A_141, %select_n3A_133 : vector<256x20xi1>, vector<256x20xf32>
    %eq3A_145 = arith.constant 7 : i32
    %eq3A_146 = vector.broadcast %eq3A_145 : i32 to vector<256x1xi32>
    %eq3A_147 = arith.cmpi eq, %add3A_85, %eq3A_146 : vector<256x1xi32>
    %get3A_148 = arith.constant 7 : index
    %get3A_149 = arith.constant 0 : index
    %get3A_150 = vector.load %arg4[%get3A_148, %get3A_149] : memref<16x20xf32, #tpu.memory_space<vmem>>, vector<1x20xf32>
    %broadcast_in_dim3A_151 = vector.shape_cast %get3A_150 : vector<1x20xf32> to vector<1x20xf32>
    %broadcast_in_dim3A_152 = vector.broadcast %broadcast_in_dim3A_151 : vector<1x20xf32> to vector<256x20xf32>
    %broadcast_in_dim3A_153 = vector.shape_cast %eq3A_147 : vector<256x1xi1> to vector<256x1xi1>
    %broadcast_in_dim3A_154 = vector.broadcast %broadcast_in_dim3A_153 : vector<256x1xi1> to vector<256x20xi1>
    %select_n3A_155 = arith.select %broadcast_in_dim3A_154, %broadcast_in_dim3A_152, %select_n3A_144 : vector<256x20xi1>, vector<256x20xf32>
    %swap3A = arith.constant 0 : index
    %swap3A_156 = arith.constant 0 : index
    %swap3A_157 = vector.load %arg5[%swap3A, %swap3A_156] : memref<256x256xf32, #tpu.memory_space<vmem>>, vector<256x256xf32>
    tpu.vector_store %arg5[%swap3A, %swap3A_156], %reshape3A {strides = array<i32>} : memref<256x256xf32, #tpu.memory_space<vmem>>, vector<256x256xf32>,
    %swap3A_158 = arith.constant 0 : index
    %swap3A_159 = arith.constant 0 : index
    %swap3A_160 = vector.load %arg6[%swap3A_158, %swap3A_159] : memref<256x20xf32, #tpu.memory_space<vmem>>, vector<256x20xf32>
    tpu.vector_store %arg6[%swap3A_158, %swap3A_159], %select_n3A_155 {strides = array<i32>} : memref<256x20xf32, #tpu.memory_space<vmem>>, vector<256x20xf32>,
    return
  }
  func.func @transform_0(%arg0: i32) -> (i32, i32, i32) {
    %c0_i32 = arith.constant 0 : i32
    %c0_i32_0 = arith.constant 0 : i32
    %c0_i32_1 = arith.constant 0 : i32
    return %arg0, %c0_i32, %c0_i32_0 : i32, i32, i32
  }
  func.func @transform_1(%arg0: i32) -> (i32, i32) {
    %c0_i32 = arith.constant 0 : i32
    %c0_i32_0 = arith.constant 0 : i32
    return %arg0, %c0_i32 : i32, i32
  }
  func.func @transform_2(%arg0: i32) -> (i32, i32) {
    %c0_i32 = arith.constant 0 : i32
    %c0_i32_0 = arith.constant 0 : i32
    return %arg0, %c0_i32 : i32, i32
  }
  func.func @transform_3(%arg0: i32) -> (i32, i32) {
    %c0_i32 = arith.constant 0 : i32
    %c0_i32_0 = arith.constant 0 : i32
    %c0_i32_1 = arith.constant 0 : i32
    return %c0_i32, %c0_i32_0 : i32, i32
  }
  func.func @transform_4(%arg0: i32) -> (i32, i32) {
    %c0_i32 = arith.constant 0 : i32
    %c0_i32_0 = arith.constant 0 : i32
    return %arg0, %c0_i32 : i32, i32
  }
  func.func @transform_5(%arg0: i32) -> (i32, i32) {
    %c0_i32 = arith.constant 0 : i32
    %c0_i32_0 = arith.constant 0 : i32
    return %arg0, %c0_i32 : i32, i32
  }
}

module attributes {stable_mosaic.version = 14 : i64} {
  func.func @_ment23_body(%arg0: i32, %arg1: memref<2048x150xf32, #tpu.memory_space<vmem>>, %arg2: memref<150x150xf32, #tpu.memory_space<vmem>>, %arg3: memref<1x150xf32, #tpu.memory_space<vmem>>, %arg4: memref<150x1xbf16, #tpu.memory_space<vmem>>, %arg5: memref<1x1xf32, #tpu.memory_space<vmem>>, %arg6: memref<2048x1xf32, #tpu.memory_space<vmem>>) attributes {dimension_semantics = [#tpu.dimension_semantics<arbitrary>], iteration_bounds = array<i64: 8>, scalar_prefetch = 0 : i64, scratch_operands = 0 : i64, tpu.core_type = #tpu.core_type<tc>, window_params = [{transform_indices = @transform_0, window_bounds = array<i64: 2048, 150>}, {pipeline_mode = #tpu.pipeline_mode<synchronous>, transform_indices = @transform_1, window_bounds = array<i64: 150, 150>}, {pipeline_mode = #tpu.pipeline_mode<synchronous>, transform_indices = @transform_2, window_bounds = array<i64: 1, 150>}, {pipeline_mode = #tpu.pipeline_mode<synchronous>, transform_indices = @transform_3, window_bounds = array<i64: 150, 1>}, {pipeline_mode = #tpu.pipeline_mode<synchronous>, transform_indices = @transform_4, window_bounds = array<i64: 1, 1>}, {transform_indices = @transform_5, window_bounds = array<i64: 2048, 1>}]} {
    %get3A = arith.constant 0 : index
    %get3A_0 = arith.constant 0 : index
    %get3A_1 = vector.load %arg1[%get3A, %get3A_0] : memref<2048x150xf32, #tpu.memory_space<vmem>>, vector<2048x150xf32>
    %convert_element_type3A = arith.truncf %get3A_1 : vector<2048x150xf32> to vector<2048x150xbf16>
    %get3A_2 = arith.constant 0 : index
    %get3A_3 = arith.constant 0 : index
    %get3A_4 = vector.load %arg2[%get3A_2, %get3A_3] : memref<150x150xf32, #tpu.memory_space<vmem>>, vector<150x150xf32>
    %dot_general3A = arith.constant dense<0.000000e+00> : vector<2048x150xf32>
    %dot_general3A_5 = tpu.matmul %convert_element_type3A, %get3A_4, %dot_general3A {dimension_numbers = #tpu.dot_dimension_numbers<[1], [0], [0], [1], [0, 0, 1, 1], [], []>, transpose_lhs_hint = false} : vector<2048x150xbf16>, vector<150x150xf32>, vector<2048x150xf32> -> vector<2048x150xf32>
    %get3A_6 = arith.constant 0 : index
    %get3A_7 = arith.constant 0 : index
    %get3A_8 = vector.load %arg3[%get3A_6, %get3A_7] : memref<1x150xf32, #tpu.memory_space<vmem>>, vector<1x150xf32>
    %add3A = vector.broadcast %get3A_8 : vector<1x150xf32> to vector<2048x150xf32>
    %add3A_9 = arith.addf %dot_general3A_5, %add3A : vector<2048x150xf32>
    %max3A = arith.constant 0.000000e+00 : f32
    %max3A_10 = vector.broadcast %max3A : f32 to vector<2048x150xf32>
    %max3A_11 = arith.maximumf %add3A_9, %max3A_10 : vector<2048x150xf32>
    %convert_element_type3A_12 = arith.truncf %max3A_11 : vector<2048x150xf32> to vector<2048x150xbf16>
    %get3A_13 = arith.constant 0 : index
    %get3A_14 = arith.constant 0 : index
    %get3A_15 = vector.load %arg4[%get3A_13, %get3A_14] : memref<150x1xbf16, #tpu.memory_space<vmem>>, vector<150x1xbf16>
    %dot_general3A_16 = arith.constant dense<0.000000e+00> : vector<2048x1xf32>
    %dot_general3A_17 = tpu.matmul %convert_element_type3A_12, %get3A_15, %dot_general3A_16 {dimension_numbers = #tpu.dot_dimension_numbers<[1], [0], [0], [1], [0, 0, 1, 1], [], []>, transpose_lhs_hint = false} : vector<2048x150xbf16>, vector<150x1xbf16>, vector<2048x1xf32> -> vector<2048x1xf32>
    %get3A_18 = arith.constant 0 : index
    %get3A_19 = arith.constant 0 : index
    %get3A_20 = vector.load %arg5[%get3A_18, %get3A_19] : memref<1x1xf32, #tpu.memory_space<vmem>>, vector<1x1xf32>
    %add3A_21 = vector.broadcast %get3A_20 : vector<1x1xf32> to vector<2048x1xf32>
    %add3A_22 = arith.addf %dot_general3A_17, %add3A_21 : vector<2048x1xf32>
    %swap3A = arith.constant 0 : index
    %swap3A_23 = arith.constant 0 : index
    %swap3A_24 = vector.load %arg6[%swap3A, %swap3A_23] : memref<2048x1xf32, #tpu.memory_space<vmem>>, vector<2048x1xf32>
    tpu.vector_store %arg6[%swap3A, %swap3A_23], %add3A_22 {strides = array<i32>} : memref<2048x1xf32, #tpu.memory_space<vmem>>, vector<2048x1xf32>,
    return
  }
  func.func @transform_0(%arg0: i32) -> (i32, i32) {
    %c0_i32 = arith.constant 0 : i32
    %c0_i32_0 = arith.constant 0 : i32
    return %arg0, %c0_i32 : i32, i32
  }
  func.func @transform_1(%arg0: i32) -> (i32, i32) {
    %c0_i32 = arith.constant 0 : i32
    %c0_i32_0 = arith.constant 0 : i32
    %c0_i32_1 = arith.constant 0 : i32
    return %c0_i32, %c0_i32_0 : i32, i32
  }
  func.func @transform_2(%arg0: i32) -> (i32, i32) {
    %c0_i32 = arith.constant 0 : i32
    %c0_i32_0 = arith.constant 0 : i32
    %c0_i32_1 = arith.constant 0 : i32
    return %c0_i32, %c0_i32_0 : i32, i32
  }
  func.func @transform_3(%arg0: i32) -> (i32, i32) {
    %c0_i32 = arith.constant 0 : i32
    %c0_i32_0 = arith.constant 0 : i32
    %c0_i32_1 = arith.constant 0 : i32
    return %c0_i32, %c0_i32_0 : i32, i32
  }
  func.func @transform_4(%arg0: i32) -> (i32, i32) {
    %c0_i32 = arith.constant 0 : i32
    %c0_i32_0 = arith.constant 0 : i32
    %c0_i32_1 = arith.constant 0 : i32
    return %c0_i32, %c0_i32_0 : i32, i32
  }
  func.func @transform_5(%arg0: i32) -> (i32, i32) {
    %c0_i32 = arith.constant 0 : i32
    %c0_i32_0 = arith.constant 0 : i32
    return %arg0, %c0_i32 : i32, i32
  }
}

module attributes {stable_mosaic.version = 14 : i64} {
  func.func @_rank_body(%arg0: i32, %arg1: memref<1024x1xf32, #tpu.memory_space<vmem>>, %arg2: memref<1x16384xf32, #tpu.memory_space<vmem>>, %arg3: memref<1024x1xi32, #tpu.memory_space<vmem>>) attributes {dimension_semantics = [#tpu.dimension_semantics<arbitrary>], iteration_bounds = array<i64: 16>, scalar_prefetch = 0 : i64, scratch_operands = 0 : i64, tpu.core_type = #tpu.core_type<tc>, window_params = [{transform_indices = @transform_0, window_bounds = array<i64: 1024, 1>}, {pipeline_mode = #tpu.pipeline_mode<synchronous>, transform_indices = @transform_1, window_bounds = array<i64: 1, 16384>}, {transform_indices = @transform_2, window_bounds = array<i64: 1024, 1>}]} {
    %get3A = arith.constant 0 : index
    %get3A_0 = arith.constant 0 : index
    %get3A_1 = vector.load %arg1[%get3A, %get3A_0] : memref<1024x1xf32, #tpu.memory_space<vmem>>, vector<1024x1xf32>
    %bitcast_convert_type3A = tpu.bitcast %get3A_1 : vector<1024x1xf32> -> vector<1024x1xi32>
    %lt3A = arith.constant 0 : i32
    %lt3A_2 = vector.broadcast %lt3A : i32 to vector<1024x1xi32>
    %lt3A_3 = arith.cmpi slt, %bitcast_convert_type3A, %lt3A_2 : vector<1024x1xi32>
    %xor3A = arith.constant 2147483647 : i32
    %xor3A_4 = vector.broadcast %xor3A : i32 to vector<1024x1xi32>
    %xor3A_5 = arith.xori %xor3A_4, %bitcast_convert_type3A : vector<1024x1xi32>
    %select_n3A = arith.select %lt3A_3, %xor3A_5, %bitcast_convert_type3A : vector<1024x1xi1>, vector<1024x1xi32>
    %iota3A = tpu.iota {dimensions = array<i32: 0>} : vector<1024x1xi32>
    %mul3A = arith.constant 1024 : i32
    %mul3A_6 = arith.muli %arg0, %mul3A : i32
    %add3A = vector.broadcast %mul3A_6 : i32 to vector<1024x1xi32>
    %add3A_7 = arith.addi %iota3A, %add3A : vector<1024x1xi32>
    %broadcast_in_dim3A = arith.constant 0 : i32
    %broadcast_in_dim3A_8 = vector.broadcast %broadcast_in_dim3A : i32 to vector<1024x1xi32>
    %get3A_9 = arith.constant 0 : index
    %get3A_10 = arith.constant 0 : index
    %get3A_11 = vector.load %arg2[%get3A_9, %get3A_10] : memref<1x16384xf32, #tpu.memory_space<vmem>>, vector<1x1024xf32>
    %bitcast_convert_type3A_12 = tpu.bitcast %get3A_11 : vector<1x1024xf32> -> vector<1x1024xi32>
    %lt3A_13 = arith.constant 0 : i32
    %lt3A_14 = vector.broadcast %lt3A_13 : i32 to vector<1x1024xi32>
    %lt3A_15 = arith.cmpi slt, %bitcast_convert_type3A_12, %lt3A_14 : vector<1x1024xi32>
    %xor3A_16 = arith.constant 2147483647 : i32
    %xor3A_17 = vector.broadcast %xor3A_16 : i32 to vector<1x1024xi32>
    %xor3A_18 = arith.xori %xor3A_17, %bitcast_convert_type3A_12 : vector<1x1024xi32>
    %select_n3A_19 = arith.select %lt3A_15, %xor3A_18, %bitcast_convert_type3A_12 : vector<1x1024xi1>, vector<1x1024xi32>
    %iota3A_20 = tpu.iota {dimensions = array<i32: 1>} : vector<1x1024xi32>
    %add3A_21 = arith.constant 0 : i32
    %add3A_22 = vector.broadcast %add3A_21 : i32 to vector<1x1024xi32>
    %add3A_23 = arith.addi %iota3A_20, %add3A_22 : vector<1x1024xi32>
    %gt3A = vector.broadcast %select_n3A_19 : vector<1x1024xi32> to vector<1024x1024xi32>
    %gt3A_24 = vector.broadcast %select_n3A : vector<1024x1xi32> to vector<1024x1024xi32>
    %gt3A_25 = arith.cmpi sgt, %gt3A, %gt3A_24 : vector<1024x1024xi32>
    %convert_element_type3A = arith.extui %gt3A_25 : vector<1024x1024xi1> to vector<1024x1024xi32>
    %eq3A = vector.broadcast %select_n3A_19 : vector<1x1024xi32> to vector<1024x1024xi32>
    %eq3A_26 = vector.broadcast %select_n3A : vector<1024x1xi32> to vector<1024x1024xi32>
    %eq3A_27 = arith.cmpi eq, %eq3A, %eq3A_26 : vector<1024x1024xi32>
    %lt3A_28 = vector.broadcast %add3A_23 : vector<1x1024xi32> to vector<1024x1024xi32>
    %lt3A_29 = vector.broadcast %add3A_7 : vector<1024x1xi32> to vector<1024x1024xi32>
    %lt3A_30 = arith.cmpi slt, %lt3A_28, %lt3A_29 : vector<1024x1024xi32>
    %and3A = arith.andi %eq3A_27, %lt3A_30 : vector<1024x1024xi1>
    %convert_element_type3A_31 = arith.extui %and3A : vector<1024x1024xi1> to vector<1024x1024xi32>
    %add3A_32 = arith.addi %convert_element_type3A, %convert_element_type3A_31 : vector<1024x1024xi32>
    %reduce_sum3A = arith.constant dense<0> : vector<1024xi32>
    %reduce_sum3A_33 = vector.multi_reduction <add>, %add3A_32, %reduce_sum3A [1] : vector<1024x1024xi32> to vector<1024xi32>
    %broadcast_in_dim3A_34 = vector.shape_cast %reduce_sum3A_33 : vector<1024xi32> to vector<1024x1xi32>
    %add3A_35 = arith.addi %broadcast_in_dim3A_8, %broadcast_in_dim3A_34 : vector<1024x1xi32>
    %get3A_36 = arith.constant 0 : index
    %get3A_37 = arith.constant 1024 : index
    %get3A_38 = vector.load %arg2[%get3A_36, %get3A_37] : memref<1x16384xf32, #tpu.memory_space<vmem>>, vector<1x1024xf32>
    %bitcast_convert_type3A_39 = tpu.bitcast %get3A_38 : vector<1x1024xf32> -> vector<1x1024xi32>
    %lt3A_40 = arith.constant 0 : i32
    %lt3A_41 = vector.broadcast %lt3A_40 : i32 to vector<1x1024xi32>
    %lt3A_42 = arith.cmpi slt, %bitcast_convert_type3A_39, %lt3A_41 : vector<1x1024xi32>
    %xor3A_43 = arith.constant 2147483647 : i32
    %xor3A_44 = vector.broadcast %xor3A_43 : i32 to vector<1x1024xi32>
    %xor3A_45 = arith.xori %xor3A_44, %bitcast_convert_type3A_39 : vector<1x1024xi32>
    %select_n3A_46 = arith.select %lt3A_42, %xor3A_45, %bitcast_convert_type3A_39 : vector<1x1024xi1>, vector<1x1024xi32>
    %iota3A_47 = tpu.iota {dimensions = array<i32: 1>} : vector<1x1024xi32>
    %add3A_48 = arith.constant 1024 : i32
    %add3A_49 = vector.broadcast %add3A_48 : i32 to vector<1x1024xi32>
    %add3A_50 = arith.addi %iota3A_47, %add3A_49 : vector<1x1024xi32>
    %gt3A_51 = vector.broadcast %select_n3A_46 : vector<1x1024xi32> to vector<1024x1024xi32>
    %gt3A_52 = vector.broadcast %select_n3A : vector<1024x1xi32> to vector<1024x1024xi32>
    %gt3A_53 = arith.cmpi sgt, %gt3A_51, %gt3A_52 : vector<1024x1024xi32>
    %convert_element_type3A_54 = arith.extui %gt3A_53 : vector<1024x1024xi1> to vector<1024x1024xi32>
    %eq3A_55 = vector.broadcast %select_n3A_46 : vector<1x1024xi32> to vector<1024x1024xi32>
    %eq3A_56 = vector.broadcast %select_n3A : vector<1024x1xi32> to vector<1024x1024xi32>
    %eq3A_57 = arith.cmpi eq, %eq3A_55, %eq3A_56 : vector<1024x1024xi32>
    %lt3A_58 = vector.broadcast %add3A_50 : vector<1x1024xi32> to vector<1024x1024xi32>
    %lt3A_59 = vector.broadcast %add3A_7 : vector<1024x1xi32> to vector<1024x1024xi32>
    %lt3A_60 = arith.cmpi slt, %lt3A_58, %lt3A_59 : vector<1024x1024xi32>
    %and3A_61 = arith.andi %eq3A_57, %lt3A_60 : vector<1024x1024xi1>
    %convert_element_type3A_62 = arith.extui %and3A_61 : vector<1024x1024xi1> to vector<1024x1024xi32>
    %add3A_63 = arith.addi %convert_element_type3A_54, %convert_element_type3A_62 : vector<1024x1024xi32>
    %reduce_sum3A_64 = arith.constant dense<0> : vector<1024xi32>
    %reduce_sum3A_65 = vector.multi_reduction <add>, %add3A_63, %reduce_sum3A_64 [1] : vector<1024x1024xi32> to vector<1024xi32>
    %broadcast_in_dim3A_66 = vector.shape_cast %reduce_sum3A_65 : vector<1024xi32> to vector<1024x1xi32>
    %add3A_67 = arith.addi %add3A_35, %broadcast_in_dim3A_66 : vector<1024x1xi32>
    %get3A_68 = arith.constant 0 : index
    %get3A_69 = arith.constant 2048 : index
    %get3A_70 = vector.load %arg2[%get3A_68, %get3A_69] : memref<1x16384xf32, #tpu.memory_space<vmem>>, vector<1x1024xf32>
    %bitcast_convert_type3A_71 = tpu.bitcast %get3A_70 : vector<1x1024xf32> -> vector<1x1024xi32>
    %lt3A_72 = arith.constant 0 : i32
    %lt3A_73 = vector.broadcast %lt3A_72 : i32 to vector<1x1024xi32>
    %lt3A_74 = arith.cmpi slt, %bitcast_convert_type3A_71, %lt3A_73 : vector<1x1024xi32>
    %xor3A_75 = arith.constant 2147483647 : i32
    %xor3A_76 = vector.broadcast %xor3A_75 : i32 to vector<1x1024xi32>
    %xor3A_77 = arith.xori %xor3A_76, %bitcast_convert_type3A_71 : vector<1x1024xi32>
    %select_n3A_78 = arith.select %lt3A_74, %xor3A_77, %bitcast_convert_type3A_71 : vector<1x1024xi1>, vector<1x1024xi32>
    %iota3A_79 = tpu.iota {dimensions = array<i32: 1>} : vector<1x1024xi32>
    %add3A_80 = arith.constant 2048 : i32
    %add3A_81 = vector.broadcast %add3A_80 : i32 to vector<1x1024xi32>
    %add3A_82 = arith.addi %iota3A_79, %add3A_81 : vector<1x1024xi32>
    %gt3A_83 = vector.broadcast %select_n3A_78 : vector<1x1024xi32> to vector<1024x1024xi32>
    %gt3A_84 = vector.broadcast %select_n3A : vector<1024x1xi32> to vector<1024x1024xi32>
    %gt3A_85 = arith.cmpi sgt, %gt3A_83, %gt3A_84 : vector<1024x1024xi32>
    %convert_element_type3A_86 = arith.extui %gt3A_85 : vector<1024x1024xi1> to vector<1024x1024xi32>
    %eq3A_87 = vector.broadcast %select_n3A_78 : vector<1x1024xi32> to vector<1024x1024xi32>
    %eq3A_88 = vector.broadcast %select_n3A : vector<1024x1xi32> to vector<1024x1024xi32>
    %eq3A_89 = arith.cmpi eq, %eq3A_87, %eq3A_88 : vector<1024x1024xi32>
    %lt3A_90 = vector.broadcast %add3A_82 : vector<1x1024xi32> to vector<1024x1024xi32>
    %lt3A_91 = vector.broadcast %add3A_7 : vector<1024x1xi32> to vector<1024x1024xi32>
    %lt3A_92 = arith.cmpi slt, %lt3A_90, %lt3A_91 : vector<1024x1024xi32>
    %and3A_93 = arith.andi %eq3A_89, %lt3A_92 : vector<1024x1024xi1>
    %convert_element_type3A_94 = arith.extui %and3A_93 : vector<1024x1024xi1> to vector<1024x1024xi32>
    %add3A_95 = arith.addi %convert_element_type3A_86, %convert_element_type3A_94 : vector<1024x1024xi32>
    %reduce_sum3A_96 = arith.constant dense<0> : vector<1024xi32>
    %reduce_sum3A_97 = vector.multi_reduction <add>, %add3A_95, %reduce_sum3A_96 [1] : vector<1024x1024xi32> to vector<1024xi32>
    %broadcast_in_dim3A_98 = vector.shape_cast %reduce_sum3A_97 : vector<1024xi32> to vector<1024x1xi32>
    %add3A_99 = arith.addi %add3A_67, %broadcast_in_dim3A_98 : vector<1024x1xi32>
    %get3A_100 = arith.constant 0 : index
    %get3A_101 = arith.constant 3072 : index
    %get3A_102 = vector.load %arg2[%get3A_100, %get3A_101] : memref<1x16384xf32, #tpu.memory_space<vmem>>, vector<1x1024xf32>
    %bitcast_convert_type3A_103 = tpu.bitcast %get3A_102 : vector<1x1024xf32> -> vector<1x1024xi32>
    %lt3A_104 = arith.constant 0 : i32
    %lt3A_105 = vector.broadcast %lt3A_104 : i32 to vector<1x1024xi32>
    %lt3A_106 = arith.cmpi slt, %bitcast_convert_type3A_103, %lt3A_105 : vector<1x1024xi32>
    %xor3A_107 = arith.constant 2147483647 : i32
    %xor3A_108 = vector.broadcast %xor3A_107 : i32 to vector<1x1024xi32>
    %xor3A_109 = arith.xori %xor3A_108, %bitcast_convert_type3A_103 : vector<1x1024xi32>
    %select_n3A_110 = arith.select %lt3A_106, %xor3A_109, %bitcast_convert_type3A_103 : vector<1x1024xi1>, vector<1x1024xi32>
    %iota3A_111 = tpu.iota {dimensions = array<i32: 1>} : vector<1x1024xi32>
    %add3A_112 = arith.constant 3072 : i32
    %add3A_113 = vector.broadcast %add3A_112 : i32 to vector<1x1024xi32>
    %add3A_114 = arith.addi %iota3A_111, %add3A_113 : vector<1x1024xi32>
    %gt3A_115 = vector.broadcast %select_n3A_110 : vector<1x1024xi32> to vector<1024x1024xi32>
    %gt3A_116 = vector.broadcast %select_n3A : vector<1024x1xi32> to vector<1024x1024xi32>
    %gt3A_117 = arith.cmpi sgt, %gt3A_115, %gt3A_116 : vector<1024x1024xi32>
    %convert_element_type3A_118 = arith.extui %gt3A_117 : vector<1024x1024xi1> to vector<1024x1024xi32>
    %eq3A_119 = vector.broadcast %select_n3A_110 : vector<1x1024xi32> to vector<1024x1024xi32>
    %eq3A_120 = vector.broadcast %select_n3A : vector<1024x1xi32> to vector<1024x1024xi32>
    %eq3A_121 = arith.cmpi eq, %eq3A_119, %eq3A_120 : vector<1024x1024xi32>
    %lt3A_122 = vector.broadcast %add3A_114 : vector<1x1024xi32> to vector<1024x1024xi32>
    %lt3A_123 = vector.broadcast %add3A_7 : vector<1024x1xi32> to vector<1024x1024xi32>
    %lt3A_124 = arith.cmpi slt, %lt3A_122, %lt3A_123 : vector<1024x1024xi32>
    %and3A_125 = arith.andi %eq3A_121, %lt3A_124 : vector<1024x1024xi1>
    %convert_element_type3A_126 = arith.extui %and3A_125 : vector<1024x1024xi1> to vector<1024x1024xi32>
    %add3A_127 = arith.addi %convert_element_type3A_118, %convert_element_type3A_126 : vector<1024x1024xi32>
    %reduce_sum3A_128 = arith.constant dense<0> : vector<1024xi32>
    %reduce_sum3A_129 = vector.multi_reduction <add>, %add3A_127, %reduce_sum3A_128 [1] : vector<1024x1024xi32> to vector<1024xi32>
    %broadcast_in_dim3A_130 = vector.shape_cast %reduce_sum3A_129 : vector<1024xi32> to vector<1024x1xi32>
    %add3A_131 = arith.addi %add3A_99, %broadcast_in_dim3A_130 : vector<1024x1xi32>
    %get3A_132 = arith.constant 0 : index
    %get3A_133 = arith.constant 4096 : index
    %get3A_134 = vector.load %arg2[%get3A_132, %get3A_133] : memref<1x16384xf32, #tpu.memory_space<vmem>>, vector<1x1024xf32>
    %bitcast_convert_type3A_135 = tpu.bitcast %get3A_134 : vector<1x1024xf32> -> vector<1x1024xi32>
    %lt3A_136 = arith.constant 0 : i32
    %lt3A_137 = vector.broadcast %lt3A_136 : i32 to vector<1x1024xi32>
    %lt3A_138 = arith.cmpi slt, %bitcast_convert_type3A_135, %lt3A_137 : vector<1x1024xi32>
    %xor3A_139 = arith.constant 2147483647 : i32
    %xor3A_140 = vector.broadcast %xor3A_139 : i32 to vector<1x1024xi32>
    %xor3A_141 = arith.xori %xor3A_140, %bitcast_convert_type3A_135 : vector<1x1024xi32>
    %select_n3A_142 = arith.select %lt3A_138, %xor3A_141, %bitcast_convert_type3A_135 : vector<1x1024xi1>, vector<1x1024xi32>
    %iota3A_143 = tpu.iota {dimensions = array<i32: 1>} : vector<1x1024xi32>
    %add3A_144 = arith.constant 4096 : i32
    %add3A_145 = vector.broadcast %add3A_144 : i32 to vector<1x1024xi32>
    %add3A_146 = arith.addi %iota3A_143, %add3A_145 : vector<1x1024xi32>
    %gt3A_147 = vector.broadcast %select_n3A_142 : vector<1x1024xi32> to vector<1024x1024xi32>
    %gt3A_148 = vector.broadcast %select_n3A : vector<1024x1xi32> to vector<1024x1024xi32>
    %gt3A_149 = arith.cmpi sgt, %gt3A_147, %gt3A_148 : vector<1024x1024xi32>
    %convert_element_type3A_150 = arith.extui %gt3A_149 : vector<1024x1024xi1> to vector<1024x1024xi32>
    %eq3A_151 = vector.broadcast %select_n3A_142 : vector<1x1024xi32> to vector<1024x1024xi32>
    %eq3A_152 = vector.broadcast %select_n3A : vector<1024x1xi32> to vector<1024x1024xi32>
    %eq3A_153 = arith.cmpi eq, %eq3A_151, %eq3A_152 : vector<1024x1024xi32>
    %lt3A_154 = vector.broadcast %add3A_146 : vector<1x1024xi32> to vector<1024x1024xi32>
    %lt3A_155 = vector.broadcast %add3A_7 : vector<1024x1xi32> to vector<1024x1024xi32>
    %lt3A_156 = arith.cmpi slt, %lt3A_154, %lt3A_155 : vector<1024x1024xi32>
    %and3A_157 = arith.andi %eq3A_153, %lt3A_156 : vector<1024x1024xi1>
    %convert_element_type3A_158 = arith.extui %and3A_157 : vector<1024x1024xi1> to vector<1024x1024xi32>
    %add3A_159 = arith.addi %convert_element_type3A_150, %convert_element_type3A_158 : vector<1024x1024xi32>
    %reduce_sum3A_160 = arith.constant dense<0> : vector<1024xi32>
    %reduce_sum3A_161 = vector.multi_reduction <add>, %add3A_159, %reduce_sum3A_160 [1] : vector<1024x1024xi32> to vector<1024xi32>
    %broadcast_in_dim3A_162 = vector.shape_cast %reduce_sum3A_161 : vector<1024xi32> to vector<1024x1xi32>
    %add3A_163 = arith.addi %add3A_131, %broadcast_in_dim3A_162 : vector<1024x1xi32>
    %get3A_164 = arith.constant 0 : index
    %get3A_165 = arith.constant 5120 : index
    %get3A_166 = vector.load %arg2[%get3A_164, %get3A_165] : memref<1x16384xf32, #tpu.memory_space<vmem>>, vector<1x1024xf32>
    %bitcast_convert_type3A_167 = tpu.bitcast %get3A_166 : vector<1x1024xf32> -> vector<1x1024xi32>
    %lt3A_168 = arith.constant 0 : i32
    %lt3A_169 = vector.broadcast %lt3A_168 : i32 to vector<1x1024xi32>
    %lt3A_170 = arith.cmpi slt, %bitcast_convert_type3A_167, %lt3A_169 : vector<1x1024xi32>
    %xor3A_171 = arith.constant 2147483647 : i32
    %xor3A_172 = vector.broadcast %xor3A_171 : i32 to vector<1x1024xi32>
    %xor3A_173 = arith.xori %xor3A_172, %bitcast_convert_type3A_167 : vector<1x1024xi32>
    %select_n3A_174 = arith.select %lt3A_170, %xor3A_173, %bitcast_convert_type3A_167 : vector<1x1024xi1>, vector<1x1024xi32>
    %iota3A_175 = tpu.iota {dimensions = array<i32: 1>} : vector<1x1024xi32>
    %add3A_176 = arith.constant 5120 : i32
    %add3A_177 = vector.broadcast %add3A_176 : i32 to vector<1x1024xi32>
    %add3A_178 = arith.addi %iota3A_175, %add3A_177 : vector<1x1024xi32>
    %gt3A_179 = vector.broadcast %select_n3A_174 : vector<1x1024xi32> to vector<1024x1024xi32>
    %gt3A_180 = vector.broadcast %select_n3A : vector<1024x1xi32> to vector<1024x1024xi32>
    %gt3A_181 = arith.cmpi sgt, %gt3A_179, %gt3A_180 : vector<1024x1024xi32>
    %convert_element_type3A_182 = arith.extui %gt3A_181 : vector<1024x1024xi1> to vector<1024x1024xi32>
    %eq3A_183 = vector.broadcast %select_n3A_174 : vector<1x1024xi32> to vector<1024x1024xi32>
    %eq3A_184 = vector.broadcast %select_n3A : vector<1024x1xi32> to vector<1024x1024xi32>
    %eq3A_185 = arith.cmpi eq, %eq3A_183, %eq3A_184 : vector<1024x1024xi32>
    %lt3A_186 = vector.broadcast %add3A_178 : vector<1x1024xi32> to vector<1024x1024xi32>
    %lt3A_187 = vector.broadcast %add3A_7 : vector<1024x1xi32> to vector<1024x1024xi32>
    %lt3A_188 = arith.cmpi slt, %lt3A_186, %lt3A_187 : vector<1024x1024xi32>
    %and3A_189 = arith.andi %eq3A_185, %lt3A_188 : vector<1024x1024xi1>
    %convert_element_type3A_190 = arith.extui %and3A_189 : vector<1024x1024xi1> to vector<1024x1024xi32>
    %add3A_191 = arith.addi %convert_element_type3A_182, %convert_element_type3A_190 : vector<1024x1024xi32>
    %reduce_sum3A_192 = arith.constant dense<0> : vector<1024xi32>
    %reduce_sum3A_193 = vector.multi_reduction <add>, %add3A_191, %reduce_sum3A_192 [1] : vector<1024x1024xi32> to vector<1024xi32>
    %broadcast_in_dim3A_194 = vector.shape_cast %reduce_sum3A_193 : vector<1024xi32> to vector<1024x1xi32>
    %add3A_195 = arith.addi %add3A_163, %broadcast_in_dim3A_194 : vector<1024x1xi32>
    %get3A_196 = arith.constant 0 : index
    %get3A_197 = arith.constant 6144 : index
    %get3A_198 = vector.load %arg2[%get3A_196, %get3A_197] : memref<1x16384xf32, #tpu.memory_space<vmem>>, vector<1x1024xf32>
    %bitcast_convert_type3A_199 = tpu.bitcast %get3A_198 : vector<1x1024xf32> -> vector<1x1024xi32>
    %lt3A_200 = arith.constant 0 : i32
    %lt3A_201 = vector.broadcast %lt3A_200 : i32 to vector<1x1024xi32>
    %lt3A_202 = arith.cmpi slt, %bitcast_convert_type3A_199, %lt3A_201 : vector<1x1024xi32>
    %xor3A_203 = arith.constant 2147483647 : i32
    %xor3A_204 = vector.broadcast %xor3A_203 : i32 to vector<1x1024xi32>
    %xor3A_205 = arith.xori %xor3A_204, %bitcast_convert_type3A_199 : vector<1x1024xi32>
    %select_n3A_206 = arith.select %lt3A_202, %xor3A_205, %bitcast_convert_type3A_199 : vector<1x1024xi1>, vector<1x1024xi32>
    %iota3A_207 = tpu.iota {dimensions = array<i32: 1>} : vector<1x1024xi32>
    %add3A_208 = arith.constant 6144 : i32
    %add3A_209 = vector.broadcast %add3A_208 : i32 to vector<1x1024xi32>
    %add3A_210 = arith.addi %iota3A_207, %add3A_209 : vector<1x1024xi32>
    %gt3A_211 = vector.broadcast %select_n3A_206 : vector<1x1024xi32> to vector<1024x1024xi32>
    %gt3A_212 = vector.broadcast %select_n3A : vector<1024x1xi32> to vector<1024x1024xi32>
    %gt3A_213 = arith.cmpi sgt, %gt3A_211, %gt3A_212 : vector<1024x1024xi32>
    %convert_element_type3A_214 = arith.extui %gt3A_213 : vector<1024x1024xi1> to vector<1024x1024xi32>
    %eq3A_215 = vector.broadcast %select_n3A_206 : vector<1x1024xi32> to vector<1024x1024xi32>
    %eq3A_216 = vector.broadcast %select_n3A : vector<1024x1xi32> to vector<1024x1024xi32>
    %eq3A_217 = arith.cmpi eq, %eq3A_215, %eq3A_216 : vector<1024x1024xi32>
    %lt3A_218 = vector.broadcast %add3A_210 : vector<1x1024xi32> to vector<1024x1024xi32>
    %lt3A_219 = vector.broadcast %add3A_7 : vector<1024x1xi32> to vector<1024x1024xi32>
    %lt3A_220 = arith.cmpi slt, %lt3A_218, %lt3A_219 : vector<1024x1024xi32>
    %and3A_221 = arith.andi %eq3A_217, %lt3A_220 : vector<1024x1024xi1>
    %convert_element_type3A_222 = arith.extui %and3A_221 : vector<1024x1024xi1> to vector<1024x1024xi32>
    %add3A_223 = arith.addi %convert_element_type3A_214, %convert_element_type3A_222 : vector<1024x1024xi32>
    %reduce_sum3A_224 = arith.constant dense<0> : vector<1024xi32>
    %reduce_sum3A_225 = vector.multi_reduction <add>, %add3A_223, %reduce_sum3A_224 [1] : vector<1024x1024xi32> to vector<1024xi32>
    %broadcast_in_dim3A_226 = vector.shape_cast %reduce_sum3A_225 : vector<1024xi32> to vector<1024x1xi32>
    %add3A_227 = arith.addi %add3A_195, %broadcast_in_dim3A_226 : vector<1024x1xi32>
    %get3A_228 = arith.constant 0 : index
    %get3A_229 = arith.constant 7168 : index
    %get3A_230 = vector.load %arg2[%get3A_228, %get3A_229] : memref<1x16384xf32, #tpu.memory_space<vmem>>, vector<1x1024xf32>
    %bitcast_convert_type3A_231 = tpu.bitcast %get3A_230 : vector<1x1024xf32> -> vector<1x1024xi32>
    %lt3A_232 = arith.constant 0 : i32
    %lt3A_233 = vector.broadcast %lt3A_232 : i32 to vector<1x1024xi32>
    %lt3A_234 = arith.cmpi slt, %bitcast_convert_type3A_231, %lt3A_233 : vector<1x1024xi32>
    %xor3A_235 = arith.constant 2147483647 : i32
    %xor3A_236 = vector.broadcast %xor3A_235 : i32 to vector<1x1024xi32>
    %xor3A_237 = arith.xori %xor3A_236, %bitcast_convert_type3A_231 : vector<1x1024xi32>
    %select_n3A_238 = arith.select %lt3A_234, %xor3A_237, %bitcast_convert_type3A_231 : vector<1x1024xi1>, vector<1x1024xi32>
    %iota3A_239 = tpu.iota {dimensions = array<i32: 1>} : vector<1x1024xi32>
    %add3A_240 = arith.constant 7168 : i32
    %add3A_241 = vector.broadcast %add3A_240 : i32 to vector<1x1024xi32>
    %add3A_242 = arith.addi %iota3A_239, %add3A_241 : vector<1x1024xi32>
    %gt3A_243 = vector.broadcast %select_n3A_238 : vector<1x1024xi32> to vector<1024x1024xi32>
    %gt3A_244 = vector.broadcast %select_n3A : vector<1024x1xi32> to vector<1024x1024xi32>
    %gt3A_245 = arith.cmpi sgt, %gt3A_243, %gt3A_244 : vector<1024x1024xi32>
    %convert_element_type3A_246 = arith.extui %gt3A_245 : vector<1024x1024xi1> to vector<1024x1024xi32>
    %eq3A_247 = vector.broadcast %select_n3A_238 : vector<1x1024xi32> to vector<1024x1024xi32>
    %eq3A_248 = vector.broadcast %select_n3A : vector<1024x1xi32> to vector<1024x1024xi32>
    %eq3A_249 = arith.cmpi eq, %eq3A_247, %eq3A_248 : vector<1024x1024xi32>
    %lt3A_250 = vector.broadcast %add3A_242 : vector<1x1024xi32> to vector<1024x1024xi32>
    %lt3A_251 = vector.broadcast %add3A_7 : vector<1024x1xi32> to vector<1024x1024xi32>
    %lt3A_252 = arith.cmpi slt, %lt3A_250, %lt3A_251 : vector<1024x1024xi32>
    %and3A_253 = arith.andi %eq3A_249, %lt3A_252 : vector<1024x1024xi1>
    %convert_element_type3A_254 = arith.extui %and3A_253 : vector<1024x1024xi1> to vector<1024x1024xi32>
    %add3A_255 = arith.addi %convert_element_type3A_246, %convert_element_type3A_254 : vector<1024x1024xi32>
    %reduce_sum3A_256 = arith.constant dense<0> : vector<1024xi32>
    %reduce_sum3A_257 = vector.multi_reduction <add>, %add3A_255, %reduce_sum3A_256 [1] : vector<1024x1024xi32> to vector<1024xi32>
    %broadcast_in_dim3A_258 = vector.shape_cast %reduce_sum3A_257 : vector<1024xi32> to vector<1024x1xi32>
    %add3A_259 = arith.addi %add3A_227, %broadcast_in_dim3A_258 : vector<1024x1xi32>
    %get3A_260 = arith.constant 0 : index
    %get3A_261 = arith.constant 8192 : index
    %get3A_262 = vector.load %arg2[%get3A_260, %get3A_261] : memref<1x16384xf32, #tpu.memory_space<vmem>>, vector<1x1024xf32>
    %bitcast_convert_type3A_263 = tpu.bitcast %get3A_262 : vector<1x1024xf32> -> vector<1x1024xi32>
    %lt3A_264 = arith.constant 0 : i32
    %lt3A_265 = vector.broadcast %lt3A_264 : i32 to vector<1x1024xi32>
    %lt3A_266 = arith.cmpi slt, %bitcast_convert_type3A_263, %lt3A_265 : vector<1x1024xi32>
    %xor3A_267 = arith.constant 2147483647 : i32
    %xor3A_268 = vector.broadcast %xor3A_267 : i32 to vector<1x1024xi32>
    %xor3A_269 = arith.xori %xor3A_268, %bitcast_convert_type3A_263 : vector<1x1024xi32>
    %select_n3A_270 = arith.select %lt3A_266, %xor3A_269, %bitcast_convert_type3A_263 : vector<1x1024xi1>, vector<1x1024xi32>
    %iota3A_271 = tpu.iota {dimensions = array<i32: 1>} : vector<1x1024xi32>
    %add3A_272 = arith.constant 8192 : i32
    %add3A_273 = vector.broadcast %add3A_272 : i32 to vector<1x1024xi32>
    %add3A_274 = arith.addi %iota3A_271, %add3A_273 : vector<1x1024xi32>
    %gt3A_275 = vector.broadcast %select_n3A_270 : vector<1x1024xi32> to vector<1024x1024xi32>
    %gt3A_276 = vector.broadcast %select_n3A : vector<1024x1xi32> to vector<1024x1024xi32>
    %gt3A_277 = arith.cmpi sgt, %gt3A_275, %gt3A_276 : vector<1024x1024xi32>
    %convert_element_type3A_278 = arith.extui %gt3A_277 : vector<1024x1024xi1> to vector<1024x1024xi32>
    %eq3A_279 = vector.broadcast %select_n3A_270 : vector<1x1024xi32> to vector<1024x1024xi32>
    %eq3A_280 = vector.broadcast %select_n3A : vector<1024x1xi32> to vector<1024x1024xi32>
    %eq3A_281 = arith.cmpi eq, %eq3A_279, %eq3A_280 : vector<1024x1024xi32>
    %lt3A_282 = vector.broadcast %add3A_274 : vector<1x1024xi32> to vector<1024x1024xi32>
    %lt3A_283 = vector.broadcast %add3A_7 : vector<1024x1xi32> to vector<1024x1024xi32>
    %lt3A_284 = arith.cmpi slt, %lt3A_282, %lt3A_283 : vector<1024x1024xi32>
    %and3A_285 = arith.andi %eq3A_281, %lt3A_284 : vector<1024x1024xi1>
    %convert_element_type3A_286 = arith.extui %and3A_285 : vector<1024x1024xi1> to vector<1024x1024xi32>
    %add3A_287 = arith.addi %convert_element_type3A_278, %convert_element_type3A_286 : vector<1024x1024xi32>
    %reduce_sum3A_288 = arith.constant dense<0> : vector<1024xi32>
    %reduce_sum3A_289 = vector.multi_reduction <add>, %add3A_287, %reduce_sum3A_288 [1] : vector<1024x1024xi32> to vector<1024xi32>
    %broadcast_in_dim3A_290 = vector.shape_cast %reduce_sum3A_289 : vector<1024xi32> to vector<1024x1xi32>
    %add3A_291 = arith.addi %add3A_259, %broadcast_in_dim3A_290 : vector<1024x1xi32>
    %get3A_292 = arith.constant 0 : index
    %get3A_293 = arith.constant 9216 : index
    %get3A_294 = vector.load %arg2[%get3A_292, %get3A_293] : memref<1x16384xf32, #tpu.memory_space<vmem>>, vector<1x1024xf32>
    %bitcast_convert_type3A_295 = tpu.bitcast %get3A_294 : vector<1x1024xf32> -> vector<1x1024xi32>
    %lt3A_296 = arith.constant 0 : i32
    %lt3A_297 = vector.broadcast %lt3A_296 : i32 to vector<1x1024xi32>
    %lt3A_298 = arith.cmpi slt, %bitcast_convert_type3A_295, %lt3A_297 : vector<1x1024xi32>
    %xor3A_299 = arith.constant 2147483647 : i32
    %xor3A_300 = vector.broadcast %xor3A_299 : i32 to vector<1x1024xi32>
    %xor3A_301 = arith.xori %xor3A_300, %bitcast_convert_type3A_295 : vector<1x1024xi32>
    %select_n3A_302 = arith.select %lt3A_298, %xor3A_301, %bitcast_convert_type3A_295 : vector<1x1024xi1>, vector<1x1024xi32>
    %iota3A_303 = tpu.iota {dimensions = array<i32: 1>} : vector<1x1024xi32>
    %add3A_304 = arith.constant 9216 : i32
    %add3A_305 = vector.broadcast %add3A_304 : i32 to vector<1x1024xi32>
    %add3A_306 = arith.addi %iota3A_303, %add3A_305 : vector<1x1024xi32>
    %gt3A_307 = vector.broadcast %select_n3A_302 : vector<1x1024xi32> to vector<1024x1024xi32>
    %gt3A_308 = vector.broadcast %select_n3A : vector<1024x1xi32> to vector<1024x1024xi32>
    %gt3A_309 = arith.cmpi sgt, %gt3A_307, %gt3A_308 : vector<1024x1024xi32>
    %convert_element_type3A_310 = arith.extui %gt3A_309 : vector<1024x1024xi1> to vector<1024x1024xi32>
    %eq3A_311 = vector.broadcast %select_n3A_302 : vector<1x1024xi32> to vector<1024x1024xi32>
    %eq3A_312 = vector.broadcast %select_n3A : vector<1024x1xi32> to vector<1024x1024xi32>
    %eq3A_313 = arith.cmpi eq, %eq3A_311, %eq3A_312 : vector<1024x1024xi32>
    %lt3A_314 = vector.broadcast %add3A_306 : vector<1x1024xi32> to vector<1024x1024xi32>
    %lt3A_315 = vector.broadcast %add3A_7 : vector<1024x1xi32> to vector<1024x1024xi32>
    %lt3A_316 = arith.cmpi slt, %lt3A_314, %lt3A_315 : vector<1024x1024xi32>
    %and3A_317 = arith.andi %eq3A_313, %lt3A_316 : vector<1024x1024xi1>
    %convert_element_type3A_318 = arith.extui %and3A_317 : vector<1024x1024xi1> to vector<1024x1024xi32>
    %add3A_319 = arith.addi %convert_element_type3A_310, %convert_element_type3A_318 : vector<1024x1024xi32>
    %reduce_sum3A_320 = arith.constant dense<0> : vector<1024xi32>
    %reduce_sum3A_321 = vector.multi_reduction <add>, %add3A_319, %reduce_sum3A_320 [1] : vector<1024x1024xi32> to vector<1024xi32>
    %broadcast_in_dim3A_322 = vector.shape_cast %reduce_sum3A_321 : vector<1024xi32> to vector<1024x1xi32>
    %add3A_323 = arith.addi %add3A_291, %broadcast_in_dim3A_322 : vector<1024x1xi32>
    %get3A_324 = arith.constant 0 : index
    %get3A_325 = arith.constant 10240 : index
    %get3A_326 = vector.load %arg2[%get3A_324, %get3A_325] : memref<1x16384xf32, #tpu.memory_space<vmem>>, vector<1x1024xf32>
    %bitcast_convert_type3A_327 = tpu.bitcast %get3A_326 : vector<1x1024xf32> -> vector<1x1024xi32>
    %lt3A_328 = arith.constant 0 : i32
    %lt3A_329 = vector.broadcast %lt3A_328 : i32 to vector<1x1024xi32>
    %lt3A_330 = arith.cmpi slt, %bitcast_convert_type3A_327, %lt3A_329 : vector<1x1024xi32>
    %xor3A_331 = arith.constant 2147483647 : i32
    %xor3A_332 = vector.broadcast %xor3A_331 : i32 to vector<1x1024xi32>
    %xor3A_333 = arith.xori %xor3A_332, %bitcast_convert_type3A_327 : vector<1x1024xi32>
    %select_n3A_334 = arith.select %lt3A_330, %xor3A_333, %bitcast_convert_type3A_327 : vector<1x1024xi1>, vector<1x1024xi32>
    %iota3A_335 = tpu.iota {dimensions = array<i32: 1>} : vector<1x1024xi32>
    %add3A_336 = arith.constant 10240 : i32
    %add3A_337 = vector.broadcast %add3A_336 : i32 to vector<1x1024xi32>
    %add3A_338 = arith.addi %iota3A_335, %add3A_337 : vector<1x1024xi32>
    %gt3A_339 = vector.broadcast %select_n3A_334 : vector<1x1024xi32> to vector<1024x1024xi32>
    %gt3A_340 = vector.broadcast %select_n3A : vector<1024x1xi32> to vector<1024x1024xi32>
    %gt3A_341 = arith.cmpi sgt, %gt3A_339, %gt3A_340 : vector<1024x1024xi32>
    %convert_element_type3A_342 = arith.extui %gt3A_341 : vector<1024x1024xi1> to vector<1024x1024xi32>
    %eq3A_343 = vector.broadcast %select_n3A_334 : vector<1x1024xi32> to vector<1024x1024xi32>
    %eq3A_344 = vector.broadcast %select_n3A : vector<1024x1xi32> to vector<1024x1024xi32>
    %eq3A_345 = arith.cmpi eq, %eq3A_343, %eq3A_344 : vector<1024x1024xi32>
    %lt3A_346 = vector.broadcast %add3A_338 : vector<1x1024xi32> to vector<1024x1024xi32>
    %lt3A_347 = vector.broadcast %add3A_7 : vector<1024x1xi32> to vector<1024x1024xi32>
    %lt3A_348 = arith.cmpi slt, %lt3A_346, %lt3A_347 : vector<1024x1024xi32>
    %and3A_349 = arith.andi %eq3A_345, %lt3A_348 : vector<1024x1024xi1>
    %convert_element_type3A_350 = arith.extui %and3A_349 : vector<1024x1024xi1> to vector<1024x1024xi32>
    %add3A_351 = arith.addi %convert_element_type3A_342, %convert_element_type3A_350 : vector<1024x1024xi32>
    %reduce_sum3A_352 = arith.constant dense<0> : vector<1024xi32>
    %reduce_sum3A_353 = vector.multi_reduction <add>, %add3A_351, %reduce_sum3A_352 [1] : vector<1024x1024xi32> to vector<1024xi32>
    %broadcast_in_dim3A_354 = vector.shape_cast %reduce_sum3A_353 : vector<1024xi32> to vector<1024x1xi32>
    %add3A_355 = arith.addi %add3A_323, %broadcast_in_dim3A_354 : vector<1024x1xi32>
    %get3A_356 = arith.constant 0 : index
    %get3A_357 = arith.constant 11264 : index
    %get3A_358 = vector.load %arg2[%get3A_356, %get3A_357] : memref<1x16384xf32, #tpu.memory_space<vmem>>, vector<1x1024xf32>
    %bitcast_convert_type3A_359 = tpu.bitcast %get3A_358 : vector<1x1024xf32> -> vector<1x1024xi32>
    %lt3A_360 = arith.constant 0 : i32
    %lt3A_361 = vector.broadcast %lt3A_360 : i32 to vector<1x1024xi32>
    %lt3A_362 = arith.cmpi slt, %bitcast_convert_type3A_359, %lt3A_361 : vector<1x1024xi32>
    %xor3A_363 = arith.constant 2147483647 : i32
    %xor3A_364 = vector.broadcast %xor3A_363 : i32 to vector<1x1024xi32>
    %xor3A_365 = arith.xori %xor3A_364, %bitcast_convert_type3A_359 : vector<1x1024xi32>
    %select_n3A_366 = arith.select %lt3A_362, %xor3A_365, %bitcast_convert_type3A_359 : vector<1x1024xi1>, vector<1x1024xi32>
    %iota3A_367 = tpu.iota {dimensions = array<i32: 1>} : vector<1x1024xi32>
    %add3A_368 = arith.constant 11264 : i32
    %add3A_369 = vector.broadcast %add3A_368 : i32 to vector<1x1024xi32>
    %add3A_370 = arith.addi %iota3A_367, %add3A_369 : vector<1x1024xi32>
    %gt3A_371 = vector.broadcast %select_n3A_366 : vector<1x1024xi32> to vector<1024x1024xi32>
    %gt3A_372 = vector.broadcast %select_n3A : vector<1024x1xi32> to vector<1024x1024xi32>
    %gt3A_373 = arith.cmpi sgt, %gt3A_371, %gt3A_372 : vector<1024x1024xi32>
    %convert_element_type3A_374 = arith.extui %gt3A_373 : vector<1024x1024xi1> to vector<1024x1024xi32>
    %eq3A_375 = vector.broadcast %select_n3A_366 : vector<1x1024xi32> to vector<1024x1024xi32>
    %eq3A_376 = vector.broadcast %select_n3A : vector<1024x1xi32> to vector<1024x1024xi32>
    %eq3A_377 = arith.cmpi eq, %eq3A_375, %eq3A_376 : vector<1024x1024xi32>
    %lt3A_378 = vector.broadcast %add3A_370 : vector<1x1024xi32> to vector<1024x1024xi32>
    %lt3A_379 = vector.broadcast %add3A_7 : vector<1024x1xi32> to vector<1024x1024xi32>
    %lt3A_380 = arith.cmpi slt, %lt3A_378, %lt3A_379 : vector<1024x1024xi32>
    %and3A_381 = arith.andi %eq3A_377, %lt3A_380 : vector<1024x1024xi1>
    %convert_element_type3A_382 = arith.extui %and3A_381 : vector<1024x1024xi1> to vector<1024x1024xi32>
    %add3A_383 = arith.addi %convert_element_type3A_374, %convert_element_type3A_382 : vector<1024x1024xi32>
    %reduce_sum3A_384 = arith.constant dense<0> : vector<1024xi32>
    %reduce_sum3A_385 = vector.multi_reduction <add>, %add3A_383, %reduce_sum3A_384 [1] : vector<1024x1024xi32> to vector<1024xi32>
    %broadcast_in_dim3A_386 = vector.shape_cast %reduce_sum3A_385 : vector<1024xi32> to vector<1024x1xi32>
    %add3A_387 = arith.addi %add3A_355, %broadcast_in_dim3A_386 : vector<1024x1xi32>
    %get3A_388 = arith.constant 0 : index
    %get3A_389 = arith.constant 12288 : index
    %get3A_390 = vector.load %arg2[%get3A_388, %get3A_389] : memref<1x16384xf32, #tpu.memory_space<vmem>>, vector<1x1024xf32>
    %bitcast_convert_type3A_391 = tpu.bitcast %get3A_390 : vector<1x1024xf32> -> vector<1x1024xi32>
    %lt3A_392 = arith.constant 0 : i32
    %lt3A_393 = vector.broadcast %lt3A_392 : i32 to vector<1x1024xi32>
    %lt3A_394 = arith.cmpi slt, %bitcast_convert_type3A_391, %lt3A_393 : vector<1x1024xi32>
    %xor3A_395 = arith.constant 2147483647 : i32
    %xor3A_396 = vector.broadcast %xor3A_395 : i32 to vector<1x1024xi32>
    %xor3A_397 = arith.xori %xor3A_396, %bitcast_convert_type3A_391 : vector<1x1024xi32>
    %select_n3A_398 = arith.select %lt3A_394, %xor3A_397, %bitcast_convert_type3A_391 : vector<1x1024xi1>, vector<1x1024xi32>
    %iota3A_399 = tpu.iota {dimensions = array<i32: 1>} : vector<1x1024xi32>
    %add3A_400 = arith.constant 12288 : i32
    %add3A_401 = vector.broadcast %add3A_400 : i32 to vector<1x1024xi32>
    %add3A_402 = arith.addi %iota3A_399, %add3A_401 : vector<1x1024xi32>
    %gt3A_403 = vector.broadcast %select_n3A_398 : vector<1x1024xi32> to vector<1024x1024xi32>
    %gt3A_404 = vector.broadcast %select_n3A : vector<1024x1xi32> to vector<1024x1024xi32>
    %gt3A_405 = arith.cmpi sgt, %gt3A_403, %gt3A_404 : vector<1024x1024xi32>
    %convert_element_type3A_406 = arith.extui %gt3A_405 : vector<1024x1024xi1> to vector<1024x1024xi32>
    %eq3A_407 = vector.broadcast %select_n3A_398 : vector<1x1024xi32> to vector<1024x1024xi32>
    %eq3A_408 = vector.broadcast %select_n3A : vector<1024x1xi32> to vector<1024x1024xi32>
    %eq3A_409 = arith.cmpi eq, %eq3A_407, %eq3A_408 : vector<1024x1024xi32>
    %lt3A_410 = vector.broadcast %add3A_402 : vector<1x1024xi32> to vector<1024x1024xi32>
    %lt3A_411 = vector.broadcast %add3A_7 : vector<1024x1xi32> to vector<1024x1024xi32>
    %lt3A_412 = arith.cmpi slt, %lt3A_410, %lt3A_411 : vector<1024x1024xi32>
    %and3A_413 = arith.andi %eq3A_409, %lt3A_412 : vector<1024x1024xi1>
    %convert_element_type3A_414 = arith.extui %and3A_413 : vector<1024x1024xi1> to vector<1024x1024xi32>
    %add3A_415 = arith.addi %convert_element_type3A_406, %convert_element_type3A_414 : vector<1024x1024xi32>
    %reduce_sum3A_416 = arith.constant dense<0> : vector<1024xi32>
    %reduce_sum3A_417 = vector.multi_reduction <add>, %add3A_415, %reduce_sum3A_416 [1] : vector<1024x1024xi32> to vector<1024xi32>
    %broadcast_in_dim3A_418 = vector.shape_cast %reduce_sum3A_417 : vector<1024xi32> to vector<1024x1xi32>
    %add3A_419 = arith.addi %add3A_387, %broadcast_in_dim3A_418 : vector<1024x1xi32>
    %get3A_420 = arith.constant 0 : index
    %get3A_421 = arith.constant 13312 : index
    %get3A_422 = vector.load %arg2[%get3A_420, %get3A_421] : memref<1x16384xf32, #tpu.memory_space<vmem>>, vector<1x1024xf32>
    %bitcast_convert_type3A_423 = tpu.bitcast %get3A_422 : vector<1x1024xf32> -> vector<1x1024xi32>
    %lt3A_424 = arith.constant 0 : i32
    %lt3A_425 = vector.broadcast %lt3A_424 : i32 to vector<1x1024xi32>
    %lt3A_426 = arith.cmpi slt, %bitcast_convert_type3A_423, %lt3A_425 : vector<1x1024xi32>
    %xor3A_427 = arith.constant 2147483647 : i32
    %xor3A_428 = vector.broadcast %xor3A_427 : i32 to vector<1x1024xi32>
    %xor3A_429 = arith.xori %xor3A_428, %bitcast_convert_type3A_423 : vector<1x1024xi32>
    %select_n3A_430 = arith.select %lt3A_426, %xor3A_429, %bitcast_convert_type3A_423 : vector<1x1024xi1>, vector<1x1024xi32>
    %iota3A_431 = tpu.iota {dimensions = array<i32: 1>} : vector<1x1024xi32>
    %add3A_432 = arith.constant 13312 : i32
    %add3A_433 = vector.broadcast %add3A_432 : i32 to vector<1x1024xi32>
    %add3A_434 = arith.addi %iota3A_431, %add3A_433 : vector<1x1024xi32>
    %gt3A_435 = vector.broadcast %select_n3A_430 : vector<1x1024xi32> to vector<1024x1024xi32>
    %gt3A_436 = vector.broadcast %select_n3A : vector<1024x1xi32> to vector<1024x1024xi32>
    %gt3A_437 = arith.cmpi sgt, %gt3A_435, %gt3A_436 : vector<1024x1024xi32>
    %convert_element_type3A_438 = arith.extui %gt3A_437 : vector<1024x1024xi1> to vector<1024x1024xi32>
    %eq3A_439 = vector.broadcast %select_n3A_430 : vector<1x1024xi32> to vector<1024x1024xi32>
    %eq3A_440 = vector.broadcast %select_n3A : vector<1024x1xi32> to vector<1024x1024xi32>
    %eq3A_441 = arith.cmpi eq, %eq3A_439, %eq3A_440 : vector<1024x1024xi32>
    %lt3A_442 = vector.broadcast %add3A_434 : vector<1x1024xi32> to vector<1024x1024xi32>
    %lt3A_443 = vector.broadcast %add3A_7 : vector<1024x1xi32> to vector<1024x1024xi32>
    %lt3A_444 = arith.cmpi slt, %lt3A_442, %lt3A_443 : vector<1024x1024xi32>
    %and3A_445 = arith.andi %eq3A_441, %lt3A_444 : vector<1024x1024xi1>
    %convert_element_type3A_446 = arith.extui %and3A_445 : vector<1024x1024xi1> to vector<1024x1024xi32>
    %add3A_447 = arith.addi %convert_element_type3A_438, %convert_element_type3A_446 : vector<1024x1024xi32>
    %reduce_sum3A_448 = arith.constant dense<0> : vector<1024xi32>
    %reduce_sum3A_449 = vector.multi_reduction <add>, %add3A_447, %reduce_sum3A_448 [1] : vector<1024x1024xi32> to vector<1024xi32>
    %broadcast_in_dim3A_450 = vector.shape_cast %reduce_sum3A_449 : vector<1024xi32> to vector<1024x1xi32>
    %add3A_451 = arith.addi %add3A_419, %broadcast_in_dim3A_450 : vector<1024x1xi32>
    %get3A_452 = arith.constant 0 : index
    %get3A_453 = arith.constant 14336 : index
    %get3A_454 = vector.load %arg2[%get3A_452, %get3A_453] : memref<1x16384xf32, #tpu.memory_space<vmem>>, vector<1x1024xf32>
    %bitcast_convert_type3A_455 = tpu.bitcast %get3A_454 : vector<1x1024xf32> -> vector<1x1024xi32>
    %lt3A_456 = arith.constant 0 : i32
    %lt3A_457 = vector.broadcast %lt3A_456 : i32 to vector<1x1024xi32>
    %lt3A_458 = arith.cmpi slt, %bitcast_convert_type3A_455, %lt3A_457 : vector<1x1024xi32>
    %xor3A_459 = arith.constant 2147483647 : i32
    %xor3A_460 = vector.broadcast %xor3A_459 : i32 to vector<1x1024xi32>
    %xor3A_461 = arith.xori %xor3A_460, %bitcast_convert_type3A_455 : vector<1x1024xi32>
    %select_n3A_462 = arith.select %lt3A_458, %xor3A_461, %bitcast_convert_type3A_455 : vector<1x1024xi1>, vector<1x1024xi32>
    %iota3A_463 = tpu.iota {dimensions = array<i32: 1>} : vector<1x1024xi32>
    %add3A_464 = arith.constant 14336 : i32
    %add3A_465 = vector.broadcast %add3A_464 : i32 to vector<1x1024xi32>
    %add3A_466 = arith.addi %iota3A_463, %add3A_465 : vector<1x1024xi32>
    %gt3A_467 = vector.broadcast %select_n3A_462 : vector<1x1024xi32> to vector<1024x1024xi32>
    %gt3A_468 = vector.broadcast %select_n3A : vector<1024x1xi32> to vector<1024x1024xi32>
    %gt3A_469 = arith.cmpi sgt, %gt3A_467, %gt3A_468 : vector<1024x1024xi32>
    %convert_element_type3A_470 = arith.extui %gt3A_469 : vector<1024x1024xi1> to vector<1024x1024xi32>
    %eq3A_471 = vector.broadcast %select_n3A_462 : vector<1x1024xi32> to vector<1024x1024xi32>
    %eq3A_472 = vector.broadcast %select_n3A : vector<1024x1xi32> to vector<1024x1024xi32>
    %eq3A_473 = arith.cmpi eq, %eq3A_471, %eq3A_472 : vector<1024x1024xi32>
    %lt3A_474 = vector.broadcast %add3A_466 : vector<1x1024xi32> to vector<1024x1024xi32>
    %lt3A_475 = vector.broadcast %add3A_7 : vector<1024x1xi32> to vector<1024x1024xi32>
    %lt3A_476 = arith.cmpi slt, %lt3A_474, %lt3A_475 : vector<1024x1024xi32>
    %and3A_477 = arith.andi %eq3A_473, %lt3A_476 : vector<1024x1024xi1>
    %convert_element_type3A_478 = arith.extui %and3A_477 : vector<1024x1024xi1> to vector<1024x1024xi32>
    %add3A_479 = arith.addi %convert_element_type3A_470, %convert_element_type3A_478 : vector<1024x1024xi32>
    %reduce_sum3A_480 = arith.constant dense<0> : vector<1024xi32>
    %reduce_sum3A_481 = vector.multi_reduction <add>, %add3A_479, %reduce_sum3A_480 [1] : vector<1024x1024xi32> to vector<1024xi32>
    %broadcast_in_dim3A_482 = vector.shape_cast %reduce_sum3A_481 : vector<1024xi32> to vector<1024x1xi32>
    %add3A_483 = arith.addi %add3A_451, %broadcast_in_dim3A_482 : vector<1024x1xi32>
    %get3A_484 = arith.constant 0 : index
    %get3A_485 = arith.constant 15360 : index
    %get3A_486 = vector.load %arg2[%get3A_484, %get3A_485] : memref<1x16384xf32, #tpu.memory_space<vmem>>, vector<1x1024xf32>
    %bitcast_convert_type3A_487 = tpu.bitcast %get3A_486 : vector<1x1024xf32> -> vector<1x1024xi32>
    %lt3A_488 = arith.constant 0 : i32
    %lt3A_489 = vector.broadcast %lt3A_488 : i32 to vector<1x1024xi32>
    %lt3A_490 = arith.cmpi slt, %bitcast_convert_type3A_487, %lt3A_489 : vector<1x1024xi32>
    %xor3A_491 = arith.constant 2147483647 : i32
    %xor3A_492 = vector.broadcast %xor3A_491 : i32 to vector<1x1024xi32>
    %xor3A_493 = arith.xori %xor3A_492, %bitcast_convert_type3A_487 : vector<1x1024xi32>
    %select_n3A_494 = arith.select %lt3A_490, %xor3A_493, %bitcast_convert_type3A_487 : vector<1x1024xi1>, vector<1x1024xi32>
    %iota3A_495 = tpu.iota {dimensions = array<i32: 1>} : vector<1x1024xi32>
    %add3A_496 = arith.constant 15360 : i32
    %add3A_497 = vector.broadcast %add3A_496 : i32 to vector<1x1024xi32>
    %add3A_498 = arith.addi %iota3A_495, %add3A_497 : vector<1x1024xi32>
    %gt3A_499 = vector.broadcast %select_n3A_494 : vector<1x1024xi32> to vector<1024x1024xi32>
    %gt3A_500 = vector.broadcast %select_n3A : vector<1024x1xi32> to vector<1024x1024xi32>
    %gt3A_501 = arith.cmpi sgt, %gt3A_499, %gt3A_500 : vector<1024x1024xi32>
    %convert_element_type3A_502 = arith.extui %gt3A_501 : vector<1024x1024xi1> to vector<1024x1024xi32>
    %eq3A_503 = vector.broadcast %select_n3A_494 : vector<1x1024xi32> to vector<1024x1024xi32>
    %eq3A_504 = vector.broadcast %select_n3A : vector<1024x1xi32> to vector<1024x1024xi32>
    %eq3A_505 = arith.cmpi eq, %eq3A_503, %eq3A_504 : vector<1024x1024xi32>
    %lt3A_506 = vector.broadcast %add3A_498 : vector<1x1024xi32> to vector<1024x1024xi32>
    %lt3A_507 = vector.broadcast %add3A_7 : vector<1024x1xi32> to vector<1024x1024xi32>
    %lt3A_508 = arith.cmpi slt, %lt3A_506, %lt3A_507 : vector<1024x1024xi32>
    %and3A_509 = arith.andi %eq3A_505, %lt3A_508 : vector<1024x1024xi1>
    %convert_element_type3A_510 = arith.extui %and3A_509 : vector<1024x1024xi1> to vector<1024x1024xi32>
    %add3A_511 = arith.addi %convert_element_type3A_502, %convert_element_type3A_510 : vector<1024x1024xi32>
    %reduce_sum3A_512 = arith.constant dense<0> : vector<1024xi32>
    %reduce_sum3A_513 = vector.multi_reduction <add>, %add3A_511, %reduce_sum3A_512 [1] : vector<1024x1024xi32> to vector<1024xi32>
    %broadcast_in_dim3A_514 = vector.shape_cast %reduce_sum3A_513 : vector<1024xi32> to vector<1024x1xi32>
    %add3A_515 = arith.addi %add3A_483, %broadcast_in_dim3A_514 : vector<1024x1xi32>
    %swap3A = arith.constant 0 : index
    %swap3A_516 = arith.constant 0 : index
    %swap3A_517 = vector.load %arg3[%swap3A, %swap3A_516] : memref<1024x1xi32, #tpu.memory_space<vmem>>, vector<1024x1xi32>
    tpu.vector_store %arg3[%swap3A, %swap3A_516], %add3A_515 {strides = array<i32>} : memref<1024x1xi32, #tpu.memory_space<vmem>>, vector<1024x1xi32>,
    return
  }
  func.func @transform_0(%arg0: i32) -> (i32, i32) {
    %c0_i32 = arith.constant 0 : i32
    %c0_i32_0 = arith.constant 0 : i32
    return %arg0, %c0_i32 : i32, i32
  }
  func.func @transform_1(%arg0: i32) -> (i32, i32) {
    %c0_i32 = arith.constant 0 : i32
    %c0_i32_0 = arith.constant 0 : i32
    %c0_i32_1 = arith.constant 0 : i32
    return %c0_i32, %c0_i32_0 : i32, i32
  }
  func.func @transform_2(%arg0: i32) -> (i32, i32) {
    %c0_i32 = arith.constant 0 : i32
    %c0_i32_0 = arith.constant 0 : i32
    return %arg0, %c0_i32 : i32, i32
  }
}

module attributes {stable_mosaic.version = 14 : i64} {
  func.func @_select_body(%arg0: i32, %arg1: memref<16384x1xi32, #tpu.memory_space<vmem>>, %arg2: memref<1x1024xi32, #tpu.memory_space<vmem>>) attributes {dimension_semantics = [#tpu.dimension_semantics<arbitrary>], iteration_bounds = array<i64: 7>, scalar_prefetch = 0 : i64, scratch_operands = 0 : i64, tpu.core_type = #tpu.core_type<tc>, window_params = [{pipeline_mode = #tpu.pipeline_mode<synchronous>, transform_indices = @transform_0, window_bounds = array<i64: 16384, 1>}, {transform_indices = @transform_1, window_bounds = array<i64: 1, 1024>}]} {
    %iota3A = tpu.iota {dimensions = array<i32: 1>} : vector<1x1024xi32>
    %mul3A = arith.constant 1024 : i32
    %mul3A_0 = arith.muli %arg0, %mul3A : i32
    %add3A = vector.broadcast %mul3A_0 : i32 to vector<1x1024xi32>
    %add3A_1 = arith.addi %iota3A, %add3A : vector<1x1024xi32>
    %broadcast_in_dim3A = arith.constant 0 : i32
    %broadcast_in_dim3A_2 = vector.broadcast %broadcast_in_dim3A : i32 to vector<1x1024xi32>
    %get3A = arith.constant 0 : index
    %get3A_3 = arith.constant 0 : index
    %get3A_4 = vector.load %arg1[%get3A, %get3A_3] : memref<16384x1xi32, #tpu.memory_space<vmem>>, vector<1024x1xi32>
    %iota3A_5 = tpu.iota {dimensions = array<i32: 0>} : vector<1024x1xi32>
    %add3A_6 = arith.constant 0 : i32
    %add3A_7 = vector.broadcast %add3A_6 : i32 to vector<1024x1xi32>
    %add3A_8 = arith.addi %iota3A_5, %add3A_7 : vector<1024x1xi32>
    %eq3A = vector.broadcast %get3A_4 : vector<1024x1xi32> to vector<1024x1024xi32>
    %eq3A_9 = vector.broadcast %add3A_1 : vector<1x1024xi32> to vector<1024x1024xi32>
    %eq3A_10 = arith.cmpi eq, %eq3A, %eq3A_9 : vector<1024x1024xi32>
    %jit3A = arith.constant 0 : i32
    %broadcast_in_dim3A_11 = vector.shape_cast %add3A_8 : vector<1024x1xi32> to vector<1024x1xi32>
    %broadcast_in_dim3A_12 = vector.broadcast %broadcast_in_dim3A_11 : vector<1024x1xi32> to vector<1024x1024xi32>
    %broadcast_in_dim3A_13 = vector.broadcast %jit3A : i32 to vector<1024x1024xi32>
    %select_n3A = arith.select %eq3A_10, %broadcast_in_dim3A_12, %broadcast_in_dim3A_13 : vector<1024x1024xi1>, vector<1024x1024xi32>
    %reduce_sum3A = arith.constant dense<0> : vector<1024xi32>
    %reduce_sum3A_14 = vector.multi_reduction <add>, %select_n3A, %reduce_sum3A [0] : vector<1024x1024xi32> to vector<1024xi32>
    %broadcast_in_dim3A_15 = vector.shape_cast %reduce_sum3A_14 : vector<1024xi32> to vector<1x1024xi32>
    %add3A_16 = arith.addi %broadcast_in_dim3A_2, %broadcast_in_dim3A_15 : vector<1x1024xi32>
    %get3A_17 = arith.constant 1024 : index
    %get3A_18 = arith.constant 0 : index
    %get3A_19 = vector.load %arg1[%get3A_17, %get3A_18] : memref<16384x1xi32, #tpu.memory_space<vmem>>, vector<1024x1xi32>
    %iota3A_20 = tpu.iota {dimensions = array<i32: 0>} : vector<1024x1xi32>
    %add3A_21 = arith.constant 1024 : i32
    %add3A_22 = vector.broadcast %add3A_21 : i32 to vector<1024x1xi32>
    %add3A_23 = arith.addi %iota3A_20, %add3A_22 : vector<1024x1xi32>
    %eq3A_24 = vector.broadcast %get3A_19 : vector<1024x1xi32> to vector<1024x1024xi32>
    %eq3A_25 = vector.broadcast %add3A_1 : vector<1x1024xi32> to vector<1024x1024xi32>
    %eq3A_26 = arith.cmpi eq, %eq3A_24, %eq3A_25 : vector<1024x1024xi32>
    %jit3A_27 = arith.constant 0 : i32
    %broadcast_in_dim3A_28 = vector.shape_cast %add3A_23 : vector<1024x1xi32> to vector<1024x1xi32>
    %broadcast_in_dim3A_29 = vector.broadcast %broadcast_in_dim3A_28 : vector<1024x1xi32> to vector<1024x1024xi32>
    %broadcast_in_dim3A_30 = vector.broadcast %jit3A_27 : i32 to vector<1024x1024xi32>
    %select_n3A_31 = arith.select %eq3A_26, %broadcast_in_dim3A_29, %broadcast_in_dim3A_30 : vector<1024x1024xi1>, vector<1024x1024xi32>
    %reduce_sum3A_32 = arith.constant dense<0> : vector<1024xi32>
    %reduce_sum3A_33 = vector.multi_reduction <add>, %select_n3A_31, %reduce_sum3A_32 [0] : vector<1024x1024xi32> to vector<1024xi32>
    %broadcast_in_dim3A_34 = vector.shape_cast %reduce_sum3A_33 : vector<1024xi32> to vector<1x1024xi32>
    %add3A_35 = arith.addi %add3A_16, %broadcast_in_dim3A_34 : vector<1x1024xi32>
    %get3A_36 = arith.constant 2048 : index
    %get3A_37 = arith.constant 0 : index
    %get3A_38 = vector.load %arg1[%get3A_36, %get3A_37] : memref<16384x1xi32, #tpu.memory_space<vmem>>, vector<1024x1xi32>
    %iota3A_39 = tpu.iota {dimensions = array<i32: 0>} : vector<1024x1xi32>
    %add3A_40 = arith.constant 2048 : i32
    %add3A_41 = vector.broadcast %add3A_40 : i32 to vector<1024x1xi32>
    %add3A_42 = arith.addi %iota3A_39, %add3A_41 : vector<1024x1xi32>
    %eq3A_43 = vector.broadcast %get3A_38 : vector<1024x1xi32> to vector<1024x1024xi32>
    %eq3A_44 = vector.broadcast %add3A_1 : vector<1x1024xi32> to vector<1024x1024xi32>
    %eq3A_45 = arith.cmpi eq, %eq3A_43, %eq3A_44 : vector<1024x1024xi32>
    %jit3A_46 = arith.constant 0 : i32
    %broadcast_in_dim3A_47 = vector.shape_cast %add3A_42 : vector<1024x1xi32> to vector<1024x1xi32>
    %broadcast_in_dim3A_48 = vector.broadcast %broadcast_in_dim3A_47 : vector<1024x1xi32> to vector<1024x1024xi32>
    %broadcast_in_dim3A_49 = vector.broadcast %jit3A_46 : i32 to vector<1024x1024xi32>
    %select_n3A_50 = arith.select %eq3A_45, %broadcast_in_dim3A_48, %broadcast_in_dim3A_49 : vector<1024x1024xi1>, vector<1024x1024xi32>
    %reduce_sum3A_51 = arith.constant dense<0> : vector<1024xi32>
    %reduce_sum3A_52 = vector.multi_reduction <add>, %select_n3A_50, %reduce_sum3A_51 [0] : vector<1024x1024xi32> to vector<1024xi32>
    %broadcast_in_dim3A_53 = vector.shape_cast %reduce_sum3A_52 : vector<1024xi32> to vector<1x1024xi32>
    %add3A_54 = arith.addi %add3A_35, %broadcast_in_dim3A_53 : vector<1x1024xi32>
    %get3A_55 = arith.constant 3072 : index
    %get3A_56 = arith.constant 0 : index
    %get3A_57 = vector.load %arg1[%get3A_55, %get3A_56] : memref<16384x1xi32, #tpu.memory_space<vmem>>, vector<1024x1xi32>
    %iota3A_58 = tpu.iota {dimensions = array<i32: 0>} : vector<1024x1xi32>
    %add3A_59 = arith.constant 3072 : i32
    %add3A_60 = vector.broadcast %add3A_59 : i32 to vector<1024x1xi32>
    %add3A_61 = arith.addi %iota3A_58, %add3A_60 : vector<1024x1xi32>
    %eq3A_62 = vector.broadcast %get3A_57 : vector<1024x1xi32> to vector<1024x1024xi32>
    %eq3A_63 = vector.broadcast %add3A_1 : vector<1x1024xi32> to vector<1024x1024xi32>
    %eq3A_64 = arith.cmpi eq, %eq3A_62, %eq3A_63 : vector<1024x1024xi32>
    %jit3A_65 = arith.constant 0 : i32
    %broadcast_in_dim3A_66 = vector.shape_cast %add3A_61 : vector<1024x1xi32> to vector<1024x1xi32>
    %broadcast_in_dim3A_67 = vector.broadcast %broadcast_in_dim3A_66 : vector<1024x1xi32> to vector<1024x1024xi32>
    %broadcast_in_dim3A_68 = vector.broadcast %jit3A_65 : i32 to vector<1024x1024xi32>
    %select_n3A_69 = arith.select %eq3A_64, %broadcast_in_dim3A_67, %broadcast_in_dim3A_68 : vector<1024x1024xi1>, vector<1024x1024xi32>
    %reduce_sum3A_70 = arith.constant dense<0> : vector<1024xi32>
    %reduce_sum3A_71 = vector.multi_reduction <add>, %select_n3A_69, %reduce_sum3A_70 [0] : vector<1024x1024xi32> to vector<1024xi32>
    %broadcast_in_dim3A_72 = vector.shape_cast %reduce_sum3A_71 : vector<1024xi32> to vector<1x1024xi32>
    %add3A_73 = arith.addi %add3A_54, %broadcast_in_dim3A_72 : vector<1x1024xi32>
    %get3A_74 = arith.constant 4096 : index
    %get3A_75 = arith.constant 0 : index
    %get3A_76 = vector.load %arg1[%get3A_74, %get3A_75] : memref<16384x1xi32, #tpu.memory_space<vmem>>, vector<1024x1xi32>
    %iota3A_77 = tpu.iota {dimensions = array<i32: 0>} : vector<1024x1xi32>
    %add3A_78 = arith.constant 4096 : i32
    %add3A_79 = vector.broadcast %add3A_78 : i32 to vector<1024x1xi32>
    %add3A_80 = arith.addi %iota3A_77, %add3A_79 : vector<1024x1xi32>
    %eq3A_81 = vector.broadcast %get3A_76 : vector<1024x1xi32> to vector<1024x1024xi32>
    %eq3A_82 = vector.broadcast %add3A_1 : vector<1x1024xi32> to vector<1024x1024xi32>
    %eq3A_83 = arith.cmpi eq, %eq3A_81, %eq3A_82 : vector<1024x1024xi32>
    %jit3A_84 = arith.constant 0 : i32
    %broadcast_in_dim3A_85 = vector.shape_cast %add3A_80 : vector<1024x1xi32> to vector<1024x1xi32>
    %broadcast_in_dim3A_86 = vector.broadcast %broadcast_in_dim3A_85 : vector<1024x1xi32> to vector<1024x1024xi32>
    %broadcast_in_dim3A_87 = vector.broadcast %jit3A_84 : i32 to vector<1024x1024xi32>
    %select_n3A_88 = arith.select %eq3A_83, %broadcast_in_dim3A_86, %broadcast_in_dim3A_87 : vector<1024x1024xi1>, vector<1024x1024xi32>
    %reduce_sum3A_89 = arith.constant dense<0> : vector<1024xi32>
    %reduce_sum3A_90 = vector.multi_reduction <add>, %select_n3A_88, %reduce_sum3A_89 [0] : vector<1024x1024xi32> to vector<1024xi32>
    %broadcast_in_dim3A_91 = vector.shape_cast %reduce_sum3A_90 : vector<1024xi32> to vector<1x1024xi32>
    %add3A_92 = arith.addi %add3A_73, %broadcast_in_dim3A_91 : vector<1x1024xi32>
    %get3A_93 = arith.constant 5120 : index
    %get3A_94 = arith.constant 0 : index
    %get3A_95 = vector.load %arg1[%get3A_93, %get3A_94] : memref<16384x1xi32, #tpu.memory_space<vmem>>, vector<1024x1xi32>
    %iota3A_96 = tpu.iota {dimensions = array<i32: 0>} : vector<1024x1xi32>
    %add3A_97 = arith.constant 5120 : i32
    %add3A_98 = vector.broadcast %add3A_97 : i32 to vector<1024x1xi32>
    %add3A_99 = arith.addi %iota3A_96, %add3A_98 : vector<1024x1xi32>
    %eq3A_100 = vector.broadcast %get3A_95 : vector<1024x1xi32> to vector<1024x1024xi32>
    %eq3A_101 = vector.broadcast %add3A_1 : vector<1x1024xi32> to vector<1024x1024xi32>
    %eq3A_102 = arith.cmpi eq, %eq3A_100, %eq3A_101 : vector<1024x1024xi32>
    %jit3A_103 = arith.constant 0 : i32
    %broadcast_in_dim3A_104 = vector.shape_cast %add3A_99 : vector<1024x1xi32> to vector<1024x1xi32>
    %broadcast_in_dim3A_105 = vector.broadcast %broadcast_in_dim3A_104 : vector<1024x1xi32> to vector<1024x1024xi32>
    %broadcast_in_dim3A_106 = vector.broadcast %jit3A_103 : i32 to vector<1024x1024xi32>
    %select_n3A_107 = arith.select %eq3A_102, %broadcast_in_dim3A_105, %broadcast_in_dim3A_106 : vector<1024x1024xi1>, vector<1024x1024xi32>
    %reduce_sum3A_108 = arith.constant dense<0> : vector<1024xi32>
    %reduce_sum3A_109 = vector.multi_reduction <add>, %select_n3A_107, %reduce_sum3A_108 [0] : vector<1024x1024xi32> to vector<1024xi32>
    %broadcast_in_dim3A_110 = vector.shape_cast %reduce_sum3A_109 : vector<1024xi32> to vector<1x1024xi32>
    %add3A_111 = arith.addi %add3A_92, %broadcast_in_dim3A_110 : vector<1x1024xi32>
    %get3A_112 = arith.constant 6144 : index
    %get3A_113 = arith.constant 0 : index
    %get3A_114 = vector.load %arg1[%get3A_112, %get3A_113] : memref<16384x1xi32, #tpu.memory_space<vmem>>, vector<1024x1xi32>
    %iota3A_115 = tpu.iota {dimensions = array<i32: 0>} : vector<1024x1xi32>
    %add3A_116 = arith.constant 6144 : i32
    %add3A_117 = vector.broadcast %add3A_116 : i32 to vector<1024x1xi32>
    %add3A_118 = arith.addi %iota3A_115, %add3A_117 : vector<1024x1xi32>
    %eq3A_119 = vector.broadcast %get3A_114 : vector<1024x1xi32> to vector<1024x1024xi32>
    %eq3A_120 = vector.broadcast %add3A_1 : vector<1x1024xi32> to vector<1024x1024xi32>
    %eq3A_121 = arith.cmpi eq, %eq3A_119, %eq3A_120 : vector<1024x1024xi32>
    %jit3A_122 = arith.constant 0 : i32
    %broadcast_in_dim3A_123 = vector.shape_cast %add3A_118 : vector<1024x1xi32> to vector<1024x1xi32>
    %broadcast_in_dim3A_124 = vector.broadcast %broadcast_in_dim3A_123 : vector<1024x1xi32> to vector<1024x1024xi32>
    %broadcast_in_dim3A_125 = vector.broadcast %jit3A_122 : i32 to vector<1024x1024xi32>
    %select_n3A_126 = arith.select %eq3A_121, %broadcast_in_dim3A_124, %broadcast_in_dim3A_125 : vector<1024x1024xi1>, vector<1024x1024xi32>
    %reduce_sum3A_127 = arith.constant dense<0> : vector<1024xi32>
    %reduce_sum3A_128 = vector.multi_reduction <add>, %select_n3A_126, %reduce_sum3A_127 [0] : vector<1024x1024xi32> to vector<1024xi32>
    %broadcast_in_dim3A_129 = vector.shape_cast %reduce_sum3A_128 : vector<1024xi32> to vector<1x1024xi32>
    %add3A_130 = arith.addi %add3A_111, %broadcast_in_dim3A_129 : vector<1x1024xi32>
    %get3A_131 = arith.constant 7168 : index
    %get3A_132 = arith.constant 0 : index
    %get3A_133 = vector.load %arg1[%get3A_131, %get3A_132] : memref<16384x1xi32, #tpu.memory_space<vmem>>, vector<1024x1xi32>
    %iota3A_134 = tpu.iota {dimensions = array<i32: 0>} : vector<1024x1xi32>
    %add3A_135 = arith.constant 7168 : i32
    %add3A_136 = vector.broadcast %add3A_135 : i32 to vector<1024x1xi32>
    %add3A_137 = arith.addi %iota3A_134, %add3A_136 : vector<1024x1xi32>
    %eq3A_138 = vector.broadcast %get3A_133 : vector<1024x1xi32> to vector<1024x1024xi32>
    %eq3A_139 = vector.broadcast %add3A_1 : vector<1x1024xi32> to vector<1024x1024xi32>
    %eq3A_140 = arith.cmpi eq, %eq3A_138, %eq3A_139 : vector<1024x1024xi32>
    %jit3A_141 = arith.constant 0 : i32
    %broadcast_in_dim3A_142 = vector.shape_cast %add3A_137 : vector<1024x1xi32> to vector<1024x1xi32>
    %broadcast_in_dim3A_143 = vector.broadcast %broadcast_in_dim3A_142 : vector<1024x1xi32> to vector<1024x1024xi32>
    %broadcast_in_dim3A_144 = vector.broadcast %jit3A_141 : i32 to vector<1024x1024xi32>
    %select_n3A_145 = arith.select %eq3A_140, %broadcast_in_dim3A_143, %broadcast_in_dim3A_144 : vector<1024x1024xi1>, vector<1024x1024xi32>
    %reduce_sum3A_146 = arith.constant dense<0> : vector<1024xi32>
    %reduce_sum3A_147 = vector.multi_reduction <add>, %select_n3A_145, %reduce_sum3A_146 [0] : vector<1024x1024xi32> to vector<1024xi32>
    %broadcast_in_dim3A_148 = vector.shape_cast %reduce_sum3A_147 : vector<1024xi32> to vector<1x1024xi32>
    %add3A_149 = arith.addi %add3A_130, %broadcast_in_dim3A_148 : vector<1x1024xi32>
    %get3A_150 = arith.constant 8192 : index
    %get3A_151 = arith.constant 0 : index
    %get3A_152 = vector.load %arg1[%get3A_150, %get3A_151] : memref<16384x1xi32, #tpu.memory_space<vmem>>, vector<1024x1xi32>
    %iota3A_153 = tpu.iota {dimensions = array<i32: 0>} : vector<1024x1xi32>
    %add3A_154 = arith.constant 8192 : i32
    %add3A_155 = vector.broadcast %add3A_154 : i32 to vector<1024x1xi32>
    %add3A_156 = arith.addi %iota3A_153, %add3A_155 : vector<1024x1xi32>
    %eq3A_157 = vector.broadcast %get3A_152 : vector<1024x1xi32> to vector<1024x1024xi32>
    %eq3A_158 = vector.broadcast %add3A_1 : vector<1x1024xi32> to vector<1024x1024xi32>
    %eq3A_159 = arith.cmpi eq, %eq3A_157, %eq3A_158 : vector<1024x1024xi32>
    %jit3A_160 = arith.constant 0 : i32
    %broadcast_in_dim3A_161 = vector.shape_cast %add3A_156 : vector<1024x1xi32> to vector<1024x1xi32>
    %broadcast_in_dim3A_162 = vector.broadcast %broadcast_in_dim3A_161 : vector<1024x1xi32> to vector<1024x1024xi32>
    %broadcast_in_dim3A_163 = vector.broadcast %jit3A_160 : i32 to vector<1024x1024xi32>
    %select_n3A_164 = arith.select %eq3A_159, %broadcast_in_dim3A_162, %broadcast_in_dim3A_163 : vector<1024x1024xi1>, vector<1024x1024xi32>
    %reduce_sum3A_165 = arith.constant dense<0> : vector<1024xi32>
    %reduce_sum3A_166 = vector.multi_reduction <add>, %select_n3A_164, %reduce_sum3A_165 [0] : vector<1024x1024xi32> to vector<1024xi32>
    %broadcast_in_dim3A_167 = vector.shape_cast %reduce_sum3A_166 : vector<1024xi32> to vector<1x1024xi32>
    %add3A_168 = arith.addi %add3A_149, %broadcast_in_dim3A_167 : vector<1x1024xi32>
    %get3A_169 = arith.constant 9216 : index
    %get3A_170 = arith.constant 0 : index
    %get3A_171 = vector.load %arg1[%get3A_169, %get3A_170] : memref<16384x1xi32, #tpu.memory_space<vmem>>, vector<1024x1xi32>
    %iota3A_172 = tpu.iota {dimensions = array<i32: 0>} : vector<1024x1xi32>
    %add3A_173 = arith.constant 9216 : i32
    %add3A_174 = vector.broadcast %add3A_173 : i32 to vector<1024x1xi32>
    %add3A_175 = arith.addi %iota3A_172, %add3A_174 : vector<1024x1xi32>
    %eq3A_176 = vector.broadcast %get3A_171 : vector<1024x1xi32> to vector<1024x1024xi32>
    %eq3A_177 = vector.broadcast %add3A_1 : vector<1x1024xi32> to vector<1024x1024xi32>
    %eq3A_178 = arith.cmpi eq, %eq3A_176, %eq3A_177 : vector<1024x1024xi32>
    %jit3A_179 = arith.constant 0 : i32
    %broadcast_in_dim3A_180 = vector.shape_cast %add3A_175 : vector<1024x1xi32> to vector<1024x1xi32>
    %broadcast_in_dim3A_181 = vector.broadcast %broadcast_in_dim3A_180 : vector<1024x1xi32> to vector<1024x1024xi32>
    %broadcast_in_dim3A_182 = vector.broadcast %jit3A_179 : i32 to vector<1024x1024xi32>
    %select_n3A_183 = arith.select %eq3A_178, %broadcast_in_dim3A_181, %broadcast_in_dim3A_182 : vector<1024x1024xi1>, vector<1024x1024xi32>
    %reduce_sum3A_184 = arith.constant dense<0> : vector<1024xi32>
    %reduce_sum3A_185 = vector.multi_reduction <add>, %select_n3A_183, %reduce_sum3A_184 [0] : vector<1024x1024xi32> to vector<1024xi32>
    %broadcast_in_dim3A_186 = vector.shape_cast %reduce_sum3A_185 : vector<1024xi32> to vector<1x1024xi32>
    %add3A_187 = arith.addi %add3A_168, %broadcast_in_dim3A_186 : vector<1x1024xi32>
    %get3A_188 = arith.constant 10240 : index
    %get3A_189 = arith.constant 0 : index
    %get3A_190 = vector.load %arg1[%get3A_188, %get3A_189] : memref<16384x1xi32, #tpu.memory_space<vmem>>, vector<1024x1xi32>
    %iota3A_191 = tpu.iota {dimensions = array<i32: 0>} : vector<1024x1xi32>
    %add3A_192 = arith.constant 10240 : i32
    %add3A_193 = vector.broadcast %add3A_192 : i32 to vector<1024x1xi32>
    %add3A_194 = arith.addi %iota3A_191, %add3A_193 : vector<1024x1xi32>
    %eq3A_195 = vector.broadcast %get3A_190 : vector<1024x1xi32> to vector<1024x1024xi32>
    %eq3A_196 = vector.broadcast %add3A_1 : vector<1x1024xi32> to vector<1024x1024xi32>
    %eq3A_197 = arith.cmpi eq, %eq3A_195, %eq3A_196 : vector<1024x1024xi32>
    %jit3A_198 = arith.constant 0 : i32
    %broadcast_in_dim3A_199 = vector.shape_cast %add3A_194 : vector<1024x1xi32> to vector<1024x1xi32>
    %broadcast_in_dim3A_200 = vector.broadcast %broadcast_in_dim3A_199 : vector<1024x1xi32> to vector<1024x1024xi32>
    %broadcast_in_dim3A_201 = vector.broadcast %jit3A_198 : i32 to vector<1024x1024xi32>
    %select_n3A_202 = arith.select %eq3A_197, %broadcast_in_dim3A_200, %broadcast_in_dim3A_201 : vector<1024x1024xi1>, vector<1024x1024xi32>
    %reduce_sum3A_203 = arith.constant dense<0> : vector<1024xi32>
    %reduce_sum3A_204 = vector.multi_reduction <add>, %select_n3A_202, %reduce_sum3A_203 [0] : vector<1024x1024xi32> to vector<1024xi32>
    %broadcast_in_dim3A_205 = vector.shape_cast %reduce_sum3A_204 : vector<1024xi32> to vector<1x1024xi32>
    %add3A_206 = arith.addi %add3A_187, %broadcast_in_dim3A_205 : vector<1x1024xi32>
    %get3A_207 = arith.constant 11264 : index
    %get3A_208 = arith.constant 0 : index
    %get3A_209 = vector.load %arg1[%get3A_207, %get3A_208] : memref<16384x1xi32, #tpu.memory_space<vmem>>, vector<1024x1xi32>
    %iota3A_210 = tpu.iota {dimensions = array<i32: 0>} : vector<1024x1xi32>
    %add3A_211 = arith.constant 11264 : i32
    %add3A_212 = vector.broadcast %add3A_211 : i32 to vector<1024x1xi32>
    %add3A_213 = arith.addi %iota3A_210, %add3A_212 : vector<1024x1xi32>
    %eq3A_214 = vector.broadcast %get3A_209 : vector<1024x1xi32> to vector<1024x1024xi32>
    %eq3A_215 = vector.broadcast %add3A_1 : vector<1x1024xi32> to vector<1024x1024xi32>
    %eq3A_216 = arith.cmpi eq, %eq3A_214, %eq3A_215 : vector<1024x1024xi32>
    %jit3A_217 = arith.constant 0 : i32
    %broadcast_in_dim3A_218 = vector.shape_cast %add3A_213 : vector<1024x1xi32> to vector<1024x1xi32>
    %broadcast_in_dim3A_219 = vector.broadcast %broadcast_in_dim3A_218 : vector<1024x1xi32> to vector<1024x1024xi32>
    %broadcast_in_dim3A_220 = vector.broadcast %jit3A_217 : i32 to vector<1024x1024xi32>
    %select_n3A_221 = arith.select %eq3A_216, %broadcast_in_dim3A_219, %broadcast_in_dim3A_220 : vector<1024x1024xi1>, vector<1024x1024xi32>
    %reduce_sum3A_222 = arith.constant dense<0> : vector<1024xi32>
    %reduce_sum3A_223 = vector.multi_reduction <add>, %select_n3A_221, %reduce_sum3A_222 [0] : vector<1024x1024xi32> to vector<1024xi32>
    %broadcast_in_dim3A_224 = vector.shape_cast %reduce_sum3A_223 : vector<1024xi32> to vector<1x1024xi32>
    %add3A_225 = arith.addi %add3A_206, %broadcast_in_dim3A_224 : vector<1x1024xi32>
    %get3A_226 = arith.constant 12288 : index
    %get3A_227 = arith.constant 0 : index
    %get3A_228 = vector.load %arg1[%get3A_226, %get3A_227] : memref<16384x1xi32, #tpu.memory_space<vmem>>, vector<1024x1xi32>
    %iota3A_229 = tpu.iota {dimensions = array<i32: 0>} : vector<1024x1xi32>
    %add3A_230 = arith.constant 12288 : i32
    %add3A_231 = vector.broadcast %add3A_230 : i32 to vector<1024x1xi32>
    %add3A_232 = arith.addi %iota3A_229, %add3A_231 : vector<1024x1xi32>
    %eq3A_233 = vector.broadcast %get3A_228 : vector<1024x1xi32> to vector<1024x1024xi32>
    %eq3A_234 = vector.broadcast %add3A_1 : vector<1x1024xi32> to vector<1024x1024xi32>
    %eq3A_235 = arith.cmpi eq, %eq3A_233, %eq3A_234 : vector<1024x1024xi32>
    %jit3A_236 = arith.constant 0 : i32
    %broadcast_in_dim3A_237 = vector.shape_cast %add3A_232 : vector<1024x1xi32> to vector<1024x1xi32>
    %broadcast_in_dim3A_238 = vector.broadcast %broadcast_in_dim3A_237 : vector<1024x1xi32> to vector<1024x1024xi32>
    %broadcast_in_dim3A_239 = vector.broadcast %jit3A_236 : i32 to vector<1024x1024xi32>
    %select_n3A_240 = arith.select %eq3A_235, %broadcast_in_dim3A_238, %broadcast_in_dim3A_239 : vector<1024x1024xi1>, vector<1024x1024xi32>
    %reduce_sum3A_241 = arith.constant dense<0> : vector<1024xi32>
    %reduce_sum3A_242 = vector.multi_reduction <add>, %select_n3A_240, %reduce_sum3A_241 [0] : vector<1024x1024xi32> to vector<1024xi32>
    %broadcast_in_dim3A_243 = vector.shape_cast %reduce_sum3A_242 : vector<1024xi32> to vector<1x1024xi32>
    %add3A_244 = arith.addi %add3A_225, %broadcast_in_dim3A_243 : vector<1x1024xi32>
    %get3A_245 = arith.constant 13312 : index
    %get3A_246 = arith.constant 0 : index
    %get3A_247 = vector.load %arg1[%get3A_245, %get3A_246] : memref<16384x1xi32, #tpu.memory_space<vmem>>, vector<1024x1xi32>
    %iota3A_248 = tpu.iota {dimensions = array<i32: 0>} : vector<1024x1xi32>
    %add3A_249 = arith.constant 13312 : i32
    %add3A_250 = vector.broadcast %add3A_249 : i32 to vector<1024x1xi32>
    %add3A_251 = arith.addi %iota3A_248, %add3A_250 : vector<1024x1xi32>
    %eq3A_252 = vector.broadcast %get3A_247 : vector<1024x1xi32> to vector<1024x1024xi32>
    %eq3A_253 = vector.broadcast %add3A_1 : vector<1x1024xi32> to vector<1024x1024xi32>
    %eq3A_254 = arith.cmpi eq, %eq3A_252, %eq3A_253 : vector<1024x1024xi32>
    %jit3A_255 = arith.constant 0 : i32
    %broadcast_in_dim3A_256 = vector.shape_cast %add3A_251 : vector<1024x1xi32> to vector<1024x1xi32>
    %broadcast_in_dim3A_257 = vector.broadcast %broadcast_in_dim3A_256 : vector<1024x1xi32> to vector<1024x1024xi32>
    %broadcast_in_dim3A_258 = vector.broadcast %jit3A_255 : i32 to vector<1024x1024xi32>
    %select_n3A_259 = arith.select %eq3A_254, %broadcast_in_dim3A_257, %broadcast_in_dim3A_258 : vector<1024x1024xi1>, vector<1024x1024xi32>
    %reduce_sum3A_260 = arith.constant dense<0> : vector<1024xi32>
    %reduce_sum3A_261 = vector.multi_reduction <add>, %select_n3A_259, %reduce_sum3A_260 [0] : vector<1024x1024xi32> to vector<1024xi32>
    %broadcast_in_dim3A_262 = vector.shape_cast %reduce_sum3A_261 : vector<1024xi32> to vector<1x1024xi32>
    %add3A_263 = arith.addi %add3A_244, %broadcast_in_dim3A_262 : vector<1x1024xi32>
    %get3A_264 = arith.constant 14336 : index
    %get3A_265 = arith.constant 0 : index
    %get3A_266 = vector.load %arg1[%get3A_264, %get3A_265] : memref<16384x1xi32, #tpu.memory_space<vmem>>, vector<1024x1xi32>
    %iota3A_267 = tpu.iota {dimensions = array<i32: 0>} : vector<1024x1xi32>
    %add3A_268 = arith.constant 14336 : i32
    %add3A_269 = vector.broadcast %add3A_268 : i32 to vector<1024x1xi32>
    %add3A_270 = arith.addi %iota3A_267, %add3A_269 : vector<1024x1xi32>
    %eq3A_271 = vector.broadcast %get3A_266 : vector<1024x1xi32> to vector<1024x1024xi32>
    %eq3A_272 = vector.broadcast %add3A_1 : vector<1x1024xi32> to vector<1024x1024xi32>
    %eq3A_273 = arith.cmpi eq, %eq3A_271, %eq3A_272 : vector<1024x1024xi32>
    %jit3A_274 = arith.constant 0 : i32
    %broadcast_in_dim3A_275 = vector.shape_cast %add3A_270 : vector<1024x1xi32> to vector<1024x1xi32>
    %broadcast_in_dim3A_276 = vector.broadcast %broadcast_in_dim3A_275 : vector<1024x1xi32> to vector<1024x1024xi32>
    %broadcast_in_dim3A_277 = vector.broadcast %jit3A_274 : i32 to vector<1024x1024xi32>
    %select_n3A_278 = arith.select %eq3A_273, %broadcast_in_dim3A_276, %broadcast_in_dim3A_277 : vector<1024x1024xi1>, vector<1024x1024xi32>
    %reduce_sum3A_279 = arith.constant dense<0> : vector<1024xi32>
    %reduce_sum3A_280 = vector.multi_reduction <add>, %select_n3A_278, %reduce_sum3A_279 [0] : vector<1024x1024xi32> to vector<1024xi32>
    %broadcast_in_dim3A_281 = vector.shape_cast %reduce_sum3A_280 : vector<1024xi32> to vector<1x1024xi32>
    %add3A_282 = arith.addi %add3A_263, %broadcast_in_dim3A_281 : vector<1x1024xi32>
    %get3A_283 = arith.constant 15360 : index
    %get3A_284 = arith.constant 0 : index
    %get3A_285 = vector.load %arg1[%get3A_283, %get3A_284] : memref<16384x1xi32, #tpu.memory_space<vmem>>, vector<1024x1xi32>
    %iota3A_286 = tpu.iota {dimensions = array<i32: 0>} : vector<1024x1xi32>
    %add3A_287 = arith.constant 15360 : i32
    %add3A_288 = vector.broadcast %add3A_287 : i32 to vector<1024x1xi32>
    %add3A_289 = arith.addi %iota3A_286, %add3A_288 : vector<1024x1xi32>
    %eq3A_290 = vector.broadcast %get3A_285 : vector<1024x1xi32> to vector<1024x1024xi32>
    %eq3A_291 = vector.broadcast %add3A_1 : vector<1x1024xi32> to vector<1024x1024xi32>
    %eq3A_292 = arith.cmpi eq, %eq3A_290, %eq3A_291 : vector<1024x1024xi32>
    %jit3A_293 = arith.constant 0 : i32
    %broadcast_in_dim3A_294 = vector.shape_cast %add3A_289 : vector<1024x1xi32> to vector<1024x1xi32>
    %broadcast_in_dim3A_295 = vector.broadcast %broadcast_in_dim3A_294 : vector<1024x1xi32> to vector<1024x1024xi32>
    %broadcast_in_dim3A_296 = vector.broadcast %jit3A_293 : i32 to vector<1024x1024xi32>
    %select_n3A_297 = arith.select %eq3A_292, %broadcast_in_dim3A_295, %broadcast_in_dim3A_296 : vector<1024x1024xi1>, vector<1024x1024xi32>
    %reduce_sum3A_298 = arith.constant dense<0> : vector<1024xi32>
    %reduce_sum3A_299 = vector.multi_reduction <add>, %select_n3A_297, %reduce_sum3A_298 [0] : vector<1024x1024xi32> to vector<1024xi32>
    %broadcast_in_dim3A_300 = vector.shape_cast %reduce_sum3A_299 : vector<1024xi32> to vector<1x1024xi32>
    %add3A_301 = arith.addi %add3A_282, %broadcast_in_dim3A_300 : vector<1x1024xi32>
    %swap3A = arith.constant 0 : index
    %swap3A_302 = arith.constant 0 : index
    %swap3A_303 = vector.load %arg2[%swap3A, %swap3A_302] : memref<1x1024xi32, #tpu.memory_space<vmem>>, vector<1x1024xi32>
    tpu.vector_store %arg2[%swap3A, %swap3A_302], %add3A_301 {strides = array<i32>} : memref<1x1024xi32, #tpu.memory_space<vmem>>, vector<1x1024xi32>,
    return
  }
  func.func @transform_0(%arg0: i32) -> (i32, i32) {
    %c0_i32 = arith.constant 0 : i32
    %c0_i32_0 = arith.constant 0 : i32
    %c0_i32_1 = arith.constant 0 : i32
    return %c0_i32, %c0_i32_0 : i32, i32
  }
  func.func @transform_1(%arg0: i32) -> (i32, i32) {
    %c0_i32 = arith.constant 0 : i32
    %c0_i32_0 = arith.constant 0 : i32
    return %c0_i32, %arg0 : i32, i32
  }
}

</mosaic_0001>

<sc_bundles>
// kernel: kernel.8.cloned.1.call-start
scs
__scs_entry_jumppad:
0x0: {  	(pc) =	sbr.rel $0x88, $3  }
0x1: {  	(tag) =	ssettag $0x0;
	lr =	simm.s32 $0x1  }
0x2: {  	[smem:$0x3F90] =	sst lr;
	_ =	strace $0xD0000000  }
0x3: {  	_ = 	snop  }
0x4: {  	_ = 	snop  }
0x5: {  	_ = 	snop  }
0x6: {  	_ = 	snop  }
0x7: {  	_ = 	snop  }
__scs_overlays_trampoline_lowered:
0x8: {  	[smem:$0x3F9F] =	sst s0  }
0x9: {  	[smem:$0x3FA0] =	sst s1  }
0xa: {  	[smem:$0x3FA1] =	sst s2  }
0xb: {  	[smem:$0x3FA2] =	sst s3  }
0xc: {  	[smem:$0x3FA3] =	sst s4  }
0xd: {  	[smem:$0x3FA4] =	sst s5  }
0xe: {  	[smem:$0x3FA5] =	sst s6  }
0xf: {  	[smem:$0x3FA6] =	sst s7  }
0x10: {  	[smem:$0x3FA7] =	sst s8  }
0x11: {  	[smem:$0x3FA8] =	sst s9;
	s0 =	simm.s32 @!p0 $0x0  }
0x12: {  	s1 =	sld [smem:$0x3F8E];
	s0 =	simm.s32 @p0 $0x1  }
0x13: {  	[smem:$0x3FA9] =	sst s0;
	s0 =	simm.s32 @!p1 $0x0  }
0x14: {  	s2 =	sld [smem:$0x3F8D];
	s0 =	simm.s32 @p1 $0x1  }
0x15: {  	[smem:$0x3FAA] =	sst s0;
	s0 =	simm.s32 @!p2 $0x0  }
0x16: {  	s3 =	sld [smem:$0x3FDB];
	s0 =	simm.s32 @p2 $0x1  }
0x17: {  	s4 =	simm.s32 $0x1BF5;
	[smem:$0x3FAC] =	sst s0  }
0x18: {  	s0 =	sld [smem:$0x3F8F];
	_ =	swait.ge [sflag:s4], $0x0  }
0x19: {  	s7 =	sld [smem:$0x3F90]  }
0x1a: {  	s8 =	sadd.s32 $0xFFFFE003, lr  }
0x1b: {  	s9 =	sadd.s32 $0xFFFFFEF7, lr;
	s5 =	simm.s32 $0xFFFFFFFF;
	p2 =	slt.u32 s8, $0xFFFFF086  }
0x1c: {  	p1 =	slt.u32 s9, $0xF7A;
	s5 =	simm.s32 @!p2 $0x0  }
0x1d: {  	s5 =	simm.s32 @p1 $0x1;
	p0 =	seq.s32 s7, s2  }
0x1e: {  	s7 =	smul.u32 @!p0 $0xF7A, s2;
	p2 =	seq.s32 @!p0 s5, $0x0  }
0x1f: {  	s9 =	smul.u32 $0xF7A, s1;
	s8 =	simm.s32 @!p0 $0x1BF5;
	p2 =	por !p2, p0  }
0x20: {  	[sflag:s8] =	ssyncset.s32 @!p0 $0xFFFFF086;
	s6 =	sadd.s32 @!p0 s3, s7;
	s7 =	simm.s32 @!p0 $0x108  }
0x21: {  	s3 =	sadd.s32 s3, s9;
	s6 =	sadd.s32 @!p0 $0x88, s6;
	s7 =	simm.s32 @p2 $0x1082  }
0x22: {  	[simem:s7], [sflag:s8] =	dma.local @!p0 [hbm:s6], $0xF7A  }
0x23: {  	s9 =	sor.u32 $0xD0000000, s2;
	s6 =	simm.s32 $0x108;
	_ =	swait.ge @!p0 [sflag:s8], $0x0  }
0x24: {  	s3 =	sadd.s32 $0x88, s3;
	s6 =	simm.s32 @!p1 $0x1082;
	[sflag:s4] =	ssyncset.s32 $0xFFFFF086  }
0x25: {  	[simem:s6], [sflag:s4] =	dma.local [hbm:s3], $0xF7A  }
0x26: {  	[smem:$0x3F90] =	sst s1;
	(tag) =	ssettag s2;
	_ =	strace s9  }
0x27: {  	s1 =	sld [smem:$0x3FA0]  }
0x28: {  	s2 =	sld [smem:$0x3FA1]  }
0x29: {  	s4 =	sld [smem:$0x3FA3]  }
0x2a: {  	p0 =	seq.s32 s5, $0x0;
	s5 =	sld [smem:$0x3FA4]  }
0x2b: {  	s6 =	sld [smem:$0x3FA5]  }
0x2c: {  	s7 =	sld [smem:$0x3FA6]  }
0x2d: {  	s3 =	simm.s32 $0x108;
	s8 =	sld [smem:$0x3FA7]  }
0x2e: {  	s3 =	simm.s32 @!p0 $0x1082;
	s9 =	sld [smem:$0x3FA8]  }
0x2f: {  	lr =	sadd.s32 s0, s3;
	s0 =	sld [smem:$0x3F9F]  }
0x30: {  	s3 =	sld [smem:$0x3FA2]  }
0x31: {  	[smem:$0x3FAB] =	sst s10  }
0x32: {  	s10 =	sld [smem:$0x3FA9];
	_ =	sdelay $0x3  }
0x33: {  	p0 =	seq.s32 s10, $0x1;
	s10 =	sld [smem:$0x3FAB];
	_ =	sdelay $0x3  }
0x34: {  	[smem:$0x3FAB] =	sst s10  }
0x35: {  	s10 =	sld [smem:$0x3FAA];
	_ =	sdelay $0x3  }
0x36: {  	p1 =	seq.s32 s10, $0x1;
	s10 =	sld [smem:$0x3FAB];
	_ =	sdelay $0x3  }
0x37: {  	[smem:$0x3FAB] =	sst s10  }
0x38: {  	s10 =	sld [smem:$0x3FAC]  }
0x39: {  	_ = 	snop;
	(pc) =	sbr.ind lr, $3  }
0x3a: {  	_ = 	snop  }
0x3b: {  	_ = 	snop  }
0x3c: {  	p2 =	seq.s32 s10, $0x1;
	s10 =	sld [smem:$0x3FAB]  }
0x3d: {  	_ =	shalt  }
0x3e: {  	_ =	shalt  }
0x3f: {  	_ =	shalt  }
0x40: {  	_ =	shalt  }
0x41: {  	_ =	shalt  }
0x42: {  	_ =	shalt  }
0x43: {  	_ =	shalt  }
0x44: {  	_ =	shalt  }
0x45: {  	_ =	shalt  }
0x46: {  	_ =	shalt  }
0x47: {  	_ =	shalt  }
0x48: {  	_ =	shalt  }
0x49: {  	_ =	shalt  }
0x4a: {  	_ =	shalt  }
0x4b: {  	_ =	shalt  }
0x4c: {  	_ =	shalt  }
0x4d: {  	_ =	shalt  }
0x4e: {  	_ =	shalt  }
0x4f: {  	_ =	shalt  }
0x50: {  	_ =	shalt  }
0x51: {  	_ =	shalt  }
0x52: {  	_ =	shalt  }
0x53: {  	_ =	shalt  }
0x54: {  	_ =	shalt  }
0x55: {  	_ =	shalt  }
0x56: {  	_ =	shalt  }
0x57: {  	_ =	shalt  }
0x58: {  	_ =	shalt  }
0x59: {  	_ =	shalt  }
0x5a: {  	_ =	shalt  }
0x5b: {  	_ =	shalt  }
0x5c: {  	_ =	shalt  }
0x5d: {  	_ =	shalt  }
0x5e: {  	_ =	shalt  }
0x5f: {  	_ =	shalt  }
0x60: {  	_ =	shalt  }
0x61: {  	_ =	shalt  }
0x62: {  	_ =	shalt  }
0x63: {  	_ =	shalt  }
0x64: {  	_ =	shalt  }
0x65: {  	_ =	shalt  }
0x66: {  	_ =	shalt  }
0x67: {  	_ =	shalt  }
0x68: {  	_ =	shalt  }
0x69: {  	_ =	shalt  }
0x6a: {  	_ =	shalt  }
0x6b: {  	_ =	shalt  }
0x6c: {  	_ =	shalt  }
0x6d: {  	_ =	shalt  }
0x6e: {  	_ =	shalt  }
0x6f: {  	_ =	shalt  }
0x70: {  	_ =	shalt  }
0x71: {  	_ =	shalt  }
0x72: {  	_ =	shalt  }
0x73: {  	_ =	shalt  }
0x74: {  	_ =	shalt  }
0x75: {  	_ =	shalt  }
0x76: {  	_ =	shalt  }
0x77: {  	_ =	shalt  }
0x78: {  	_ =	shalt  }
0x79: {  	_ =	shalt  }
0x7a: {  	_ =	shalt  }
0x7b: {  	_ =	shalt  }
0x7c: {  	_ =	shalt  }
0x7d: {  	_ =	shalt  }
0x7e: {  	_ =	shalt  }
0x7f: {  	_ =	shalt  }
0x80: {  	_ =	shalt  }
0x81: {  	_ =	shalt  }
0x82: {  	_ =	shalt  }
0x83: {  	_ =	shalt  }
0x84: {  	_ =	shalt  }
0x85: {  	_ =	shalt  }
0x86: {  	_ =	shalt  }
0x87: {  	_ =	shalt  }
.Lfunc_end0:
.L_simem_size_0:
called_computation.1_lowered:
.L_overlay_start_0:
0x88: {  	s2 =	sld [smem:$0x3FD9]  }
0x89: {  	s3 =	sld [smem:$0x3FFE];
	_ =	sdelay $0x1  }
0x8a: {  	s1 =	srdreg.scid  }
0x8b: {  	s0 =	sand.u32 $0x1, s1  }
0x8c: {  	s14 =	sshll.u32 s0, $0xA;
	s2 =	sadd.s32 s3, s2  }
0x8d: {  	s2 =	sadd.s32 s2, s14  }
0x8e: {  	[smem:$0x3FB7] =	sst s2  }
0x8f: {  	_ = 	snop  }
0x90: {  	s2 =	sld [smem:$0x3FD0]  }
0x91: {  	s15 =	sld [smem:$0x3FC9]  }
0x92: {  	s4 =	sld [smem:$0x3FC8]  }
0x93: {  	s6 =	simm.s32 $0xA;
	s7 =	simm.s32 $0x10;
	s5 =	sld [smem:$0x3FC7]  }
0x94: {  	[smem:s7], [sflag:s6] =	dma.local [hbm:s2], $0x1  }
0x95: {  	_ =	swait.eq [sflag:s6], $0x1  }
0x96: {  	[sflag:s6] =	ssyncset.done $0x0  }
0x97: {  	s16 =	sld [smem:$0x10];
	[sflag:s6] =	ssyncadd.s32 $0xFFFFFFFF  }
0x98: {  	s17 =	sld [smem:$0x11];
	(tm) =	ssettm $0x1  }
0x99: {  	s18 =	sld [smem:$0x3FFB];
	_ =	sdelay $0x3  }
0x9a: {  	_ =	strace s18  }
0x9b: {  	s7 =	sld [smem:$0x3FFC];
	_ =	sdelay $0x3  }
0x9c: {  	_ =	strace s7  }
0x9d: {  	s7 =	sld [smem:$0x3FFD];
	_ =	sdelay $0x3  }
0x9e: {  	_ =	strace s7  }
0x9f: {  	_ =	strace $0x8FFFFFFF  }
0xa0: {  	s19 =	sld [smem:$0x3FDB];
	_ =	sdelay $0x1  }
0xa1: {  	s8 =	simm.s32 $_scs_section_size  }
0xa2: {  	s9 =	simm.s32 $_size__tile_overlayer_lowered;
	s10 =	simm.s32 $_tile_overlayer_lowered  }
0xa3: {  	s22 =	simm.s32 $0x1BFF;
	s21 =	sshll.u32 s10, $0x1;
	s7 =	sadd.s32 s8, s19  }
0xa4: {  	s11 =	simm.s32 $0x0;
	s20 =	sshll.u32 s9, $0x1;
	s9 =	sadd.s32 s21, s7  }
0xa5: {  	[timem:s11], [sflag:s22] =	dma.local [hbm:s9], s20  }
0xa6: {  	_ =	swait.ge [sflag:s22], s20  }
0xa7: {  	s8 =	ssub.s32 $0x0, s20;
	[sflag:s22] =	ssyncset.done $0x0  }
0xa8: {  	[sflag:s22] =	ssyncadd.s32 s8;
	_ =	sdelay $0x1  }
0xa9: {  	s23 =	simm.s32 $0x1B8B  }
0xaa: {  	_ =	swait.ge [sflag:s23], $0x1  }
0xab: {  	[sflag:s23] =	ssyncset.done $0x0  }
0xac: {  	s25 =	simm.s32 $0x1B8E;
	s24 =	sld [smem:$0x3FFE];
	[sflag:s23] =	ssyncadd.s32 $0xFFFFFFFF  }
0xad: {  	s26 =	simm.s32 $execute0_lowered;
	[smem:$0x3FD2] =	sst s25  }
0xae: {  	s9 =	sshll.u32 s26, $0x1;
	_ =	strace $0x80000046;
	[dreg:$0x1] =	wrdreg $0xFFFFFFFF  }
0xaf: {  	s28 =	simm.s32 $_size_execute0_lowered;
	s7 =	sadd.s32 s7, s9;
	[dreg:$0x0] =	wrdreg $0x0  }
0xb0: {  	s9 =	sshll.u32 s28, $0x1;
	[dreg:$0x2] =	wrdreg s7  }
0xb1: {  	[dreg:$0x3] =	wrdreg s9  }
0xb2: {  	[dreg:$0x4] =	wrdreg $0xC0  }
0xb3: {  	_ =	task [dreg:s11], $0x5FFFF  }
0xb4: {  	[dreg:$0x1] =	wrdreg $0xFFFFFFFF  }
0xb5: {  	[dreg:$0x0] =	wrdreg $0x60  }
0xb6: {  	[dreg:$0x2] =	wrdreg s4  }
0xb7: {  	[dreg:$0x3] =	wrdreg s24  }
0xb8: {  	[dreg:$0x4] =	wrdreg s15  }
0xb9: {  	[dreg:$0x5] =	wrdreg s5  }
0xba: {  	[dreg:$0x6] =	wrdreg s17  }
0xbb: {  	[dreg:$0x7] =	wrdreg s16  }
0xbc: {  	[dreg:$0x8] =	wrdreg $0x9  }
0xbd: {  	_ =	task.clear_ibuf [dreg:s11], $0x9FFFF;
	_ =	strace $0x90000046  }
0xbe: {  	s29 =	simm.s32 $0x9;
	_ =	strace $0x80000048  }
0xbf: {  	_ =	swait.ge [sflag:s29], $0x1  }
0xc0: {  	[sflag:s29] =	ssyncadd.s32 $0xFFFFFFFF  }
0xc1: {  	_ =	strace $0x90000048  }
0xc2: {  	_ =	sfence  }
0xc3: {  	s30 =	sld [smem:$0x0];
	_ =	sdelay $0x2  }
0xc4: {  	s31 =	sshll.u32 s1, $0xD;
	s1 =	sshrl.u32 s1, $0x2  }
0xc5: {  	s3 =	sand.u32 $0x4000, s31;
	s1 =	sadd.s32 s1, s30  }
0xc6: {  	s0 =	sor.u32 s3, s0;
	s1 =	sshll.u32 s1, $0x11  }
0xc7: {  	s0 =	sor.u32 s1, s0  }
0xc8: {  	s0 =	sadd.s32 $0x8F2B, s0  }
0xc9: {  	[sflag:s0] =	ssyncadd.remote.s32 $0x1  }
0xca: {  	_ =	sfence.sel $0xFFFF  }
0xcb: {  	[dreg:$0x0] =	wrdreg $0xFFFFFFFF;
	(pc) =	sbr.abs _section_cstart, $3  }
0xcc: {  	[dreg:$0x1] =	wrdreg $0xFFFFFFFF  }
0xcd: {  	_ =	task.clear_ibuf [dreg:s11], $0x2FFFF;
	_ =	strace $0x9FFFFFFF  }
0xce: {  	(tm) =	ssettm $0x7FFFFFFF  }
0xcf: {  	_ =	shalt  }
tec
execute0_lowered:
.L_overlay_start_1:
0x0: {  	(tag) =	ssettag $0x1  }
0x1: {  	s1 =	rddreg [dreg:$0x0]  }
0x2: {  	s0 =	rddreg [dreg:$0x1]  }
0x3: {  	s2 =	rddreg [dreg:$0x2]  }
0x4: {  	s3 =	rddreg [dreg:$0x3]  }
0x5: {  	s5 =	rddreg [dreg:$0x4]  }
0x6: {  	s6 =	rddreg [dreg:$0x5]  }
0x7: {  	s4 =	simm.s32 $0x0;
	s7 =	srdreg.scid;
	s12 =	stileid.u32  }
0x8: {  	s15 =	simm.s32 $0xFC00;
	s16 =	simm.s32 $0x10400;
	s19 =	simm.s32 $0x10C00  }
0x9: {  	s20 =	simm.s32 $0x11400;
	s28 =	simm.s32 $0x7C00;
	s29 =	simm.s32 $0x8400  }
0xa: {  	s30 =	simm.s32 $0x8C00;
	s31 =	simm.s32 $0x9400;
	s18 =	simm.s32 $0xAC00  }
0xb: {  	[smem:$0x7FF] =	sst s4;
	s7 =	sand.u32 $0x1, s7;
	s9 =	sadd.s32 $0x2200, s0  }
0xc: {  	s8 =	sshll.u32 s12, $0x1;
	_ =	strace $0x80000047;
	[dreg:$0x14] =	wrdreg s9  }
0xd: {  	s10 =	sshll.u32 s12, $0x13;
	s12 =	sshll.u32 s12, $0xF;
	[dreg:$0xa] =	wrdreg s15  }
0xe: {  	s8 =	sor.u32 s7, s8;
	s10 =	sadd.s32 s10, s0;
	[dreg:$0xb] =	wrdreg s16  }
0xf: {  	s13 =	ssub.s32 $0x2, s7;
	s24 =	sshll.u32 s7, $0x12;
	[dreg:$0xc] =	wrdreg s19  }
0x10: {  	s16 =	simm.s32 $0x3;
	[dreg:$0xd] =	wrdreg s20;
	s20 =	simm.s32 $0x1  }
0x11: {  	s21 =	sshll.u32 s8, $0xA;
	s11 =	sshll.u32 s8, $0xD;
	s8 =	sshll.u32 s8, $0x6  }
0x12: {  	s15 =	simm.s32 $0x15C00;
	s14 =	sshrl.u32 s13, $0x1;
	s3 =	sadd.s32 s3, s8  }
0x13: {  	s9 =	sadd.s32 s21, s0;
	s22 =	sadd.s32 s5, s8;
	[dreg:$0x16] =	wrdreg s3  }
0x14: {  	s11 =	sadd.s32 s11, s0;
	s21 =	simm.s32 $0x11C00;
	[dreg:$0x17] =	wrdreg s22  }
0x15: {  	s0 =	sadd.s32 s12, s0;
	s9 =	sadd.s32 $0x342200, s9;
	[dreg:$0xe] =	wrdreg s21  }
0x16: {  	s13 =	ssub.s32 s13, s14;
	s23 =	sadd.s32 $0xC2200, s11;
	[dreg:$0x15] =	wrdreg s9  }
0x17: {  	s25 =	smax.u32 s13, $0x1;
	s26 =	sadd.s32 $0xC2A00, s11;
	[dreg:$0x18] =	wrdreg s23  }
0x18: {  	s3 =	sadd.s32 s24, s10;
	s8 =	sadd.s32 $0xC3200, s11;
	[dreg:$0x19] =	wrdreg s25  }
0x19: {  	s10 =	sadd.s32 s12, s6;
	s12 =	sshll.u32 s7, $0xE;
	[dreg:$0x1a] =	wrdreg s26  }
0x1a: {  	s13 =	simm.s32 $0xF400;
	s22 =	simm.s32 $0x12400;
	[dreg:$0x1b] =	wrdreg s8  }
0x1b: {  	s24 =	simm.s32 $0x13400;
	s21 =	simm.s32 $0xB400;
	[dreg:$0x9] =	wrdreg s13  }
0x1c: {  	s6 =	simm.s32 $0xCC00;
	s7 =	simm.s32 $0xD400;
	[dreg:$0xf] =	wrdreg s22  }
0x1d: {  	s9 =	sadd.s32 $0xC3A00, s11;
	s3 =	sadd.s32 $0x34A200, s3;
	[dreg:$0x11] =	wrdreg s24  }
0x1e: {  	s11 =	simm.s32 $0xEC00;
	s14 =	sadd.s32 s12, s10;
	[dreg:$0x1c] =	wrdreg s9  }
0x1f: {  	s0 =	sadd.s32 s12, s0;
	s23 =	simm.s32 $0x12C00;
	[dreg:$0x7] =	wrdreg s3  }
0x20: {  	s25 =	simm.s32 $0x13C00;
	s26 =	simm.s32 $0x14400;
	[dreg:$0x8] =	wrdreg s11  }
0x21: {  	s24 =	simm.s32 $0x6400;
	s22 =	simm.s32 $0xBC00;
	[dreg:$0x10] =	wrdreg s23  }
0x22: {  	s8 =	simm.s32 $0xDC00;
	s13 =	simm.s32 $0x2;
	[dreg:$0x12] =	wrdreg s25  }
0x23: {  	s10 =	simm.s32 $0x0;
	s17 =	sadd.s32 $0x42200, s0;
	[dreg:$0x13] =	wrdreg s26  }
0x24: {  	v2 =	vlaneseq.u32;
	s25 =	simm.s32 $0x6C00;
	s26 =	simm.s32 $0x7400;
	s0 =	simm.s32 $0x9C00  }
0x25: {  	vm0 =	vmmov $0xffff;
	v1 =	vshrl.u32 v2, $0x3;
	s3 =	simm.s32 $0xA400;
	s23 =	simm.s32 $0xC400;
	[dreg:$0x1d] =	wrdreg s14  }
0x26: {  	v0 =	vand.u32 $0x7, v2;
	v2 =	vor.u32 $0x8, v2;
	v1 =	vmul.u32 $0x8, v1;
	s9 =	simm.s32 $0xE400;
	s14 =	simm.s32 $0x15400;
	[dreg:$0x1e] =	wrdreg s17  }
.LBB2_1:
0x27: {  	[dreg:$0x1f] =	wrdreg s10  }
0x28: {  	s5 =	rddreg [dreg:$0x15]  }
0x29: {  	[tilespmem:s4], [sflag:$0x3] =	stream.linear.gather [hbm4b:s5+s4], $0x2000, $0x38;
	[tilespmem:$0x16400] =	vst v63  }
0x2a: {  	_ =	swait.ge [sflag:s16], $0x2000  }
0x2b: {  	[sflag:s16] =	ssyncset.done $0x0  }
0x2c: {  	s17 =	simm.s32 $0x2000;
	s12 =	rddreg [dreg:$0x16];
	[sflag:s16] =	ssyncadd.s32 $0xFFFFE000  }
0x2d: {  	[tilespmem:s17], [sflag:$0x3] =	stream.linear.gather [hbm4b:s12+s4], $0x200, $0x38;
	[tilespmem:$0x16400] =	vst v63  }
0x2e: {  	_ =	swait.ge [sflag:s16], $0x200  }
0x2f: {  	[sflag:s16] =	ssyncset.done $0x0  }
0x30: {  	s11 =	simm.s32 $0x2200;
	s19 =	rddreg [dreg:$0x17];
	[sflag:s16] =	ssyncadd.s32 $0xFFFFFE00  }
0x31: {  	[tilespmem:s11], [sflag:$0x3] =	stream.linear.gather [hbm4b:s19+s4], $0x200, $0x38;
	[tilespmem:$0x16400] =	vst v63  }
0x32: {  	_ =	swait.ge [sflag:s16], $0x200  }
0x33: {  	s19 =	simm.s32 $0x80;
	[sflag:s16] =	ssyncset.done $0x0  }
0x34: {  	s11 =	simm.s32 $0x2400;
	s5 =	rddreg [dreg:$0x14];
	[sflag:s16] =	ssyncadd.s32 $0xFFFFFE00  }
0x35: {  	[tilespmem:s11], [sflag:$0x1] =	stream.indirect.gather [hbm4b:s5+s19], $0x80, s17, s19, $0xb8;
	[tilespmem:$0x16400] =	vst v63  }
0x36: {  	_ =	swait.ge [sflag:s20], $0x4000  }
0x37: {  	[sflag:s20] =	ssyncset.done $0x0  }
0x38: {  	s17 =	rddreg [dreg:$0x18];
	[sflag:s20] =	ssyncadd.s32 $0xFFFFC000  }
0x39: {  	[hbm4b:s17+s4] =	stream.linear.scatter [tilespmem:s11], [sflag:$0x3], $0x4000, $0x38;
	[tilespmem:$0x16400] =	vst v63  }
0x3a: {  	_ =	swait.ge [sflag:s16], $0x4000  }
0x3b: {  	[sflag:s16] =	ssyncset.done $0x0  }
0x3c: {  	s17 =	simm.s32 $0x2080;
	[sflag:s16] =	ssyncadd.s32 $0xFFFFC000  }
0x3d: {  	[tilespmem:s11], [sflag:$0x1] =	stream.indirect.gather [hbm4b:s5+s19], $0x80, s17, s19, $0xb8;
	[tilespmem:$0x16400] =	vst v63  }
0x3e: {  	_ =	swait.ge [sflag:s20], $0x4000  }
0x3f: {  	[sflag:s20] =	ssyncset.done $0x0  }
0x40: {  	s17 =	rddreg [dreg:$0x1a];
	[sflag:s20] =	ssyncadd.s32 $0xFFFFC000  }
0x41: {  	[hbm4b:s17+s4] =	stream.linear.scatter [tilespmem:s11], [sflag:$0x3], $0x4000, $0x38;
	[tilespmem:$0x16400] =	vst v63  }
0x42: {  	_ =	swait.ge [sflag:s16], $0x4000  }
0x43: {  	[sflag:s16] =	ssyncset.done $0x0  }
0x44: {  	s17 =	simm.s32 $0x2100;
	[sflag:s16] =	ssyncadd.s32 $0xFFFFC000  }
0x45: {  	[tilespmem:s11], [sflag:$0x1] =	stream.indirect.gather [hbm4b:s5+s19], $0x80, s17, s19, $0xb8;
	[tilespmem:$0x16400] =	vst v63  }
0x46: {  	_ =	swait.ge [sflag:s20], $0x4000  }
0x47: {  	[sflag:s20] =	ssyncset.done $0x0  }
0x48: {  	s17 =	rddreg [dreg:$0x1b];
	[sflag:s20] =	ssyncadd.s32 $0xFFFFC000  }
0x49: {  	[hbm4b:s17+s4] =	stream.linear.scatter [tilespmem:s11], [sflag:$0x3], $0x4000, $0x38;
	[tilespmem:$0x16400] =	vst v63  }
0x4a: {  	_ =	swait.ge [sflag:s16], $0x4000  }
0x4b: {  	[sflag:s16] =	ssyncset.done $0x0  }
0x4c: {  	s17 =	simm.s32 $0x2180;
	[sflag:s16] =	ssyncadd.s32 $0xFFFFC000  }
0x4d: {  	[tilespmem:s11], [sflag:$0x1] =	stream.indirect.gather [hbm4b:s5+s19], $0x80, s17, s19, $0xb8;
	[tilespmem:$0x16400] =	vst v63  }
0x4e: {  	_ =	swait.ge [sflag:s20], $0x4000  }
0x4f: {  	[sflag:s20] =	ssyncset.done $0x0  }
0x50: {  	s17 =	rddreg [dreg:$0x1c];
	[sflag:s20] =	ssyncadd.s32 $0xFFFFC000  }
0x51: {  	[hbm4b:s17+s4] =	stream.linear.scatter [tilespmem:s11], [sflag:$0x3], $0x4000, $0x38;
	[tilespmem:$0x16400] =	vst v63  }
0x52: {  	_ =	swait.ge [sflag:s16], $0x4000  }
0x53: {  	[sflag:s16] =	ssyncset.done $0x0  }
0x54: {  	s12 =	simm.s32 $0x14C00;
	s17 =	simm.s32 $0x0;
	[sflag:s16] =	ssyncadd.s32 $0xFFFFC000  }
.LBB2_2:
0x55: {  	v3 =	vld [tilespmem:s19+$0xFFFFFF80];
	_ =	sdelay $0x4  }
0x56: {  	v4 =	vshll.u32 v3, $0x1  }
0x57: {  	v3 =	vand.u32 $0x7, v3;
	v4 =	vand.u32 $0xFFFFFFF0, v4  }
0x58: {  	v3 =	vor.u32 v3, v4  }
0x59: {  	v4 =	vperm.xlane v3, v0;
	_ =	sdelay $0x1  }
0x5a: {  	v3 =	vperm.xlane v3, v2;
	v4 =	vadd.s32 v1, v4;
	_ =	sdelay $0x1  }
0x5b: {  	v3 =	vadd.s32 v1, v3;
	_ =	sdelay $0x1  }
0x5c: {  	s5 =	simm.s32 $0x0  }
0x5d: {  	[tilespmem:s24], [sflag:$0x1] =	stream.indirect_vreg.gather [hbm4b:s1+s5], $0x80, v4, vm0, $0xb8;
	[tilespmem:$0x16400] =	vst v63  }
0x5e: {  	_ = 	snop  }
0x5f: {  	[tilespmem:s25], [sflag:$0x1] =	stream.indirect_vreg.gather [hbm4b:s1+s5], $0x80, v3, vm0, $0xb8;
	[tilespmem:$0x16400] =	vst v63  }
0x60: {  	v3 =	vld [tilespmem:s19+$0xFFFFFF90];
	_ =	sdelay $0x4  }
0x61: {  	v49 =	vshll.u32 v3, $0x1  }
0x62: {  	v3 =	vand.u32 $0x7, v3;
	v4 =	vand.u32 $0xFFFFFFF0, v49  }
0x63: {  	v3 =	vor.u32 v3, v4  }
0x64: {  	v4 =	vperm.xlane v3, v0;
	_ =	sdelay $0x1  }
0x65: {  	v3 =	vperm.xlane v3, v2;
	v4 =	vadd.s32 v1, v4;
	_ =	sdelay $0x1  }
0x66: {  	v3 =	vadd.s32 v1, v3;
	_ =	sdelay $0x2  }
0x67: {  	[tilespmem:s26], [sflag:$0x1] =	stream.indirect_vreg.gather [hbm4b:s1+s5], $0x80, v4, vm0, $0xb8;
	[tilespmem:$0x16400] =	vst v63  }
0x68: {  	_ = 	snop  }
0x69: {  	[tilespmem:s28], [sflag:$0x1] =	stream.indirect_vreg.gather [hbm4b:s1+s5], $0x80, v3, vm0, $0xb8;
	[tilespmem:$0x16400] =	vst v63  }
0x6a: {  	v3 =	vld [tilespmem:s19+$0xFFFFFFA0];
	_ =	sdelay $0x4  }
0x6b: {  	v50 =	vshll.u32 v3, $0x1  }
0x6c: {  	v3 =	vand.u32 $0x7, v3;
	v4 =	vand.u32 $0xFFFFFFF0, v50  }
0x6d: {  	v3 =	vor.u32 v3, v4  }
0x6e: {  	v4 =	vperm.xlane v3, v0;
	_ =	sdelay $0x1  }
0x6f: {  	v3 =	vperm.xlane v3, v2;
	v4 =	vadd.s32 v1, v4;
	_ =	sdelay $0x1  }
0x70: {  	v3 =	vadd.s32 v1, v3;
	_ =	sdelay $0x2  }
0x71: {  	[tilespmem:s29], [sflag:$0x1] =	stream.indirect_vreg.gather [hbm4b:s1+s5], $0x80, v4, vm0, $0xb8;
	[tilespmem:$0x16400] =	vst v63  }
0x72: {  	_ = 	snop  }
0x73: {  	[tilespmem:s30], [sflag:$0x1] =	stream.indirect_vreg.gather [hbm4b:s1+s5], $0x80, v3, vm0, $0xb8;
	[tilespmem:$0x16400] =	vst v63  }
0x74: {  	v3 =	vld [tilespmem:s19+$0xFFFFFFB0];
	_ =	sdelay $0x4  }
0x75: {  	v51 =	vshll.u32 v3, $0x1  }
0x76: {  	v3 =	vand.u32 $0x7, v3;
	v4 =	vand.u32 $0xFFFFFFF0, v51  }
0x77: {  	v3 =	vor.u32 v3, v4  }
0x78: {  	v4 =	vperm.xlane v3, v0;
	_ =	sdelay $0x1  }
0x79: {  	v3 =	vperm.xlane v3, v2;
	v4 =	vadd.s32 v1, v4;
	_ =	sdelay $0x1  }
0x7a: {  	v3 =	vadd.s32 v1, v3;
	_ =	sdelay $0x2  }
0x7b: {  	[tilespmem:s31], [sflag:$0x1] =	stream.indirect_vreg.gather [hbm4b:s1+s5], $0x80, v4, vm0, $0xb8;
	[tilespmem:$0x16400] =	vst v63  }
0x7c: {  	_ = 	snop  }
0x7d: {  	[tilespmem:s0], [sflag:$0x1] =	stream.indirect_vreg.gather [hbm4b:s1+s5], $0x80, v3, vm0, $0xb8;
	[tilespmem:$0x16400] =	vst v63  }
0x7e: {  	v3 =	vld [tilespmem:s19+$0xFFFFFFC0];
	_ =	sdelay $0x4  }
0x7f: {  	v52 =	vshll.u32 v3, $0x1  }
0x80: {  	v3 =	vand.u32 $0x7, v3;
	v4 =	vand.u32 $0xFFFFFFF0, v52  }
0x81: {  	v3 =	vor.u32 v3, v4  }
0x82: {  	v4 =	vperm.xlane v3, v0;
	_ =	sdelay $0x1  }
0x83: {  	v3 =	vperm.xlane v3, v2;
	v4 =	vadd.s32 v1, v4;
	_ =	sdelay $0x1  }
0x84: {  	v3 =	vadd.s32 v1, v3;
	_ =	sdelay $0x2  }
0x85: {  	[tilespmem:s3], [sflag:$0x1] =	stream.indirect_vreg.gather [hbm4b:s1+s5], $0x80, v4, vm0, $0xb8;
	[tilespmem:$0x16400] =	vst v63  }
0x86: {  	_ = 	snop  }
0x87: {  	[tilespmem:s18], [sflag:$0x1] =	stream.indirect_vreg.gather [hbm4b:s1+s5], $0x80, v3, vm0, $0xb8;
	[tilespmem:$0x16400] =	vst v63  }
0x88: {  	v3 =	vld [tilespmem:s19+$0xFFFFFFD0];
	_ =	sdelay $0x4  }
0x89: {  	v53 =	vshll.u32 v3, $0x1  }
0x8a: {  	v3 =	vand.u32 $0x7, v3;
	v4 =	vand.u32 $0xFFFFFFF0, v53  }
0x8b: {  	v3 =	vor.u32 v3, v4  }
0x8c: {  	v4 =	vperm.xlane v3, v0;
	_ =	sdelay $0x1  }
0x8d: {  	v3 =	vperm.xlane v3, v2;
	v4 =	vadd.s32 v1, v4;
	_ =	sdelay $0x1  }
0x8e: {  	v3 =	vadd.s32 v1, v3;
	_ =	sdelay $0x2  }
0x8f: {  	[tilespmem:s21], [sflag:$0x1] =	stream.indirect_vreg.gather [hbm4b:s1+s5], $0x80, v4, vm0, $0xb8;
	[tilespmem:$0x16400] =	vst v63  }
0x90: {  	_ = 	snop  }
0x91: {  	[tilespmem:s22], [sflag:$0x1] =	stream.indirect_vreg.gather [hbm4b:s1+s5], $0x80, v3, vm0, $0xb8;
	[tilespmem:$0x16400] =	vst v63  }
0x92: {  	v3 =	vld [tilespmem:s19+$0xFFFFFFE0];
	_ =	sdelay $0x4  }
0x93: {  	v54 =	vshll.u32 v3, $0x1  }
0x94: {  	v3 =	vand.u32 $0x7, v3;
	v4 =	vand.u32 $0xFFFFFFF0, v54  }
0x95: {  	v3 =	vor.u32 v3, v4  }
0x96: {  	v4 =	vperm.xlane v3, v0;
	_ =	sdelay $0x1  }
0x97: {  	v3 =	vperm.xlane v3, v2;
	v4 =	vadd.s32 v1, v4;
	_ =	sdelay $0x1  }
0x98: {  	v3 =	vadd.s32 v1, v3;
	_ =	sdelay $0x2  }
0x99: {  	[tilespmem:s23], [sflag:$0x1] =	stream.indirect_vreg.gather [hbm4b:s1+s5], $0x80, v4, vm0, $0xb8;
	[tilespmem:$0x16400] =	vst v63  }
0x9a: {  	_ = 	snop  }
0x9b: {  	[tilespmem:s6], [sflag:$0x1] =	stream.indirect_vreg.gather [hbm4b:s1+s5], $0x80, v3, vm0, $0xb8;
	[tilespmem:$0x16400] =	vst v63  }
0x9c: {  	v3 =	vld [tilespmem:s19+$0xFFFFFFF0];
	_ =	sdelay $0x4  }
0x9d: {  	v55 =	vshll.u32 v3, $0x1  }
0x9e: {  	v3 =	vand.u32 $0x7, v3;
	v4 =	vand.u32 $0xFFFFFFF0, v55  }
0x9f: {  	v3 =	vor.u32 v3, v4  }
0xa0: {  	v4 =	vperm.xlane v3, v0;
	_ =	sdelay $0x1  }
0xa1: {  	v3 =	vperm.xlane v3, v2;
	v4 =	vadd.s32 v1, v4;
	_ =	sdelay $0x1  }
0xa2: {  	v3 =	vadd.s32 v1, v3;
	_ =	sdelay $0x2  }
0xa3: {  	[tilespmem:s7], [sflag:$0x1] =	stream.indirect_vreg.gather [hbm4b:s1+s5], $0x80, v4, vm0, $0xb8;
	[tilespmem:$0x16400] =	vst v63  }
0xa4: {  	_ = 	snop  }
0xa5: {  	[tilespmem:s8], [sflag:$0x1] =	stream.indirect_vreg.gather [hbm4b:s1+s5], $0x80, v3, vm0, $0xb8;
	[tilespmem:$0x16400] =	vst v63  }
0xa6: {  	v3 =	vld [tilespmem:s19+$0x0];
	_ =	sdelay $0x4  }
0xa7: {  	v56 =	vshll.u32 v3, $0x1  }
0xa8: {  	v3 =	vand.u32 $0x7, v3;
	v4 =	vand.u32 $0xFFFFFFF0, v56  }
0xa9: {  	v3 =	vor.u32 v3, v4  }
0xaa: {  	v4 =	vperm.xlane v3, v0;
	_ =	sdelay $0x1  }
0xab: {  	v3 =	vperm.xlane v3, v2;
	v4 =	vadd.s32 v1, v4;
	_ =	sdelay $0x1  }
0xac: {  	v3 =	vadd.s32 v1, v3;
	_ =	sdelay $0x2  }
0xad: {  	[tilespmem:s9], [sflag:$0x2] =	stream.indirect_vreg.gather [hbm4b:s1+s5], $0x80, v4, vm0, $0xb8;
	[tilespmem:$0x16400] =	vst v63  }
0xae: {  	s10 =	rddreg [dreg:$0x8]  }
0xaf: {  	[tilespmem:s10], [sflag:$0x2] =	stream.indirect_vreg.gather [hbm4b:s1+s5], $0x80, v3, vm0, $0xb8;
	[tilespmem:$0x16400] =	vst v63  }
0xb0: {  	v3 =	vld [tilespmem:s19+$0x10];
	_ =	sdelay $0x4  }
0xb1: {  	v57 =	vshll.u32 v3, $0x1  }
0xb2: {  	v3 =	vand.u32 $0x7, v3;
	v4 =	vand.u32 $0xFFFFFFF0, v57  }
0xb3: {  	v3 =	vor.u32 v3, v4  }
0xb4: {  	v4 =	vperm.xlane v3, v0;
	_ =	sdelay $0x1  }
0xb5: {  	v3 =	vperm.xlane v3, v2;
	v4 =	vadd.s32 v1, v4;
	_ =	sdelay $0x1  }
0xb6: {  	v3 =	vadd.s32 v1, v3;
	_ =	sdelay $0x1  }
0xb7: {  	s10 =	rddreg [dreg:$0x9]  }
0xb8: {  	[tilespmem:s10], [sflag:$0x2] =	stream.indirect_vreg.gather [hbm4b:s1+s5], $0x80, v4, vm0, $0xb8;
	[tilespmem:$0x16400] =	vst v63  }
0xb9: {  	s11 =	rddreg [dreg:$0xa]  }
0xba: {  	[tilespmem:s11], [sflag:$0x2] =	stream.indirect_vreg.gather [hbm4b:s1+s5], $0x80, v3, vm0, $0xb8;
	[tilespmem:$0x16400] =	vst v63  }
0xbb: {  	v3 =	vld [tilespmem:s19+$0x20];
	_ =	sdelay $0x4  }
0xbc: {  	v58 =	vshll.u32 v3, $0x1  }
0xbd: {  	v3 =	vand.u32 $0x7, v3;
	v4 =	vand.u32 $0xFFFFFFF0, v58  }
0xbe: {  	v3 =	vor.u32 v3, v4  }
0xbf: {  	v4 =	vperm.xlane v3, v0;
	_ =	sdelay $0x1  }
0xc0: {  	v3 =	vperm.xlane v3, v2;
	v4 =	vadd.s32 v1, v4;
	_ =	sdelay $0x1  }
0xc1: {  	v3 =	vadd.s32 v1, v3;
	_ =	sdelay $0x1  }
0xc2: {  	s10 =	rddreg [dreg:$0xb]  }
0xc3: {  	[tilespmem:s10], [sflag:$0x2] =	stream.indirect_vreg.gather [hbm4b:s1+s5], $0x80, v4, vm0, $0xb8;
	[tilespmem:$0x16400] =	vst v63  }
0xc4: {  	s11 =	rddreg [dreg:$0xc]  }
0xc5: {  	[tilespmem:s11], [sflag:$0x2] =	stream.indirect_vreg.gather [hbm4b:s1+s5], $0x80, v3, vm0, $0xb8;
	[tilespmem:$0x16400] =	vst v63  }
0xc6: {  	v3 =	vld [tilespmem:s19+$0x30];
	_ =	sdelay $0x4  }
0xc7: {  	v59 =	vshll.u32 v3, $0x1  }
0xc8: {  	v3 =	vand.u32 $0x7, v3;
	v4 =	vand.u32 $0xFFFFFFF0, v59  }
0xc9: {  	v3 =	vor.u32 v3, v4  }
0xca: {  	v4 =	vperm.xlane v3, v0;
	_ =	sdelay $0x1  }
0xcb: {  	v3 =	vperm.xlane v3, v2;
	v4 =	vadd.s32 v1, v4;
	_ =	sdelay $0x1  }
0xcc: {  	v3 =	vadd.s32 v1, v3;
	_ =	sdelay $0x1  }
0xcd: {  	s10 =	rddreg [dreg:$0xd]  }
0xce: {  	[tilespmem:s10], [sflag:$0x2] =	stream.indirect_vreg.gather [hbm4b:s1+s5], $0x80, v4, vm0, $0xb8;
	[tilespmem:$0x16400] =	vst v63  }
0xcf: {  	s11 =	rddreg [dreg:$0xe]  }
0xd0: {  	[tilespmem:s11], [sflag:$0x2] =	stream.indirect_vreg.gather [hbm4b:s1+s5], $0x80, v3, vm0, $0xb8;
	[tilespmem:$0x16400] =	vst v63  }
0xd1: {  	v3 =	vld [tilespmem:s19+$0x40];
	_ =	sdelay $0x4  }
0xd2: {  	v60 =	vshll.u32 v3, $0x1  }
0xd3: {  	v3 =	vand.u32 $0x7, v3;
	v4 =	vand.u32 $0xFFFFFFF0, v60  }
0xd4: {  	v3 =	vor.u32 v3, v4  }
0xd5: {  	v4 =	vperm.xlane v3, v0;
	_ =	sdelay $0x1  }
0xd6: {  	v3 =	vperm.xlane v3, v2;
	v4 =	vadd.s32 v1, v4;
	_ =	sdelay $0x1  }
0xd7: {  	v3 =	vadd.s32 v1, v3;
	_ =	sdelay $0x1  }
0xd8: {  	s10 =	rddreg [dreg:$0xf]  }
0xd9: {  	[tilespmem:s10], [sflag:$0x2] =	stream.indirect_vreg.gather [hbm4b:s1+s5], $0x80, v4, vm0, $0xb8;
	[tilespmem:$0x16400] =	vst v63  }
0xda: {  	s11 =	rddreg [dreg:$0x10]  }
0xdb: {  	[tilespmem:s11], [sflag:$0x2] =	stream.indirect_vreg.gather [hbm4b:s1+s5], $0x80, v3, vm0, $0xb8;
	[tilespmem:$0x16400] =	vst v63  }
0xdc: {  	v3 =	vld [tilespmem:s19+$0x50];
	_ =	sdelay $0x4  }
0xdd: {  	v61 =	vshll.u32 v3, $0x1  }
0xde: {  	v3 =	vand.u32 $0x7, v3;
	v4 =	vand.u32 $0xFFFFFFF0, v61  }
0xdf: {  	v3 =	vor.u32 v3, v4  }
0xe0: {  	v4 =	vperm.xlane v3, v0;
	_ =	sdelay $0x1  }
0xe1: {  	v3 =	vperm.xlane v3, v2;
	v4 =	vadd.s32 v1, v4;
	_ =	sdelay $0x1  }
0xe2: {  	v3 =	vadd.s32 v1, v3;
	_ =	sdelay $0x1  }
0xe3: {  	s10 =	rddreg [dreg:$0x11]  }
0xe4: {  	[tilespmem:s10], [sflag:$0x2] =	stream.indirect_vreg.gather [hbm4b:s1+s5], $0x80, v4, vm0, $0xb8;
	[tilespmem:$0x16400] =	vst v63  }
0xe5: {  	s11 =	rddreg [dreg:$0x12]  }
0xe6: {  	[tilespmem:s11], [sflag:$0x2] =	stream.indirect_vreg.gather [hbm4b:s1+s5], $0x80, v3, vm0, $0xb8;
	[tilespmem:$0x16400] =	vst v63  }
0xe7: {  	v3 =	vld [tilespmem:s19+$0x60];
	_ =	sdelay $0x4  }
0xe8: {  	v62 =	vshll.u32 v3, $0x1  }
0xe9: {  	v3 =	vand.u32 $0x7, v3;
	v4 =	vand.u32 $0xFFFFFFF0, v62  }
0xea: {  	v3 =	vor.u32 v3, v4  }
0xeb: {  	v4 =	vperm.xlane v3, v0;
	_ =	sdelay $0x1  }
0xec: {  	v3 =	vperm.xlane v3, v2;
	v4 =	vadd.s32 v1, v4;
	_ =	sdelay $0x1  }
0xed: {  	v3 =	vadd.s32 v1, v3;
	_ =	sdelay $0x1  }
0xee: {  	s11 =	rddreg [dreg:$0x13]  }
0xef: {  	[tilespmem:s11], [sflag:$0x2] =	stream.indirect_vreg.gather [hbm4b:s1+s5], $0x80, v4, vm0, $0xb8;
	[tilespmem:$0x16400] =	vst v63  }
0xf0: {  	_ = 	snop  }
0xf1: {  	[tilespmem:s12], [sflag:$0x2] =	stream.indirect_vreg.gather [hbm4b:s1+s5], $0x80, v3, vm0, $0xb8;
	[tilespmem:$0x16400] =	vst v63  }
0xf2: {  	v3 =	vld [tilespmem:s19+$0x70];
	_ =	sdelay $0x4  }
0xf3: {  	v63 =	vshll.u32 v3, $0x1  }
0xf4: {  	v3 =	vand.u32 $0x7, v3;
	v4 =	vand.u32 $0xFFFFFFF0, v63  }
0xf5: {  	v3 =	vor.u32 v3, v4  }
0xf6: {  	v4 =	vperm.xlane v3, v0;
	_ =	sdelay $0x1  }
0xf7: {  	v3 =	vperm.xlane v3, v2;
	v4 =	vadd.s32 v1, v4;
	_ =	sdelay $0x1  }
0xf8: {  	v3 =	vadd.s32 v1, v3;
	_ =	sdelay $0x2  }
0xf9: {  	[tilespmem:s14], [sflag:$0x2] =	stream.indirect_vreg.gather [hbm4b:s1+s5], $0x80, v4, vm0, $0xb8;
	[tilespmem:$0x16400] =	vst v63  }
0xfa: {  	_ = 	snop  }
0xfb: {  	[tilespmem:s15], [sflag:$0x2] =	stream.indirect_vreg.gather [hbm4b:s1+s5], $0x80, v3, vm0, $0xb8;
	[tilespmem:$0x16400] =	vst v63  }
0xfc: {  	_ =	swait.ge [sflag:s20], $0x8000  }
0xfd: {  	s11 =	rddreg [dreg:$0x7];
	[sflag:s20] =	ssyncset.done $0x0  }
0xfe: {  	[sflag:s20] =	ssyncadd.s32 $0xFFFF8000;
	s10 =	sadd.s32 s17, s11  }
0xff: {  	[hbm4b:s10+s5] =	stream.linear.scatter [tilespmem:s24], [sflag:$0x3], $0x8000, $0x38;
	[tilespmem:$0x16400] =	vst v63  }
0x100: {  	_ =	swait.ge [sflag:s16], $0x8000  }
0x101: {  	[sflag:s16] =	ssyncset.done $0x0  }
0x102: {  	[sflag:s16] =	ssyncadd.s32 $0xFFFF8000  }
0x103: {  	_ =	swait.ge [sflag:s13], $0x8000  }
0x104: {  	p0 =	sne.s32 s17, $0x3E000;
	[sflag:s13] =	ssyncset.done $0x0  }
.Ltmp0:
0x105: {  	s10 =	sadd.s32 $0x1000, s10;
	[sflag:s13] =	ssyncadd.s32 $0xFFFF8000;
	(pc) =	sbr.rel @p0 .LBB2_2-.Ltmp0, $4  }
0x106: {  	[hbm4b:s10+s5] =	stream.linear.scatter [tilespmem:s9], [sflag:$0x3], $0x8000, $0x38;
	[tilespmem:$0x16400] =	vst v63  }
0x107: {  	_ =	swait.ge [sflag:s16], $0x8000  }
0x108: {  	[sflag:s16] =	ssyncset.done $0x0  }
0x109: {  	s19 =	sadd.s32 $0x100, s19;
	s17 =	sadd.s32 $0x2000, s17;
	[sflag:s16] =	ssyncadd.s32 $0xFFFF8000  }
0x10a: {  	s17 =	simm.s32 $0x2040;
	s19 =	simm.s32 $0x0;
	s11 =	rddreg [dreg:$0x1d]  }
.LBB2_4:
0x10b: {  	v3 =	vld [tilespmem:s17+$0xFFFFFFC0];
	_ =	sdelay $0x4  }
0x10c: {  	v4 =	vshll.u32 v3, $0x1  }
0x10d: {  	v3 =	vand.u32 $0x7, v3;
	v4 =	vand.u32 $0xFFFFFFF0, v4  }
0x10e: {  	v3 =	vor.u32 v3, v4  }
0x10f: {  	v4 =	vperm.xlane v3, v0;
	_ =	sdelay $0x1  }
0x110: {  	v3 =	vperm.xlane v3, v2;
	v4 =	vadd.s32 v1, v4;
	_ =	sdelay $0x1  }
0x111: {  	v3 =	vadd.s32 v1, v3;
	_ =	sdelay $0x2  }
0x112: {  	[tilespmem:s24], [sflag:$0x1] =	stream.indirect_vreg.gather [hbm4b:s2+s5], $0x80, v4, vm0, $0xb8;
	[tilespmem:$0x16400] =	vst v63  }
0x113: {  	_ = 	snop  }
0x114: {  	[tilespmem:s25], [sflag:$0x1] =	stream.indirect_vreg.gather [hbm4b:s2+s5], $0x80, v3, vm0, $0xb8;
	[tilespmem:$0x16400] =	vst v63  }
0x115: {  	v3 =	vld [tilespmem:s17+$0xFFFFFFD0];
	_ =	sdelay $0x4  }
0x116: {  	v57 =	vshll.u32 v3, $0x1  }
0x117: {  	v3 =	vand.u32 $0x7, v3;
	v4 =	vand.u32 $0xFFFFFFF0, v57  }
0x118: {  	v3 =	vor.u32 v3, v4  }
0x119: {  	v4 =	vperm.xlane v3, v0;
	_ =	sdelay $0x1  }
0x11a: {  	v3 =	vperm.xlane v3, v2;
	v4 =	vadd.s32 v1, v4;
	_ =	sdelay $0x1  }
0x11b: {  	v3 =	vadd.s32 v1, v3;
	_ =	sdelay $0x2  }
0x11c: {  	[tilespmem:s26], [sflag:$0x1] =	stream.indirect_vreg.gather [hbm4b:s2+s5], $0x80, v4, vm0, $0xb8;
	[tilespmem:$0x16400] =	vst v63  }
0x11d: {  	_ = 	snop  }
0x11e: {  	[tilespmem:s28], [sflag:$0x1] =	stream.indirect_vreg.gather [hbm4b:s2+s5], $0x80, v3, vm0, $0xb8;
	[tilespmem:$0x16400] =	vst v63  }
0x11f: {  	v3 =	vld [tilespmem:s17+$0xFFFFFFE0];
	_ =	sdelay $0x4  }
0x120: {  	v58 =	vshll.u32 v3, $0x1  }
0x121: {  	v3 =	vand.u32 $0x7, v3;
	v4 =	vand.u32 $0xFFFFFFF0, v58  }
0x122: {  	v3 =	vor.u32 v3, v4  }
0x123: {  	v4 =	vperm.xlane v3, v0;
	_ =	sdelay $0x1  }
0x124: {  	v3 =	vperm.xlane v3, v2;
	v4 =	vadd.s32 v1, v4;
	_ =	sdelay $0x1  }
0x125: {  	v3 =	vadd.s32 v1, v3;
	_ =	sdelay $0x2  }
0x126: {  	[tilespmem:s29], [sflag:$0x1] =	stream.indirect_vreg.gather [hbm4b:s2+s5], $0x80, v4, vm0, $0xb8;
	[tilespmem:$0x16400] =	vst v63  }
0x127: {  	_ = 	snop  }
0x128: {  	[tilespmem:s30], [sflag:$0x1] =	stream.indirect_vreg.gather [hbm4b:s2+s5], $0x80, v3, vm0, $0xb8;
	[tilespmem:$0x16400] =	vst v63  }
0x129: {  	v3 =	vld [tilespmem:s17+$0xFFFFFFF0];
	_ =	sdelay $0x4  }
0x12a: {  	v59 =	vshll.u32 v3, $0x1  }
0x12b: {  	v3 =	vand.u32 $0x7, v3;
	v4 =	vand.u32 $0xFFFFFFF0, v59  }
0x12c: {  	v3 =	vor.u32 v3, v4  }
0x12d: {  	v4 =	vperm.xlane v3, v0;
	_ =	sdelay $0x1  }
0x12e: {  	v3 =	vperm.xlane v3, v2;
	v4 =	vadd.s32 v1, v4;
	_ =	sdelay $0x1  }
0x12f: {  	v3 =	vadd.s32 v1, v3;
	_ =	sdelay $0x2  }
0x130: {  	[tilespmem:s31], [sflag:$0x1] =	stream.indirect_vreg.gather [hbm4b:s2+s5], $0x80, v4, vm0, $0xb8;
	[tilespmem:$0x16400] =	vst v63  }
0x131: {  	_ = 	snop  }
0x132: {  	[tilespmem:s0], [sflag:$0x1] =	stream.indirect_vreg.gather [hbm4b:s2+s5], $0x80, v3, vm0, $0xb8;
	[tilespmem:$0x16400] =	vst v63  }
0x133: {  	v3 =	vld [tilespmem:s17+$0x0];
	_ =	sdelay $0x4  }
0x134: {  	v60 =	vshll.u32 v3, $0x1  }
0x135: {  	v3 =	vand.u32 $0x7, v3;
	v4 =	vand.u32 $0xFFFFFFF0, v60  }
0x136: {  	v3 =	vor.u32 v3, v4  }
0x137: {  	v4 =	vperm.xlane v3, v0;
	_ =	sdelay $0x1  }
0x138: {  	v3 =	vperm.xlane v3, v2;
	v4 =	vadd.s32 v1, v4;
	_ =	sdelay $0x1  }
0x139: {  	v3 =	vadd.s32 v1, v3;
	_ =	sdelay $0x2  }
0x13a: {  	[tilespmem:s3], [sflag:$0x1] =	stream.indirect_vreg.gather [hbm4b:s2+s5], $0x80, v4, vm0, $0xb8;
	[tilespmem:$0x16400] =	vst v63  }
0x13b: {  	_ = 	snop  }
0x13c: {  	[tilespmem:s18], [sflag:$0x1] =	stream.indirect_vreg.gather [hbm4b:s2+s5], $0x80, v3, vm0, $0xb8;
	[tilespmem:$0x16400] =	vst v63  }
0x13d: {  	v3 =	vld [tilespmem:s17+$0x10];
	_ =	sdelay $0x4  }
0x13e: {  	v61 =	vshll.u32 v3, $0x1  }
0x13f: {  	v3 =	vand.u32 $0x7, v3;
	v4 =	vand.u32 $0xFFFFFFF0, v61  }
0x140: {  	v3 =	vor.u32 v3, v4  }
0x141: {  	v4 =	vperm.xlane v3, v0;
	_ =	sdelay $0x1  }
0x142: {  	v3 =	vperm.xlane v3, v2;
	v4 =	vadd.s32 v1, v4;
	_ =	sdelay $0x1  }
0x143: {  	v3 =	vadd.s32 v1, v3;
	_ =	sdelay $0x2  }
0x144: {  	[tilespmem:s21], [sflag:$0x1] =	stream.indirect_vreg.gather [hbm4b:s2+s5], $0x80, v4, vm0, $0xb8;
	[tilespmem:$0x16400] =	vst v63  }
0x145: {  	_ = 	snop  }
0x146: {  	[tilespmem:s22], [sflag:$0x1] =	stream.indirect_vreg.gather [hbm4b:s2+s5], $0x80, v3, vm0, $0xb8;
	[tilespmem:$0x16400] =	vst v63  }
0x147: {  	v3 =	vld [tilespmem:s17+$0x20];
	_ =	sdelay $0x4  }
0x148: {  	v62 =	vshll.u32 v3, $0x1  }
0x149: {  	v3 =	vand.u32 $0x7, v3;
	v4 =	vand.u32 $0xFFFFFFF0, v62  }
0x14a: {  	v3 =	vor.u32 v3, v4  }
0x14b: {  	v4 =	vperm.xlane v3, v0;
	_ =	sdelay $0x1  }
0x14c: {  	v3 =	vperm.xlane v3, v2;
	v4 =	vadd.s32 v1, v4;
	_ =	sdelay $0x1  }
0x14d: {  	v3 =	vadd.s32 v1, v3;
	_ =	sdelay $0x2  }
0x14e: {  	[tilespmem:s23], [sflag:$0x1] =	stream.indirect_vreg.gather [hbm4b:s2+s5], $0x80, v4, vm0, $0xb8;
	[tilespmem:$0x16400] =	vst v63  }
0x14f: {  	_ = 	snop  }
0x150: {  	[tilespmem:s6], [sflag:$0x1] =	stream.indirect_vreg.gather [hbm4b:s2+s5], $0x80, v3, vm0, $0xb8;
	[tilespmem:$0x16400] =	vst v63  }
0x151: {  	v3 =	vld [tilespmem:s17+$0x30];
	_ =	sdelay $0x4  }
0x152: {  	v63 =	vshll.u32 v3, $0x1  }
0x153: {  	v3 =	vand.u32 $0x7, v3;
	v4 =	vand.u32 $0xFFFFFFF0, v63  }
0x154: {  	v3 =	vor.u32 v3, v4  }
0x155: {  	v4 =	vperm.xlane v3, v0;
	_ =	sdelay $0x1  }
0x156: {  	v3 =	vperm.xlane v3, v2;
	v4 =	vadd.s32 v1, v4;
	_ =	sdelay $0x1  }
0x157: {  	v3 =	vadd.s32 v1, v3;
	_ =	sdelay $0x2  }
0x158: {  	[tilespmem:s7], [sflag:$0x1] =	stream.indirect_vreg.gather [hbm4b:s2+s5], $0x80, v4, vm0, $0xb8;
	[tilespmem:$0x16400] =	vst v63  }
0x159: {  	_ = 	snop  }
0x15a: {  	[tilespmem:s8], [sflag:$0x1] =	stream.indirect_vreg.gather [hbm4b:s2+s5], $0x80, v3, vm0, $0xb8;
	[tilespmem:$0x16400] =	vst v63  }
0x15b: {  	_ =	swait.ge [sflag:s20], $0x8000  }
0x15c: {  	p0 =	sne.s32 s19, $0x3000;
	[sflag:s20] =	ssyncset.done $0x0  }
.Ltmp1:
0x15d: {  	s10 =	sadd.s32 s19, s11;
	[sflag:s20] =	ssyncadd.s32 $0xFFFF8000;
	(pc) =	sbr.rel @p0 .LBB2_4-.Ltmp1, $4  }
0x15e: {  	[hbm4b:s10+s5] =	stream.linear.scatter [tilespmem:s24], [sflag:$0x3], $0x8000, $0x38;
	[tilespmem:$0x16400] =	vst v63  }
0x15f: {  	_ =	swait.ge [sflag:s16], $0x8000  }
0x160: {  	[sflag:s16] =	ssyncset.done $0x0  }
0x161: {  	s19 =	sadd.s32 $0x1000, s19;
	s17 =	sadd.s32 $0x80, s17;
	[sflag:s16] =	ssyncadd.s32 $0xFFFF8000  }
0x162: {  	s17 =	simm.s32 $0x2240;
	s12 =	rddreg [dreg:$0x1e]  }
.LBB2_6:
0x163: {  	v3 =	vld [tilespmem:s17+$0xFFFFFFC0];
	_ =	sdelay $0x4  }
0x164: {  	v4 =	vshll.u32 v3, $0x1  }
0x165: {  	v3 =	vand.u32 $0x7, v3;
	v4 =	vand.u32 $0xFFFFFFF0, v4  }
0x166: {  	v3 =	vor.u32 v3, v4  }
0x167: {  	v4 =	vperm.xlane v3, v0;
	_ =	sdelay $0x1  }
0x168: {  	v3 =	vperm.xlane v3, v2;
	v4 =	vadd.s32 v1, v4;
	_ =	sdelay $0x1  }
0x169: {  	v3 =	vadd.s32 v1, v3;
	_ =	sdelay $0x2  }
0x16a: {  	[tilespmem:s24], [sflag:$0x1] =	stream.indirect_vreg.gather [hbm4b:s2+s4], $0x80, v4, vm0, $0xb8;
	[tilespmem:$0x16400] =	vst v63  }
0x16b: {  	_ = 	snop  }
0x16c: {  	[tilespmem:s25], [sflag:$0x1] =	stream.indirect_vreg.gather [hbm4b:s2+s4], $0x80, v3, vm0, $0xb8;
	[tilespmem:$0x16400] =	vst v63  }
0x16d: {  	v3 =	vld [tilespmem:s17+$0xFFFFFFD0];
	_ =	sdelay $0x4  }
0x16e: {  	v57 =	vshll.u32 v3, $0x1  }
0x16f: {  	v3 =	vand.u32 $0x7, v3;
	v4 =	vand.u32 $0xFFFFFFF0, v57  }
0x170: {  	v3 =	vor.u32 v3, v4  }
0x171: {  	v4 =	vperm.xlane v3, v0;
	_ =	sdelay $0x1  }
0x172: {  	v3 =	vperm.xlane v3, v2;
	v4 =	vadd.s32 v1, v4;
	_ =	sdelay $0x1  }
0x173: {  	v3 =	vadd.s32 v1, v3;
	_ =	sdelay $0x2  }
0x174: {  	[tilespmem:s26], [sflag:$0x1] =	stream.indirect_vreg.gather [hbm4b:s2+s4], $0x80, v4, vm0, $0xb8;
	[tilespmem:$0x16400] =	vst v63  }
0x175: {  	_ = 	snop  }
0x176: {  	[tilespmem:s28], [sflag:$0x1] =	stream.indirect_vreg.gather [hbm4b:s2+s4], $0x80, v3, vm0, $0xb8;
	[tilespmem:$0x16400] =	vst v63  }
0x177: {  	v3 =	vld [tilespmem:s17+$0xFFFFFFE0];
	_ =	sdelay $0x4  }
0x178: {  	v58 =	vshll.u32 v3, $0x1  }
0x179: {  	v3 =	vand.u32 $0x7, v3;
	v4 =	vand.u32 $0xFFFFFFF0, v58  }
0x17a: {  	v3 =	vor.u32 v3, v4  }
0x17b: {  	v4 =	vperm.xlane v3, v0;
	_ =	sdelay $0x1  }
0x17c: {  	v3 =	vperm.xlane v3, v2;
	v4 =	vadd.s32 v1, v4;
	_ =	sdelay $0x1  }
0x17d: {  	v3 =	vadd.s32 v1, v3;
	_ =	sdelay $0x2  }
0x17e: {  	[tilespmem:s29], [sflag:$0x1] =	stream.indirect_vreg.gather [hbm4b:s2+s4], $0x80, v4, vm0, $0xb8;
	[tilespmem:$0x16400] =	vst v63  }
0x17f: {  	_ = 	snop  }
0x180: {  	[tilespmem:s30], [sflag:$0x1] =	stream.indirect_vreg.gather [hbm4b:s2+s4], $0x80, v3, vm0, $0xb8;
	[tilespmem:$0x16400] =	vst v63  }
0x181: {  	v3 =	vld [tilespmem:s17+$0xFFFFFFF0];
	_ =	sdelay $0x4  }
0x182: {  	v59 =	vshll.u32 v3, $0x1  }
0x183: {  	v3 =	vand.u32 $0x7, v3;
	v4 =	vand.u32 $0xFFFFFFF0, v59  }
0x184: {  	v3 =	vor.u32 v3, v4  }
0x185: {  	v4 =	vperm.xlane v3, v0;
	_ =	sdelay $0x1  }
0x186: {  	v3 =	vperm.xlane v3, v2;
	v4 =	vadd.s32 v1, v4;
	_ =	sdelay $0x1  }
0x187: {  	v3 =	vadd.s32 v1, v3;
	_ =	sdelay $0x2  }
0x188: {  	[tilespmem:s31], [sflag:$0x1] =	stream.indirect_vreg.gather [hbm4b:s2+s4], $0x80, v4, vm0, $0xb8;
	[tilespmem:$0x16400] =	vst v63  }
0x189: {  	_ = 	snop  }
0x18a: {  	[tilespmem:s0], [sflag:$0x1] =	stream.indirect_vreg.gather [hbm4b:s2+s4], $0x80, v3, vm0, $0xb8;
	[tilespmem:$0x16400] =	vst v63  }
0x18b: {  	v3 =	vld [tilespmem:s17+$0x0];
	_ =	sdelay $0x4  }
0x18c: {  	v60 =	vshll.u32 v3, $0x1  }
0x18d: {  	v3 =	vand.u32 $0x7, v3;
	v4 =	vand.u32 $0xFFFFFFF0, v60  }
0x18e: {  	v3 =	vor.u32 v3, v4  }
0x18f: {  	v4 =	vperm.xlane v3, v0;
	_ =	sdelay $0x1  }
0x190: {  	v3 =	vperm.xlane v3, v2;
	v4 =	vadd.s32 v1, v4;
	_ =	sdelay $0x1  }
0x191: {  	v3 =	vadd.s32 v1, v3;
	_ =	sdelay $0x2  }
0x192: {  	[tilespmem:s3], [sflag:$0x1] =	stream.indirect_vreg.gather [hbm4b:s2+s4], $0x80, v4, vm0, $0xb8;
	[tilespmem:$0x16400] =	vst v63  }
0x193: {  	_ = 	snop  }
0x194: {  	[tilespmem:s18], [sflag:$0x1] =	stream.indirect_vreg.gather [hbm4b:s2+s4], $0x80, v3, vm0, $0xb8;
	[tilespmem:$0x16400] =	vst v63  }
0x195: {  	v3 =	vld [tilespmem:s17+$0x10];
	_ =	sdelay $0x4  }
0x196: {  	v61 =	vshll.u32 v3, $0x1  }
0x197: {  	v3 =	vand.u32 $0x7, v3;
	v4 =	vand.u32 $0xFFFFFFF0, v61  }
0x198: {  	v3 =	vor.u32 v3, v4  }
0x199: {  	v4 =	vperm.xlane v3, v0;
	_ =	sdelay $0x1  }
0x19a: {  	v3 =	vperm.xlane v3, v2;
	v4 =	vadd.s32 v1, v4;
	_ =	sdelay $0x1  }
0x19b: {  	v3 =	vadd.s32 v1, v3;
	_ =	sdelay $0x2  }
0x19c: {  	[tilespmem:s21], [sflag:$0x1] =	stream.indirect_vreg.gather [hbm4b:s2+s4], $0x80, v4, vm0, $0xb8;
	[tilespmem:$0x16400] =	vst v63  }
0x19d: {  	_ = 	snop  }
0x19e: {  	[tilespmem:s22], [sflag:$0x1] =	stream.indirect_vreg.gather [hbm4b:s2+s4], $0x80, v3, vm0, $0xb8;
	[tilespmem:$0x16400] =	vst v63  }
0x19f: {  	v3 =	vld [tilespmem:s17+$0x20];
	_ =	sdelay $0x4  }
0x1a0: {  	v62 =	vshll.u32 v3, $0x1  }
0x1a1: {  	v3 =	vand.u32 $0x7, v3;
	v4 =	vand.u32 $0xFFFFFFF0, v62  }
0x1a2: {  	v3 =	vor.u32 v3, v4  }
0x1a3: {  	v4 =	vperm.xlane v3, v0;
	_ =	sdelay $0x1  }
0x1a4: {  	v3 =	vperm.xlane v3, v2;
	v4 =	vadd.s32 v1, v4;
	_ =	sdelay $0x1  }
0x1a5: {  	v3 =	vadd.s32 v1, v3;
	_ =	sdelay $0x2  }
0x1a6: {  	[tilespmem:s23], [sflag:$0x1] =	stream.indirect_vreg.gather [hbm4b:s2+s4], $0x80, v4, vm0, $0xb8;
	[tilespmem:$0x16400] =	vst v63  }
0x1a7: {  	_ = 	snop  }
0x1a8: {  	[tilespmem:s6], [sflag:$0x1] =	stream.indirect_vreg.gather [hbm4b:s2+s4], $0x80, v3, vm0, $0xb8;
	[tilespmem:$0x16400] =	vst v63  }
0x1a9: {  	v3 =	vld [tilespmem:s17+$0x30];
	_ =	sdelay $0x4  }
0x1aa: {  	v63 =	vshll.u32 v3, $0x1  }
0x1ab: {  	v3 =	vand.u32 $0x7, v3;
	v4 =	vand.u32 $0xFFFFFFF0, v63  }
0x1ac: {  	v3 =	vor.u32 v3, v4  }
0x1ad: {  	v4 =	vperm.xlane v3, v0;
	_ =	sdelay $0x1  }
0x1ae: {  	v3 =	vperm.xlane v3, v2;
	v4 =	vadd.s32 v1, v4;
	_ =	sdelay $0x1  }
0x1af: {  	v3 =	vadd.s32 v1, v3;
	_ =	sdelay $0x2  }
0x1b0: {  	[tilespmem:s7], [sflag:$0x1] =	stream.indirect_vreg.gather [hbm4b:s2+s4], $0x80, v4, vm0, $0xb8;
	[tilespmem:$0x16400] =	vst v63  }
0x1b1: {  	_ = 	snop  }
0x1b2: {  	[tilespmem:s8], [sflag:$0x1] =	stream.indirect_vreg.gather [hbm4b:s2+s4], $0x80, v3, vm0, $0xb8;
	[tilespmem:$0x16400] =	vst v63  }
0x1b3: {  	_ =	swait.ge [sflag:s20], $0x8000  }
0x1b4: {  	p0 =	sne.s32 s5, $0x3000;
	[sflag:s20] =	ssyncset.done $0x0  }
.Ltmp2:
0x1b5: {  	s10 =	sadd.s32 s5, s12;
	[sflag:s20] =	ssyncadd.s32 $0xFFFF8000;
	(pc) =	sbr.rel @p0 .LBB2_6-.Ltmp2, $4  }
0x1b6: {  	[hbm4b:s10+s4] =	stream.linear.scatter [tilespmem:s24], [sflag:$0x3], $0x8000, $0x38;
	[tilespmem:$0x16400] =	vst v63  }
0x1b7: {  	_ =	swait.ge [sflag:s16], $0x8000  }
0x1b8: {  	[sflag:s16] =	ssyncset.done $0x0  }
0x1b9: {  	s5 =	sadd.s32 $0x1000, s5;
	s17 =	sadd.s32 $0x80, s17;
	[sflag:s16] =	ssyncadd.s32 $0xFFFF8000  }
0x1ba: {  	s10 =	rddreg [dreg:$0x1f]  }
0x1bb: {  	s5 =	rddreg [dreg:$0x19];
	s10 =	sadd.s32 $0x1, s10  }
0x1bc: {  	p0 =	sne.s32 s10, s5  }
.Ltmp3:
0x1bd: {  	_ = 	snop;
	(pc) =	sbr.rel @p0 .LBB2_1-.Ltmp3, $1  }
0x1be: {  	_ =	sdelay $0x3  }
0x1bf: {  	_ =	sfence.sel $0x180000  }
0x1c0: {  	[bflag:$0x0] =	sbarrier.arrive $0xFFFF  }
0x1c1: {  	_ =	strace $0x90000047  }
0x1c2: {  	s0 =	stileid.u32;
	[bflag:$0x2] =	sbarrier.arrive $0xFFFF  }
0x1c3: {  	p0 =	sne.s32 s0, $0x0;
	s0 =	rddreg [dreg:$0x6]  }
0x1c4: {  	s0 =	sadd.s32 @!p0 $0x100000, s0  }
0x1c5: {  	[sflag:s0] =	ssyncadd.tile.s32 @!p0 $0x1;
	_ =	shalt  }
.Lfunc_end2:
_tile_overlayer_lowered:
.L_overlay_start_2:
0x1c6: {  	(tag) =	ssettag $0x2  }
0x1c7: {  	s0 =	rddreg [dreg:$0x0];
	s2 =	stileid.u32  }
0x1c8: {  	s1 =	rddreg [dreg:$0x1];
	p0 =	sne.s32 s2, $0x0  }
0x1c9: {  	s3 =	rddreg [dreg:$0x2];
	[bflag:$0x3] =	sbarrier.arrive $0xFFFF;
	s2 =	simm.s32 @!p0 $0x1C03  }
0x1ca: {  	[timem:s3], [sflag:s2] =	dma.local @!p0 [hbm:s0], s1  }
0x1cb: {  	s0 =	simm.s32 @!p0 $0x3  }
0x1cc: {  	_ =	swait.ge @!p0 [sflag:s0], s1  }
0x1cd: {  	s1 =	ssub.s32 @!p0 $0x0, s1;
	[sflag:s0] =	ssyncset.done @!p0 $0x0  }
0x1ce: {  	[sflag:s0] =	ssyncadd.s32 @!p0 s1  }
0x1cf: {  	[bflag:$0x3] =	sbarrier.arrive $0xFFFF  }
0x1d0: {  	_ =	shalt  }

// kernel: sparse-core-data-format-call.cloned.1.call-start
scs
called_computation_lowered:
.L_overlay_start_0:
0x0: {  	s2 =	sld [smem:$0x3FD9]  }
0x1: {  	s3 =	sld [smem:$0x3FFE];
	_ =	sdelay $0x1  }
0x2: {  	s1 =	srdreg.scid  }
0x3: {  	s0 =	sand.u32 $0x1, s1  }
0x4: {  	s15 =	sshll.u32 s0, $0xA;
	s2 =	sadd.s32 s3, s2  }
0x5: {  	s2 =	sadd.s32 s2, s15  }
0x6: {  	[smem:$0x3FB7] =	sst s2  }
0x7: {  	_ = 	snop  }
0x8: {  	s2 =	sld [smem:$0x3FD0];
	_ =	sdelay $0x2  }
0x9: {  	s16 =	simm.s32 $0xA;
	s4 =	simm.s32 $0x10  }
0xa: {  	[smem:s4], [sflag:s16] =	dma.local [hbm:s2], $0x1  }
0xb: {  	_ =	swait.eq [sflag:s16], $0x1  }
0xc: {  	[sflag:s16] =	ssyncset.done $0x0  }
0xd: {  	[sflag:s16] =	ssyncadd.s32 $0xFFFFFFFF  }
0xe: {  	s17 =	sld [smem:$0x10];
	(tm) =	ssettm $0x1  }
0xf: {  	s18 =	sld [smem:$0x3FFB];
	_ =	sdelay $0x3  }
0x10: {  	_ =	strace s18  }
0x11: {  	s3 =	sld [smem:$0x3FFC];
	_ =	sdelay $0x3  }
0x12: {  	_ =	strace s3  }
0x13: {  	s3 =	sld [smem:$0x3FFD];
	_ =	sdelay $0x3  }
0x14: {  	_ =	strace s3  }
0x15: {  	_ =	strace $0x8FFFFFFF  }
0x16: {  	s19 =	sld [smem:$0x3FDB];
	_ =	sdelay $0x1  }
0x17: {  	s20 =	simm.s32 $_scs_section_size  }
0x18: {  	s5 =	simm.s32 $_size__tile_overlayer_lowered;
	s6 =	simm.s32 $_tile_overlayer_lowered  }
0x19: {  	s23 =	simm.s32 $0x1BFF;
	s22 =	sshll.u32 s6, $0x1;
	s3 =	sadd.s32 s20, s19  }
0x1a: {  	s7 =	simm.s32 $0x0;
	s21 =	sshll.u32 s5, $0x1;
	s5 =	sadd.s32 s22, s3  }
0x1b: {  	[timem:s7], [sflag:s23] =	dma.local [hbm:s5], s21  }
0x1c: {  	_ =	swait.ge [sflag:s23], s21  }
0x1d: {  	s4 =	ssub.s32 $0x0, s21;
	[sflag:s23] =	ssyncset.done $0x0  }
0x1e: {  	[sflag:s23] =	ssyncadd.s32 s4;
	_ =	sdelay $0x1  }
0x1f: {  	s24 =	simm.s32 $0x1B8B  }
0x20: {  	_ =	swait.ge [sflag:s24], $0x1  }
0x21: {  	[sflag:s24] =	ssyncset.done $0x0  }
0x22: {  	s26 =	simm.s32 $0x1B8E;
	s25 =	sld [smem:$0x3FFE];
	[sflag:s24] =	ssyncadd.s32 $0xFFFFFFFF  }
0x23: {  	s27 =	simm.s32 $execute0_lowered;
	[smem:$0x3FD2] =	sst s26  }
0x24: {  	s5 =	sshll.u32 s27, $0x1;
	_ =	strace $0x80000049;
	[dreg:$0x1] =	wrdreg $0xFFFFFFFF  }
0x25: {  	s28 =	simm.s32 $_size_execute0_lowered;
	s3 =	sadd.s32 s3, s5;
	[dreg:$0x0] =	wrdreg $0x0  }
0x26: {  	s5 =	sshll.u32 s28, $0x1;
	[dreg:$0x2] =	wrdreg s3  }
0x27: {  	[dreg:$0x3] =	wrdreg s5  }
0x28: {  	[dreg:$0x4] =	wrdreg $0xC0  }
0x29: {  	_ =	task [dreg:s7], $0x5FFFF  }
0x2a: {  	[dreg:$0x1] =	wrdreg $0xFFFFFFFF  }
0x2b: {  	[dreg:$0x0] =	wrdreg $0x60  }
0x2c: {  	[dreg:$0x2] =	wrdreg s25  }
0x2d: {  	[dreg:$0x3] =	wrdreg s17  }
0x2e: {  	[dreg:$0x4] =	wrdreg $0x9  }
0x2f: {  	_ =	task.clear_ibuf [dreg:s7], $0x5FFFF;
	_ =	strace $0x90000049  }
0x30: {  	s29 =	simm.s32 $0x9;
	_ =	strace $0x8000004B  }
0x31: {  	_ =	swait.ge [sflag:s29], $0x1  }
0x32: {  	[sflag:s29] =	ssyncadd.s32 $0xFFFFFFFF  }
0x33: {  	_ =	strace $0x9000004B  }
0x34: {  	_ =	sfence  }
0x35: {  	s30 =	sld [smem:$0x0];
	_ =	sdelay $0x2  }
0x36: {  	s31 =	sshll.u32 s1, $0xD;
	s1 =	sshrl.u32 s1, $0x2  }
0x37: {  	s3 =	sand.u32 $0x4000, s31;
	s1 =	sadd.s32 s1, s30  }
0x38: {  	s0 =	sor.u32 s3, s0;
	s1 =	sshll.u32 s1, $0x11  }
0x39: {  	s0 =	sor.u32 s1, s0  }
0x3a: {  	s0 =	sadd.s32 $0x8F2B, s0  }
0x3b: {  	[sflag:s0] =	ssyncadd.remote.s32 $0x1  }
0x3c: {  	_ =	sfence.sel $0xFFFF  }
0x3d: {  	[dreg:$0x0] =	wrdreg $0xFFFFFFFF;
	(pc) =	sbr.abs _section_cstart, $3  }
0x3e: {  	[dreg:$0x1] =	wrdreg $0xFFFFFFFF  }
0x3f: {  	_ =	task.clear_ibuf [dreg:s7], $0x2FFFF;
	_ =	strace $0x9FFFFFFF  }
0x40: {  	(tm) =	ssettm $0x7FFFFFFF  }
0x41: {  	_ =	shalt  }
tec
execute0_lowered:
.L_overlay_start_1:
0x0: {  	(tag) =	ssettag $0x1  }
0x1: {  	s0 =	srdreg.scid  }
0x2: {  	s1 =	sshll.u32 s0, $0x4  }
0x3: {  	s6 =	rddreg [dreg:$0x0];
	s0 =	stileid.u32;
	s1 =	sand.u32 $0x10, s1  }
0x4: {  	s3 =	rddreg [dreg:$0x1];
	s1 =	sor.u32 s0, s1  }
0x5: {  	s5 =	simm.s32 $0x1;
	s31 =	simm.s32 $0x2;
	s2 =	sshll.u32 s1, $0x7  }
0x6: {  	s15 =	simm.s32 $0x0;
	s8 =	simm.s32 $0x20000;
	s4 =	ssub.s32 $0x4000, s2  }
0x7: {  	s14 =	simm.s32 $0x0;
	s9 =	simm.s32 $0x0;
	s30 =	sand.u32 $0xF80, s4  }
0x8: {  	s10 =	simm.s32 $0x0;
	s11 =	simm.s32 $0x0;
	p0 =	sne.s32 s30, $0x0  }
.Ltmp0:
0x9: {  	s7 =	sshrl.u32 s4, $0xC;
	s5 =	simm.s32 @!p0 $0x0;
	(pc) =	sbr.rel .LBB1_1-.Ltmp0, $4  }
0xa: {  	s13 =	simm.s32 $0x0;
	s1 =	rddreg [dreg:$0x2];
	s5 =	sadd.s32 s5, s7  }
0xb: {  	_ =	strace $0x8000004A;
	s4 =	simm.s32 $0x1;
	s5 =	smul.u32 $0x7, s5  }
0xc: {  	s6 =	sadd.s32 $0x142800, s6;
	s12 =	smov.u32 s2;
	[sflag:s4] =	ssyncpa.u1 $0x0  }
0xd: {  	[sflag:s31] =	ssyncpa.u1 $0x0;
	p0 =	por $0x0, $0x0;
	s7 =	sadd.s32 $0x1, s5  }
.LBB1_4:
0xe: {  	s20 =	sshra.s32 s20, $0x2  }
0xf: {  	s28 =	sand.u32 $0x78, s10;
	s21 =	sshll.u32 s9, $0xE;
	s22 =	sshll.u32 s10, $0x3  }
0x10: {  	s24 =	sshll.u32 s9, $0x7;
	p1 =	sgt.s32 s9, $0x298;
	s30 =	sshra.s32 s9, $0x1F  }
0x11: {  	s26 =	sshra.s32 s10, $0x1F;
	s19 =	sadd.s32 s20, s19;
	s21 =	sand.u32 $0xFFFE0000, s21  }
0x12: {  	v5 =	vld [tilespmem:s17+$0xFFFFFFD0];
	[tilespmem:s18+$0x2040 ss:$0x81] =	vst.msk $0xffff, v4;
	s23 =	sand.u32 $0xFFFFFC00, s22;
	s29 =	sand.u32 $0x380, s24;
	s22 =	sand.u32 $0x3C00, s22  }
0x13: {  	v58 =	vld [tilespmem:s17+$0xFFFFFFE0];
	[tilespmem:s18+$0x2850 ss:$0x81] =	vst.msk $0xffff, v3;
	s21 =	sadd.s32 s23, s21;
	s20 =	sor.u32 s28, s22;
	s22 =	smov.u32 s9  }
0x14: {  	v59 =	vld [tilespmem:s17+$0xFFFFFFF0];
	[tilespmem:s18+$0x3060 ss:$0x81] =	vst.msk $0xffff, v2;
	s24 =	sand.u32 s30, s9;
	s21 =	sshrl.u32 s21, $0xE;
	s22 =	simm.s32 @!p1 $0x298  }
0x15: {  	v60 =	vld [tilespmem:s17+$0x0];
	[tilespmem:s18+$0x0 ss:$0x81] =	vst.msk $0xffff, v1;
	p1 =	sgt.s32 s10, $0x3F80;
	s31 =	ssub.s32 s22, s24;
	s22 =	smov.u32 s10  }
0x16: {  	v61 =	vld [tilespmem:s17+$0x10];
	[tilespmem:s19+$0x3870 ss:$0x81] =	vst.msk $0xffff, v0;
	s25 =	smulhi.u32 $0x52BF5B, s21;
	s24 =	sand.u32 s26, s10;
	s22 =	simm.s32 @!p1 $0x3F80  }
0x17: {  	v62 =	vld [tilespmem:s17+$0x20];
	s20 =	sor.u32 s29, s20;
	[tilespmem:s19+$0x810 ss:$0x81] =	vst.msk $0xffff, v5;
	s27 =	sadd.s32 $0xFFFFFD68, s31;
	s22 =	ssub.s32 s22, s24  }
0x18: {  	v63 =	vld [tilespmem:s17+$0xFFFFFFC0];
	[tilespmem:s19+$0x1020 ss:$0x81] =	vst.msk $0xffff, v58;
	s18 =	ssub.s32 $0x318, s31;
	s28 =	smul.u32 $0x318, s25;
	s29 =	sadd.s32 $0xFFFFC080, s22  }
0x19: {  	[tilespmem:s19+$0x1830 ss:$0x81] =	vst.msk $0xffff, v59;
	p1 =	sgt.s32 s27, $0x7F;
	s22 =	ssub.s32 $0x4000, s22;
	p2 =	sgt.s32 s29, $0x7F  }
0x1a: {  	s30 =	sand.u32 $0x7, s10;
	[tilespmem:s19+$0x2040 ss:$0x81] =	vst.msk $0xffff, v60;
	s18 =	simm.s32 @p1 $0x0;
	s22 =	simm.s32 @p2 $0x0  }
0x1b: {  	s20 =	sshrl.u32 s20, $0x3;
	[tilespmem:s19+$0x2850 ss:$0x81] =	vst.msk $0xffff, v61;
	s17 =	ssub.s32 s21, s28;
	s18 =	smul.u32 s22, s18  }
0x1c: {  	[tilespmem:s19+$0x3060 ss:$0x81] =	vst.msk $0xffff, v62;
	s20 =	sadd.s32 s3, s20;
	s21 =	sshll.u32 s30, $0x12;
	s17 =	sshll.u32 s17, $0xB  }
0x1d: {  	[tilespmem:s19+$0x0 ss:$0x81] =	vst.msk $0xffff, v63;
	s31 =	sor.u32 $0x400, s21;
	s17 =	sadd.s32 s17, s20;
	s18 =	sand.u32 $0x3FFFFFFF, s18  }
0x1e: {  	[hbm4b:s17+s31] =	stream.strided.scatter [tilespmem:s16], [sflag:$0x2], s18, s8, s31, $0x20;
	[tilespmem:$0x10100] =	vst v63  }
.LBB1_5:
0x1f: {  	p1 =	slt.u32 s13, $0x2  }
0x20: {  	s17 =	smov.u32 s15;
	p2 =	sgt.s32 @!p1 s15, $0x298;
	s16 =	sshra.s32 @!p1 s15, $0x1F  }
0x21: {  	p3 =	sgt.s32 @!p1 s14, $0x3F80;
	s18 =	sshra.s32 @!p1 s14, $0x1F;
	p2 =	por !p2, p1  }
0x22: {  	s15 =	sand.u32 @!p1 s16, s15;
	p3 =	por !p3, p1;
	s16 =	smov.u32 s14  }
0x23: {  	s14 =	sand.u32 @!p1 s18, s14;
	s17 =	simm.s32 @p2 $0x298;
	s16 =	simm.s32 @p3 $0x3F80  }
0x24: {  	s15 =	ssub.s32 @!p1 s17, s15;
	s14 =	ssub.s32 @!p1 s16, s14  }
0x25: {  	s18 =	smov.u32 s12;
	s16 =	sadd.s32 @!p1 $0xFFFFFD68, s15;
	s17 =	sadd.s32 @!p1 $0xFFFFC080, s14  }
0x26: {  	s15 =	ssub.s32 @!p1 $0x318, s15;
	p2 =	sgt.s32 @!p1 s16, $0x7F;
	p3 =	sgt.s32 @!p1 s17, $0x7F  }
0x27: {  	s14 =	ssub.s32 @!p1 $0x4000, s14;
	p2 =	por !p2, p1;
	p3 =	por !p3, p1  }
0x28: {  	s16 =	sadd.s32 $0x80, s11;
	s15 =	simm.s32 @!p2 $0x0;
	s14 =	simm.s32 @!p3 $0x0  }
0x29: {  	p2 =	sgt.s32 s16, $0x313;
	s14 =	smul.u32 @!p1 s14, s15;
	s15 =	sadd.s32 $0x1000, s12  }
0x2a: {  	s18 =	smov.u32 @p2 s15  }
0x2b: {  	s16 =	simm.s32 @p2 $0x0;
	p2 =	sgt.s32 s18, $0x3FFF  }
0x2c: {  	s18 =	smov.u32 @p2 s2;
	p2 =	sne.s32 s13, s7  }
.Ltmp1:
0x2d: {  	p0 =	por !p0, !p0;
	s17 =	simm.s32 @!p1 $0x2;
	(pc) =	sbr.rel @!p2 .LBB1_6-.Ltmp1, $4  }
0x2e: {  	s15 =	smov.u32 s9;
	s9 =	smov.u32 s11;
	s14 =	sand.u32 @!p1 $0x3FFFFFFF, s14  }
0x2f: {  	s11 =	smov.u32 s16;
	_ =	swait.ge @!p1 [sflag:s17], s14;
	s19 =	ssub.s32 @!p1 $0x0, s14  }
0x30: {  	s14 =	smov.u32 s10;
	s13 =	sadd.s32 $0x1, s13;
	[sflag:s17] =	ssyncset.done @!p1 $0x0  }
0x31: {  	s10 =	smov.u32 s12;
	s12 =	smov.u32 s18;
	[sflag:s17] =	ssyncadd.s32 @!p1 s19  }
.LBB1_1:
0x32: {  	p1 =	sge.u32 s13, s5  }
0x33: {  	s16 =	sshrl.u32 @!p1 s12, $0x3  }
0x34: {  	s17 =	sshll.u32 @!p1 s11, $0x3;
	s16 =	smul.u32 @!p1 $0x1C00, s16  }
0x35: {  	s18 =	sshll.u32 @!p1 s12, $0x7;
	s17 =	sand.u32 @!p1 $0xFFFFFC00, s17  }
0x36: {  	s16 =	sadd.s32 @!p1 s16, s17;
	s17 =	sand.u32 @!p1 $0x380, s18  }
0x37: {  	s16 =	sor.u32 @!p1 s17, s16  }
0x38: {  	s17 =	sshrl.u32 @!p1 s16, $0x7  }
0x39: {  	s17 =	smulhi.u32 @!p1 $0x24924925, s17;
	_ =	sdelay $0x1  }
0x3a: {  	s18 =	sand.u32 @!p1 $0x7F, s11;
	s19 =	smul.u32 @!p1 $0x380, s17  }
0x3b: {  	s31 =	sadd.s32 $0xFFFFFFFF, s13;
	s16 =	sor.u32 @!p1 s18, s16;
	s18 =	sxor.u32 @!p1 $0xFFFFFFFF, s13  }
0x3c: {  	s18 =	sshll.u32 @!p1 s18, $0xE;
	s17 =	sand.u32 @!p1 $0x3FFF, s17;
	s16 =	ssub.s32 @!p1 s16, s19  }
0x3d: {  	s17 =	smul.u32 @!p1 $0x70, s17;
	s19 =	sshrl.u32 @!p1 s16, $0x3;
	s16 =	sand.u32 @!p1 $0x7, s16  }
0x3e: {  	s18 =	sand.u32 @!p1 $0x4000, s18;
	s19 =	sadd.s32 @!p1 s6, s19;
	s16 =	sshll.u32 @!p1 s16, $0x12  }
0x3f: {  	s17 =	sadd.s32 @!p1 s17, s19;
	s16 =	sor.u32 @!p1 $0x400, s16;
	s19 =	simm.s32 @!p1 $0x1C00  }
0x40: {  	[tilespmem:s18], [sflag:$0x1] =	stream.strided.gather @!p1 [hbm4b:s17+s16], $0x4000, s19, s16, $0x38;
	[tilespmem:$0x10100] =	vst v63  }
0x41: {  	p1 =	sge.u32 s31, s5  }
.Ltmp2:
0x42: {  	_ = 	snop;
	(pc) =	sbr.rel @p1 .LBB1_5-.Ltmp2, $1  }
0x43: {  	_ =	sdelay $0x3  }
0x44: {  	s16 =	simm.s32 $0x1  }
0x45: {  	_ =	swait.ge [sflag:s4], $0x4000;
	s16 =	simm.s32 @!p0 $0x0  }
0x46: {  	[sflag:s4] =	ssyncset.done $0x0;
	s17 =	sshll.u32 s16, $0xE  }
0x47: {  	[sflag:s4] =	ssyncadd.s32 $0xFFFFC000;
	s17 =	sor.u32 $0x40, s17  }
0x48: {  	s16 =	smul.u32 $0x10200, s16;
	v0 =	vld [tilespmem:s17+$0x30]  }
0x49: {  	v1 =	vld [tilespmem:s17+$0xFFFFFFD0]  }
0x4a: {  	s16 =	sshrl.u32 s16, $0x2;
	v5 =	vld [tilespmem:s17+$0xFFFFFFE0]  }
0x4b: {  	v6 =	vld [tilespmem:s17+$0xFFFFFFF0];
	s19 =	sor.u32 $0x8000, s16  }
0x4c: {  	s31 =	sand.u32 $0x1, s13;
	v4 =	vld [tilespmem:s17+$0x0];
	s18 =	sadd.s32 $0x0, s19  }
0x4d: {  	v3 =	vld [tilespmem:s17+$0x10];
	s16 =	smul.u32 $0x10200, s31;
	[tilespmem:s18+$0x3870 ss:$0x81] =	vst.msk $0xffff, v0  }
0x4e: {  	v2 =	vld [tilespmem:s17+$0x20];
	[tilespmem:s18+$0x810 ss:$0x81] =	vst.msk $0xffff, v1  }
0x4f: {  	s16 =	sshrl.u32 s16, $0x2;
	v1 =	vld [tilespmem:s17+$0xFFFFFFC0];
	[tilespmem:s18+$0x1020 ss:$0x81] =	vst.msk $0xffff, v5;
	s17 =	sadd.s32 $0x80, s17  }
0x50: {  	s20 =	simm.s32 $0x4;
	s21 =	simm.s32 $0x8;
	s16 =	sor.u32 $0x8000, s16;
	[tilespmem:s18+$0x1830 ss:$0x81] =	vst.msk $0xffff, v6;
	v0 =	vld [tilespmem:s17+$0x30]  }
.LBB1_3:
0x51: {  	p1 =	sne.s32 s21, $0x1FC;
	v5 =	vld [tilespmem:s17+$0xFFFFFFD0];
	[tilespmem:s18+$0x2040 ss:$0x81] =	vst.msk $0xffff, v4  }
0x52: {  	v6 =	vld [tilespmem:s17+$0xFFFFFFE0];
	[tilespmem:s18+$0x2850 ss:$0x81] =	vst.msk $0xffff, v3  }
0x53: {  	s22 =	sshra.s32 s20, $0x2;
	s20 =	smov.u32 s21;
	v7 =	vld [tilespmem:s17+$0xFFFFFFF0];
	[tilespmem:s18+$0x3060 ss:$0x81] =	vst.msk $0xffff, v2  }
.Ltmp3:
0x54: {  	v4 =	vld [tilespmem:s17+$0x0];
	[tilespmem:s18+$0x0 ss:$0x81] =	vst.msk $0xffff, v1;
	s18 =	sadd.s32 s22, s19;
	(pc) =	sbr.rel @p1 .LBB1_3-.Ltmp3, $4  }
0x55: {  	v3 =	vld [tilespmem:s17+$0x10];
	[tilespmem:s18+$0x3870 ss:$0x81] =	vst.msk $0xffff, v0  }
0x56: {  	[tilespmem:s18+$0x810 ss:$0x81] =	vst.msk $0xffff, v5;
	v2 =	vld [tilespmem:s17+$0x20]  }
0x57: {  	v1 =	vld [tilespmem:s17+$0xFFFFFFC0];
	[tilespmem:s18+$0x1020 ss:$0x81] =	vst.msk $0xffff, v6;
	s17 =	sadd.s32 $0x80, s17  }
0x58: {  	s21 =	sadd.s32 $0x4, s21;
	v0 =	vld [tilespmem:s17+$0x30];
	[tilespmem:s18+$0x1830 ss:$0x81] =	vst.msk $0xffff, v7  }
.Ltmp4:
0x59: {  	_ = 	snop;
	(pc) =	sbr.rel .LBB1_4-.Ltmp4, $1  }
0x5a: {  	_ =	sdelay $0x3  }
.LBB1_6:
0x5b: {  	_ =	sfence.sel $0x180000  }
0x5c: {  	s2 =	simm.s32 $0x1;
	[bflag:$0x0] =	sbarrier.arrive $0xFFFF  }
0x5d: {  	s31 =	simm.s32 $0x2;
	[sflag:s2] =	ssyncpa.u1 $0x1  }
0x5e: {  	[sflag:s31] =	ssyncpa.u1 $0x1  }
0x5f: {  	p0 =	sne.s32 s0, $0x0;
	_ =	strace $0x9000004A  }
0x60: {  	s0 =	sadd.s32 @!p0 $0x100000, s1;
	[bflag:$0x2] =	sbarrier.arrive $0xFFFF  }
0x61: {  	[sflag:s0] =	ssyncadd.tile.s32 @!p0 $0x1;
	_ =	shalt  }
.Lfunc_end1:
_tile_overlayer_lowered:
.L_overlay_start_2:
0x62: {  	(tag) =	ssettag $0x2  }
0x63: {  	s0 =	rddreg [dreg:$0x0];
	s2 =	stileid.u32  }
0x64: {  	s1 =	rddreg [dreg:$0x1];
	p0 =	sne.s32 s2, $0x0  }
0x65: {  	s3 =	rddreg [dreg:$0x2];
	[bflag:$0x3] =	sbarrier.arrive $0xFFFF;
	s2 =	simm.s32 @!p0 $0x1C01  }
0x66: {  	[timem:s3], [sflag:s2] =	dma.local @!p0 [hbm:s0], s1  }
0x67: {  	s0 =	simm.s32 @!p0 $0x1  }
0x68: {  	_ =	swait.ge @!p0 [sflag:s0], s1  }
0x69: {  	s1 =	ssub.s32 @!p0 $0x0, s1;
	[sflag:s0] =	ssyncset.done @!p0 $0x0  }
0x6a: {  	[sflag:s0] =	ssyncadd.s32 @!p0 s1  }
0x6b: {  	[bflag:$0x3] =	sbarrier.arrive $0xFFFF  }
0x6c: {  	_ =	shalt  }

</sc_bundles>
